<compile_context>
chip_gen: v7x
topology: tpu7x:2x2x1
jax: 0.10.2.dev20260603
libtpu: 0.0.44.dev20260713+nightly
codegen_flags: <defaults>
</compile_context>

<pallas_src>
import math

import jax
import jax.numpy as jnp
from jax import lax
from jax.experimental import pallas as pl
from jax.experimental.pallas import tpu as pltpu
from jax.experimental.pallas import tpu_sc as plsc

D_MODEL = 128
PATCH_LEN = 32
STRIDE = 16
KEEP = 96
DPOS = 32
_SIN_PI = math.sin(math.pi)
_COS_PI = math.cos(math.pi)

NC, NS, L = 2, 16, 16
B, S, V = 16, 4096, 12
NP = (S - PATCH_LEN) // STRIDE + 1
PPT = 8
NSTAGE = 256
XSP = 272
NDC = KEEP // L


def _sc_body(xp_hbm, w_hbm, b96_hbm, aux_hbm, comb_hbm,
             xbuf, xm, wbuf, b96buf, auxbuf, olocal, dsem):
    cid = lax.axis_index("c")
    sid = lax.axis_index("s")
    t = sid * NC + cid

    s0 = pl.multiple_of(jnp.minimum(t * PPT * STRIDE, S - NSTAGE), 128)
    cps = [pltpu.async_copy(xp_hbm.at[:, :, pl.ds(s0, NSTAGE)], xbuf, dsem),
           pltpu.async_copy(w_hbm, wbuf, dsem),
           pltpu.async_copy(b96_hbm, b96buf, dsem),
           pltpu.async_copy(aux_hbm, auxbuf, dsem)]
    for cp in cps:
        cp.wait()

    glo = jnp.where(t == NC * NS - 1, 8 * L, 0)

    def mean_body(bi, carry):
        for k in range(9):
            go = jnp.minimum(glo + k * L, NSTAGE - L)
            acc = xbuf[0, bi, pl.ds(go, L)]
            for v in range(1, V):
                acc = acc + xbuf[v, bi, pl.ds(go, L)]
            xm[pl.ds(bi * XSP + go, L)] = acc * (1.0 / V)
        return carry

    lax.fori_loop(0, B, mean_body, 0)

    pe0 = (auxbuf[pl.ds(0, L)] * _SIN_PI + auxbuf[pl.ds(DPOS, L)] * _COS_PI
           + auxbuf[pl.ds(2 * DPOS, L)])
    pe1 = (auxbuf[pl.ds(L, L)] * _SIN_PI + auxbuf[pl.ds(DPOS + L, L)] * _COS_PI
           + auxbuf[pl.ds(2 * DPOS + L, L)])
    bvec = [b96buf[pl.ds(j * L, L)] for j in range(NDC)]

    patch0 = t * PPT

    def pair_body(q, carry):
        pi = q >> 3
        bi = q & 7
        base_a = (patch0 + pi) * STRIDE - s0 + bi * XSP
        sa = jnp.full((L,), base_a, jnp.int32)
        sb = sa + 8 * XSP
        acc_a = list(bvec)
        acc_b = list(bvec)
        for l in range(PATCH_LEN):
            xsa = plsc.load_gather(xm, [sa + l])
            xsb = plsc.load_gather(xm, [sb + l])
            for j in range(NDC):
                wv = wbuf[pl.ds(l * KEEP + j * L, L)]
                acc_a[j] = acc_a[j] + xsa * wv
                acc_b[j] = acc_b[j] + xsb * wv
        for j in range(NDC):
            olocal[pi, bi, pl.ds(j * L, L)] = acc_a[j]
            olocal[pi, bi + 8, pl.ds(j * L, L)] = acc_b[j]
        olocal[pi, bi, pl.ds(KEEP, L)] = pe0
        olocal[pi, bi, pl.ds(KEEP + L, L)] = pe1
        olocal[pi, bi + 8, pl.ds(KEEP, L)] = pe0
        olocal[pi, bi + 8, pl.ds(KEEP + L, L)] = pe1
        return carry

    lax.fori_loop(0, PPT * 8, pair_body, 0)

    @pl.when(t < NS * NC - 1)
    def _():
        pltpu.sync_copy(olocal, comb_hbm.at[pl.ds(patch0, PPT), :, :])

    @pl.when(t == NS * NC - 1)
    def _():
        pltpu.sync_copy(olocal.at[pl.ds(0, PPT - 1), :, :],
                        comb_hbm.at[pl.ds(patch0, PPT - 1), :, :])


def _make_sc_kernel():
    mesh = plsc.VectorSubcoreMesh(core_axis_name="c", subcore_axis_name="s",
                                  num_cores=NC, num_subcores=NS)
    return pl.kernel(
        _sc_body,
        out_type=jax.ShapeDtypeStruct((NP, B, D_MODEL), jnp.float32),
        mesh=mesh,
        compiler_params=pltpu.CompilerParams(use_tc_tiling_on_sc=True,
                                             needs_layout_passes=False),
        scratch_types=[
            pltpu.VMEM((V, B, NSTAGE), jnp.float32),
            pltpu.VMEM((B * XSP,), jnp.float32),
            pltpu.VMEM((PATCH_LEN * KEEP,), jnp.float32),
            pltpu.VMEM((KEEP,), jnp.float32),
            pltpu.VMEM((3 * DPOS,), jnp.float32),
            pltpu.VMEM((PPT, B, D_MODEL), jnp.float32),
            pltpu.SemaphoreType.DMA,
        ],
    )


def kernel(x, W, b, W2, b2):
    xp = jnp.transpose(x, (2, 0, 1))
    wT = W[:KEEP].T.reshape(PATCH_LEN * KEEP)
    b96 = b[:KEEP]
    aux = jnp.concatenate([W2[:, 0], W2[:, 1], b2])
    comb2 = _make_sc_kernel()(xp, wT, b96, aux)
    comb = jnp.transpose(comb2, (1, 0, 2))
    centers = jnp.arange(NP, dtype=jnp.float32) * STRIDE + PATCH_LEN // 2
    positions = jnp.broadcast_to(centers, (B, NP))
    patch_lens = jnp.full((B, NP), float(PATCH_LEN), jnp.float32)
    return comb, positions, patch_lens

# --- scband reference (transcript-rebuilt; emitter-appended) ---
"""Pipeline reference for scband-rwave-centered-patch-embedding-44023414784128 (READ-ONLY COPY).

The authoritative reference and input builder live on the scoring server;
editing this copy changes nothing except your own understanding.
"""

import jax, jax.numpy as jnp
import numpy as np
import math

D_MODEL = 128
PATCH_LEN = 32
STRIDE = 16


def setup_inputs(seed: int = 0) -> dict:
    key = jax.random.key(seed)
    k1, k2, k3, k4, k5 = jax.random.split(key, 5)
    x = jax.random.normal(k1, (16, 4096, 12), dtype=jnp.float32)
    # value_embedding: Linear(patch_len -> d_model)
    lim1 = 1.0 / math.sqrt(PATCH_LEN)
    W = jax.random.uniform(k2, (D_MODEL, PATCH_LEN), dtype=jnp.float32, minval=-lim1, maxval=lim1)
    b = jax.random.uniform(k3, (D_MODEL,), dtype=jnp.float32, minval=-lim1, maxval=lim1)
    # position_embedding: Linear(2 -> d_model // 4)
    lim2 = 1.0 / math.sqrt(2.0)
    W2 = jax.random.uniform(k4, (D_MODEL // 4, 2), dtype=jnp.float32, minval=-lim2, maxval=lim2)
    b2 = jax.random.uniform(k5, (D_MODEL // 4,), dtype=jnp.float32, minval=-lim2, maxval=lim2)
    return {"x": x, "W": W, "b": b, "W2": W2, "b2": b2}


def reference(x, W, b, W2, b2):
    # Faithful translation of forward(x, r_peak_indices=None) with no r_peak_detector:
    # falls through to _standard_patch_embedding(x).
    d_model, patch_len = W.shape
    stride = STRIDE
    B, S, V = x.shape
    n_patches = max(1, (S - patch_len) // stride + 1)
    starts = jnp.arange(n_patches) * stride                       # [P]
    idx = starts[:, None] + jnp.arange(patch_len)[None, :]        # [P, L] gather indices
    patches = jnp.take(x, idx, axis=1)                            # [B, P, L, V] (gather)
    ch = jnp.swapaxes(patches, 2, 3)                              # [B, P, V, L] per-channel patches
    # value_embedding applied per channel, then mean over channels
    emb = jnp.einsum('bpvl,dl->bpvd', ch, W) + b                  # [B, P, V, D]
    patch_emb = emb.mean(axis=2)                                  # [B, P, D]
    # phase features are the constants [sin(pi), cos(pi)] for every patch
    phase = jnp.array([math.sin(math.pi), math.cos(math.pi)], dtype=jnp.float32)
    pos_emb = W2 @ phase + b2                                     # [D//4]
    keep = d_model - d_model // 4
    combined = jnp.concatenate(
        [patch_emb[..., :keep], jnp.broadcast_to(pos_emb, (B, n_patches, d_model // 4))],
        axis=-1,
    )                                                             # [B, P, D]
    centers = (starts + patch_len // 2).astype(jnp.float32)
    positions = jnp.broadcast_to(centers, (B, n_patches))
    patch_lens = jnp.full((B, n_patches), float(patch_len), dtype=jnp.float32)
    return combined, positions, patch_lens

if __name__ == "__main__":
    import jax
    _d = setup_inputs()
    print(jax.jit(kernel)(*tuple(_d.values())))

</pallas_src>

<mosaic_0001>
#map = affine_map<(d0, d1) -> (0, 0, 0)>
#map1 = affine_map<(d0, d1) -> (0)>
module attributes {stable_mosaic.version = 14 : i64} {
  func.func @_sc_body(%arg0: i32, %arg1: i32, %arg2: memref<12x16x4096xf32, #tpu.memory_space<hbm>>, %arg3: memref<3072xf32, #tpu.memory_space<hbm>>, %arg4: memref<96xf32, #tpu.memory_space<hbm>>, %arg5: memref<96xf32, #tpu.memory_space<hbm>>, %arg6: memref<255x16x128xf32, #tpu.memory_space<hbm>>, %arg7: memref<12x16x256xf32, #tpu.memory_space<vmem>>, %arg8: memref<4352xf32, #tpu.memory_space<vmem>>, %arg9: memref<3072xf32, #tpu.memory_space<vmem>>, %arg10: memref<96xf32, #tpu.memory_space<vmem>>, %arg11: memref<96xf32, #tpu.memory_space<vmem>>, %arg12: memref<8x16x128xf32, #tpu.memory_space<vmem>>, %arg13: memref<!tpu.dma_semaphore, #tpu.memory_space<semaphore_mem>>) attributes {dimension_semantics = [#tpu.dimension_semantics<core_parallel>, #tpu.dimension_semantics<subcore_parallel>], iteration_bounds = array<i64: 2, 16>, scalar_prefetch = 0 : i64, scratch_operands = 7 : i64, tpu.core_type = #tpu.core_type<sc_vector_subcore>, window_params = [{transform_indices = #map}, {transform_indices = #map1}, {transform_indices = #map1}, {transform_indices = #map1}, {transform_indices = #map}]} {
    %mul3A = arith.constant 2 : i32
    %mul3A_0 = arith.muli %arg1, %mul3A : i32
    %add3A = arith.addi %mul3A_0, %arg0 : i32
    %mul3A_1 = arith.constant 8 : i32
    %mul3A_2 = arith.muli %add3A, %mul3A_1 : i32
    %mul3A_3 = arith.constant 16 : i32
    %mul3A_4 = arith.muli %mul3A_2, %mul3A_3 : i32
    %min3A = arith.constant 3840 : i32
    %min3A_5 = arith.minsi %mul3A_4, %min3A : i32
    %multiple_of3A = tpu.assume_multiple %min3A_5, 128 : i32
    %dma_start3A = arith.constant 0 : i32
    %dma_start3A_6 = arith.constant 0 : i32
    %dma_start3A_7 = tpu.memref_slice %arg2[%dma_start3A, %dma_start3A_6, %multiple_of3A] : memref<12x16x4096xf32, #tpu.memory_space<hbm>> -> memref<12x16x256xf32, #tpu.memory_space<hbm>>
    %dma_start3A_8 = arith.constant 0 : i32
    %dma_start3A_9 = arith.constant 0 : i32
    %dma_start3A_10 = tpu.memref_slice %arg2[%dma_start3A_8, %dma_start3A_9, %multiple_of3A] : memref<12x16x4096xf32, #tpu.memory_space<hbm>> -> memref<12x16x256xf32, #tpu.memory_space<hbm>>
    tpu.enqueue_dma source(%dma_start3A_10 : memref<12x16x256xf32, #tpu.memory_space<hbm>>) target(%arg7 : memref<12x16x256xf32, #tpu.memory_space<vmem>>) target_semaphore(%arg13 : memref<!tpu.dma_semaphore, #tpu.memory_space<semaphore_mem>>)
    tpu.enqueue_dma source(%arg3 : memref<3072xf32, #tpu.memory_space<hbm>>) target(%arg9 : memref<3072xf32, #tpu.memory_space<vmem>>) target_semaphore(%arg13 : memref<!tpu.dma_semaphore, #tpu.memory_space<semaphore_mem>>)
    tpu.enqueue_dma source(%arg4 : memref<96xf32, #tpu.memory_space<hbm>>) target(%arg10 : memref<96xf32, #tpu.memory_space<vmem>>) target_semaphore(%arg13 : memref<!tpu.dma_semaphore, #tpu.memory_space<semaphore_mem>>)
    tpu.enqueue_dma source(%arg5 : memref<96xf32, #tpu.memory_space<hbm>>) target(%arg11 : memref<96xf32, #tpu.memory_space<vmem>>) target_semaphore(%arg13 : memref<!tpu.dma_semaphore, #tpu.memory_space<semaphore_mem>>)
    %dma_wait3A = arith.constant 0 : i32
    %dma_wait3A_11 = arith.constant 0 : i32
    %dma_wait3A_12 = tpu.memref_slice %arg2[%dma_wait3A, %dma_wait3A_11, %multiple_of3A] : memref<12x16x4096xf32, #tpu.memory_space<hbm>> -> memref<12x16x256xf32, #tpu.memory_space<hbm>>
    %dma_wait3A_13 = arith.constant 0 : i32
    %dma_wait3A_14 = arith.constant 0 : i32
    %dma_wait3A_15 = tpu.memref_slice %arg2[%dma_wait3A_13, %dma_wait3A_14, %multiple_of3A] : memref<12x16x4096xf32, #tpu.memory_space<hbm>> -> memref<12x16x256xf32, #tpu.memory_space<hbm>>
    tpu.wait_dma2 semaphore(%arg13 : memref<!tpu.dma_semaphore, #tpu.memory_space<semaphore_mem>>) src(%dma_wait3A_15 : memref<12x16x256xf32, #tpu.memory_space<hbm>>) dst(%arg7 : memref<12x16x256xf32, #tpu.memory_space<vmem>>)
    tpu.wait_dma2 semaphore(%arg13 : memref<!tpu.dma_semaphore, #tpu.memory_space<semaphore_mem>>) src(%arg3 : memref<3072xf32, #tpu.memory_space<hbm>>) dst(%arg9 : memref<3072xf32, #tpu.memory_space<vmem>>)
    tpu.wait_dma2 semaphore(%arg13 : memref<!tpu.dma_semaphore, #tpu.memory_space<semaphore_mem>>) src(%arg4 : memref<96xf32, #tpu.memory_space<hbm>>) dst(%arg10 : memref<96xf32, #tpu.memory_space<vmem>>)
    tpu.wait_dma2 semaphore(%arg13 : memref<!tpu.dma_semaphore, #tpu.memory_space<semaphore_mem>>) src(%arg5 : memref<96xf32, #tpu.memory_space<hbm>>) dst(%arg11 : memref<96xf32, #tpu.memory_space<vmem>>)
    %eq3A = arith.constant 31 : i32
    %eq3A_16 = arith.cmpi eq, %add3A, %eq3A : i32
    %jit3A = arith.constant 128 : i32
    %jit3A_17 = arith.constant 0 : i32
    %select_n3A = arith.select %eq3A_16, %jit3A, %jit3A_17 : i32
    %scan3A = arith.constant 0 : i32
    %scan3A_18 = arith.constant 0 : i32
    %scan3A_19 = arith.constant 16 : i32
    %scan3A_20 = arith.addi %scan3A_18, %scan3A_19 : i32
    %scan3A_21 = arith.constant 1 : i32
    scf.for %scan3A_77 = %scan3A_18 to %scan3A_20 step %scan3A_21  : i32 {
      %add3A_78 = arith.constant 0 : i32
      %add3A_79 = arith.addi %select_n3A, %add3A_78 : i32
      %min3A_80 = arith.constant 240 : i32
      %min3A_81 = arith.minsi %add3A_79, %min3A_80 : i32
      %get3A_82 = arith.constant 0 : i32
      %get3A_83 = arith.index_cast %get3A_82 : i32 to index
      %get3A_84 = arith.index_cast %scan3A_77 : i32 to index
      %get3A_85 = arith.index_cast %min3A_81 : i32 to index
      %get3A_86 = tpu.vector_load %arg7[%get3A_83, %get3A_84, %get3A_85] {strides = array<i32>} : memref<12x16x256xf32, #tpu.memory_space<vmem>>, vector<16xf32>,
      %get3A_87 = arith.constant 1 : i32
      %get3A_88 = arith.index_cast %get3A_87 : i32 to index
      %get3A_89 = arith.index_cast %scan3A_77 : i32 to index
      %get3A_90 = arith.index_cast %min3A_81 : i32 to index
      %get3A_91 = tpu.vector_load %arg7[%get3A_88, %get3A_89, %get3A_90] {strides = array<i32>} : memref<12x16x256xf32, #tpu.memory_space<vmem>>, vector<16xf32>,
      %add3A_92 = arith.addf %get3A_86, %get3A_91 : vector<16xf32>
      %get3A_93 = arith.constant 2 : i32
      %get3A_94 = arith.index_cast %get3A_93 : i32 to index
      %get3A_95 = arith.index_cast %scan3A_77 : i32 to index
      %get3A_96 = arith.index_cast %min3A_81 : i32 to index
      %get3A_97 = tpu.vector_load %arg7[%get3A_94, %get3A_95, %get3A_96] {strides = array<i32>} : memref<12x16x256xf32, #tpu.memory_space<vmem>>, vector<16xf32>,
      %add3A_98 = arith.addf %add3A_92, %get3A_97 : vector<16xf32>
      %get3A_99 = arith.constant 3 : i32
      %get3A_100 = arith.index_cast %get3A_99 : i32 to index
      %get3A_101 = arith.index_cast %scan3A_77 : i32 to index
      %get3A_102 = arith.index_cast %min3A_81 : i32 to index
      %get3A_103 = tpu.vector_load %arg7[%get3A_100, %get3A_101, %get3A_102] {strides = array<i32>} : memref<12x16x256xf32, #tpu.memory_space<vmem>>, vector<16xf32>,
      %add3A_104 = arith.addf %add3A_98, %get3A_103 : vector<16xf32>
      %get3A_105 = arith.constant 4 : i32
      %get3A_106 = arith.index_cast %get3A_105 : i32 to index
      %get3A_107 = arith.index_cast %scan3A_77 : i32 to index
      %get3A_108 = arith.index_cast %min3A_81 : i32 to index
      %get3A_109 = tpu.vector_load %arg7[%get3A_106, %get3A_107, %get3A_108] {strides = array<i32>} : memref<12x16x256xf32, #tpu.memory_space<vmem>>, vector<16xf32>,
      %add3A_110 = arith.addf %add3A_104, %get3A_109 : vector<16xf32>
      %get3A_111 = arith.constant 5 : i32
      %get3A_112 = arith.index_cast %get3A_111 : i32 to index
      %get3A_113 = arith.index_cast %scan3A_77 : i32 to index
      %get3A_114 = arith.index_cast %min3A_81 : i32 to index
      %get3A_115 = tpu.vector_load %arg7[%get3A_112, %get3A_113, %get3A_114] {strides = array<i32>} : memref<12x16x256xf32, #tpu.memory_space<vmem>>, vector<16xf32>,
      %add3A_116 = arith.addf %add3A_110, %get3A_115 : vector<16xf32>
      %get3A_117 = arith.constant 6 : i32
      %get3A_118 = arith.index_cast %get3A_117 : i32 to index
      %get3A_119 = arith.index_cast %scan3A_77 : i32 to index
      %get3A_120 = arith.index_cast %min3A_81 : i32 to index
      %get3A_121 = tpu.vector_load %arg7[%get3A_118, %get3A_119, %get3A_120] {strides = array<i32>} : memref<12x16x256xf32, #tpu.memory_space<vmem>>, vector<16xf32>,
      %add3A_122 = arith.addf %add3A_116, %get3A_121 : vector<16xf32>
      %get3A_123 = arith.constant 7 : i32
      %get3A_124 = arith.index_cast %get3A_123 : i32 to index
      %get3A_125 = arith.index_cast %scan3A_77 : i32 to index
      %get3A_126 = arith.index_cast %min3A_81 : i32 to index
      %get3A_127 = tpu.vector_load %arg7[%get3A_124, %get3A_125, %get3A_126] {strides = array<i32>} : memref<12x16x256xf32, #tpu.memory_space<vmem>>, vector<16xf32>,
      %add3A_128 = arith.addf %add3A_122, %get3A_127 : vector<16xf32>
      %get3A_129 = arith.constant 8 : i32
      %get3A_130 = arith.index_cast %get3A_129 : i32 to index
      %get3A_131 = arith.index_cast %scan3A_77 : i32 to index
      %get3A_132 = arith.index_cast %min3A_81 : i32 to index
      %get3A_133 = tpu.vector_load %arg7[%get3A_130, %get3A_131, %get3A_132] {strides = array<i32>} : memref<12x16x256xf32, #tpu.memory_space<vmem>>, vector<16xf32>,
      %add3A_134 = arith.addf %add3A_128, %get3A_133 : vector<16xf32>
      %get3A_135 = arith.constant 9 : i32
      %get3A_136 = arith.index_cast %get3A_135 : i32 to index
      %get3A_137 = arith.index_cast %scan3A_77 : i32 to index
      %get3A_138 = arith.index_cast %min3A_81 : i32 to index
      %get3A_139 = tpu.vector_load %arg7[%get3A_136, %get3A_137, %get3A_138] {strides = array<i32>} : memref<12x16x256xf32, #tpu.memory_space<vmem>>, vector<16xf32>,
      %add3A_140 = arith.addf %add3A_134, %get3A_139 : vector<16xf32>
      %get3A_141 = arith.constant 10 : i32
      %get3A_142 = arith.index_cast %get3A_141 : i32 to index
      %get3A_143 = arith.index_cast %scan3A_77 : i32 to index
      %get3A_144 = arith.index_cast %min3A_81 : i32 to index
      %get3A_145 = tpu.vector_load %arg7[%get3A_142, %get3A_143, %get3A_144] {strides = array<i32>} : memref<12x16x256xf32, #tpu.memory_space<vmem>>, vector<16xf32>,
      %add3A_146 = arith.addf %add3A_140, %get3A_145 : vector<16xf32>
      %get3A_147 = arith.constant 11 : i32
      %get3A_148 = arith.index_cast %get3A_147 : i32 to index
      %get3A_149 = arith.index_cast %scan3A_77 : i32 to index
      %get3A_150 = arith.index_cast %min3A_81 : i32 to index
      %get3A_151 = tpu.vector_load %arg7[%get3A_148, %get3A_149, %get3A_150] {strides = array<i32>} : memref<12x16x256xf32, #tpu.memory_space<vmem>>, vector<16xf32>,
      %add3A_152 = arith.addf %add3A_146, %get3A_151 : vector<16xf32>
      %mul3A_153 = arith.constant 0.0833333358 : f32
      %mul3A_154 = vector.broadcast %mul3A_153 : f32 to vector<16xf32>
      %mul3A_155 = arith.mulf %add3A_152, %mul3A_154 : vector<16xf32>
      %mul3A_156 = arith.constant 272 : i32
      %mul3A_157 = arith.muli %scan3A_77, %mul3A_156 : i32
      %add3A_158 = arith.addi %mul3A_157, %min3A_81 : i32
      %swap3A = arith.index_cast %add3A_158 : i32 to index
      %swap3A_159 = tpu.vector_load %arg8[%swap3A] {strides = array<i32>} : memref<4352xf32, #tpu.memory_space<vmem>>, vector<16xf32>,
      tpu.vector_store %arg8[%swap3A], %mul3A_155 {strides = array<i32>} : memref<4352xf32, #tpu.memory_space<vmem>>, vector<16xf32>,
      %add3A_160 = arith.constant 16 : i32
      %add3A_161 = arith.addi %select_n3A, %add3A_160 : i32
      %min3A_162 = arith.constant 240 : i32
      %min3A_163 = arith.minsi %add3A_161, %min3A_162 : i32
      %get3A_164 = arith.constant 0 : i32
      %get3A_165 = arith.index_cast %get3A_164 : i32 to index
      %get3A_166 = arith.index_cast %scan3A_77 : i32 to index
      %get3A_167 = arith.index_cast %min3A_163 : i32 to index
      %get3A_168 = tpu.vector_load %arg7[%get3A_165, %get3A_166, %get3A_167] {strides = array<i32>} : memref<12x16x256xf32, #tpu.memory_space<vmem>>, vector<16xf32>,
      %get3A_169 = arith.constant 1 : i32
      %get3A_170 = arith.index_cast %get3A_169 : i32 to index
      %get3A_171 = arith.index_cast %scan3A_77 : i32 to index
      %get3A_172 = arith.index_cast %min3A_163 : i32 to index
      %get3A_173 = tpu.vector_load %arg7[%get3A_170, %get3A_171, %get3A_172] {strides = array<i32>} : memref<12x16x256xf32, #tpu.memory_space<vmem>>, vector<16xf32>,
      %add3A_174 = arith.addf %get3A_168, %get3A_173 : vector<16xf32>
      %get3A_175 = arith.constant 2 : i32
      %get3A_176 = arith.index_cast %get3A_175 : i32 to index
      %get3A_177 = arith.index_cast %scan3A_77 : i32 to index
      %get3A_178 = arith.index_cast %min3A_163 : i32 to index
      %get3A_179 = tpu.vector_load %arg7[%get3A_176, %get3A_177, %get3A_178] {strides = array<i32>} : memref<12x16x256xf32, #tpu.memory_space<vmem>>, vector<16xf32>,
      %add3A_180 = arith.addf %add3A_174, %get3A_179 : vector<16xf32>
      %get3A_181 = arith.constant 3 : i32
      %get3A_182 = arith.index_cast %get3A_181 : i32 to index
      %get3A_183 = arith.index_cast %scan3A_77 : i32 to index
      %get3A_184 = arith.index_cast %min3A_163 : i32 to index
      %get3A_185 = tpu.vector_load %arg7[%get3A_182, %get3A_183, %get3A_184] {strides = array<i32>} : memref<12x16x256xf32, #tpu.memory_space<vmem>>, vector<16xf32>,
      %add3A_186 = arith.addf %add3A_180, %get3A_185 : vector<16xf32>
      %get3A_187 = arith.constant 4 : i32
      %get3A_188 = arith.index_cast %get3A_187 : i32 to index
      %get3A_189 = arith.index_cast %scan3A_77 : i32 to index
      %get3A_190 = arith.index_cast %min3A_163 : i32 to index
      %get3A_191 = tpu.vector_load %arg7[%get3A_188, %get3A_189, %get3A_190] {strides = array<i32>} : memref<12x16x256xf32, #tpu.memory_space<vmem>>, vector<16xf32>,
      %add3A_192 = arith.addf %add3A_186, %get3A_191 : vector<16xf32>
      %get3A_193 = arith.constant 5 : i32
      %get3A_194 = arith.index_cast %get3A_193 : i32 to index
      %get3A_195 = arith.index_cast %scan3A_77 : i32 to index
      %get3A_196 = arith.index_cast %min3A_163 : i32 to index
      %get3A_197 = tpu.vector_load %arg7[%get3A_194, %get3A_195, %get3A_196] {strides = array<i32>} : memref<12x16x256xf32, #tpu.memory_space<vmem>>, vector<16xf32>,
      %add3A_198 = arith.addf %add3A_192, %get3A_197 : vector<16xf32>
      %get3A_199 = arith.constant 6 : i32
      %get3A_200 = arith.index_cast %get3A_199 : i32 to index
      %get3A_201 = arith.index_cast %scan3A_77 : i32 to index
      %get3A_202 = arith.index_cast %min3A_163 : i32 to index
      %get3A_203 = tpu.vector_load %arg7[%get3A_200, %get3A_201, %get3A_202] {strides = array<i32>} : memref<12x16x256xf32, #tpu.memory_space<vmem>>, vector<16xf32>,
      %add3A_204 = arith.addf %add3A_198, %get3A_203 : vector<16xf32>
      %get3A_205 = arith.constant 7 : i32
      %get3A_206 = arith.index_cast %get3A_205 : i32 to index
      %get3A_207 = arith.index_cast %scan3A_77 : i32 to index
      %get3A_208 = arith.index_cast %min3A_163 : i32 to index
      %get3A_209 = tpu.vector_load %arg7[%get3A_206, %get3A_207, %get3A_208] {strides = array<i32>} : memref<12x16x256xf32, #tpu.memory_space<vmem>>, vector<16xf32>,
      %add3A_210 = arith.addf %add3A_204, %get3A_209 : vector<16xf32>
      %get3A_211 = arith.constant 8 : i32
      %get3A_212 = arith.index_cast %get3A_211 : i32 to index
      %get3A_213 = arith.index_cast %scan3A_77 : i32 to index
      %get3A_214 = arith.index_cast %min3A_163 : i32 to index
      %get3A_215 = tpu.vector_load %arg7[%get3A_212, %get3A_213, %get3A_214] {strides = array<i32>} : memref<12x16x256xf32, #tpu.memory_space<vmem>>, vector<16xf32>,
      %add3A_216 = arith.addf %add3A_210, %get3A_215 : vector<16xf32>
      %get3A_217 = arith.constant 9 : i32
      %get3A_218 = arith.index_cast %get3A_217 : i32 to index
      %get3A_219 = arith.index_cast %scan3A_77 : i32 to index
      %get3A_220 = arith.index_cast %min3A_163 : i32 to index
      %get3A_221 = tpu.vector_load %arg7[%get3A_218, %get3A_219, %get3A_220] {strides = array<i32>} : memref<12x16x256xf32, #tpu.memory_space<vmem>>, vector<16xf32>,
      %add3A_222 = arith.addf %add3A_216, %get3A_221 : vector<16xf32>
      %get3A_223 = arith.constant 10 : i32
      %get3A_224 = arith.index_cast %get3A_223 : i32 to index
      %get3A_225 = arith.index_cast %scan3A_77 : i32 to index
      %get3A_226 = arith.index_cast %min3A_163 : i32 to index
      %get3A_227 = tpu.vector_load %arg7[%get3A_224, %get3A_225, %get3A_226] {strides = array<i32>} : memref<12x16x256xf32, #tpu.memory_space<vmem>>, vector<16xf32>,
      %add3A_228 = arith.addf %add3A_222, %get3A_227 : vector<16xf32>
      %get3A_229 = arith.constant 11 : i32
      %get3A_230 = arith.index_cast %get3A_229 : i32 to index
      %get3A_231 = arith.index_cast %scan3A_77 : i32 to index
      %get3A_232 = arith.index_cast %min3A_163 : i32 to index
      %get3A_233 = tpu.vector_load %arg7[%get3A_230, %get3A_231, %get3A_232] {strides = array<i32>} : memref<12x16x256xf32, #tpu.memory_space<vmem>>, vector<16xf32>,
      %add3A_234 = arith.addf %add3A_228, %get3A_233 : vector<16xf32>
      %mul3A_235 = arith.constant 0.0833333358 : f32
      %mul3A_236 = vector.broadcast %mul3A_235 : f32 to vector<16xf32>
      %mul3A_237 = arith.mulf %add3A_234, %mul3A_236 : vector<16xf32>
      %mul3A_238 = arith.constant 272 : i32
      %mul3A_239 = arith.muli %scan3A_77, %mul3A_238 : i32
      %add3A_240 = arith.addi %mul3A_239, %min3A_163 : i32
      %swap3A_241 = arith.index_cast %add3A_240 : i32 to index
      %swap3A_242 = tpu.vector_load %arg8[%swap3A_241] {strides = array<i32>} : memref<4352xf32, #tpu.memory_space<vmem>>, vector<16xf32>,
      tpu.vector_store %arg8[%swap3A_241], %mul3A_237 {strides = array<i32>} : memref<4352xf32, #tpu.memory_space<vmem>>, vector<16xf32>,
      %add3A_243 = arith.constant 32 : i32
      %add3A_244 = arith.addi %select_n3A, %add3A_243 : i32
      %min3A_245 = arith.constant 240 : i32
      %min3A_246 = arith.minsi %add3A_244, %min3A_245 : i32
      %get3A_247 = arith.constant 0 : i32
      %get3A_248 = arith.index_cast %get3A_247 : i32 to index
      %get3A_249 = arith.index_cast %scan3A_77 : i32 to index
      %get3A_250 = arith.index_cast %min3A_246 : i32 to index
      %get3A_251 = tpu.vector_load %arg7[%get3A_248, %get3A_249, %get3A_250] {strides = array<i32>} : memref<12x16x256xf32, #tpu.memory_space<vmem>>, vector<16xf32>,
      %get3A_252 = arith.constant 1 : i32
      %get3A_253 = arith.index_cast %get3A_252 : i32 to index
      %get3A_254 = arith.index_cast %scan3A_77 : i32 to index
      %get3A_255 = arith.index_cast %min3A_246 : i32 to index
      %get3A_256 = tpu.vector_load %arg7[%get3A_253, %get3A_254, %get3A_255] {strides = array<i32>} : memref<12x16x256xf32, #tpu.memory_space<vmem>>, vector<16xf32>,
      %add3A_257 = arith.addf %get3A_251, %get3A_256 : vector<16xf32>
      %get3A_258 = arith.constant 2 : i32
      %get3A_259 = arith.index_cast %get3A_258 : i32 to index
      %get3A_260 = arith.index_cast %scan3A_77 : i32 to index
      %get3A_261 = arith.index_cast %min3A_246 : i32 to index
      %get3A_262 = tpu.vector_load %arg7[%get3A_259, %get3A_260, %get3A_261] {strides = array<i32>} : memref<12x16x256xf32, #tpu.memory_space<vmem>>, vector<16xf32>,
      %add3A_263 = arith.addf %add3A_257, %get3A_262 : vector<16xf32>
      %get3A_264 = arith.constant 3 : i32
      %get3A_265 = arith.index_cast %get3A_264 : i32 to index
      %get3A_266 = arith.index_cast %scan3A_77 : i32 to index
      %get3A_267 = arith.index_cast %min3A_246 : i32 to index
      %get3A_268 = tpu.vector_load %arg7[%get3A_265, %get3A_266, %get3A_267] {strides = array<i32>} : memref<12x16x256xf32, #tpu.memory_space<vmem>>, vector<16xf32>,
      %add3A_269 = arith.addf %add3A_263, %get3A_268 : vector<16xf32>
      %get3A_270 = arith.constant 4 : i32
      %get3A_271 = arith.index_cast %get3A_270 : i32 to index
      %get3A_272 = arith.index_cast %scan3A_77 : i32 to index
      %get3A_273 = arith.index_cast %min3A_246 : i32 to index
      %get3A_274 = tpu.vector_load %arg7[%get3A_271, %get3A_272, %get3A_273] {strides = array<i32>} : memref<12x16x256xf32, #tpu.memory_space<vmem>>, vector<16xf32>,
      %add3A_275 = arith.addf %add3A_269, %get3A_274 : vector<16xf32>
      %get3A_276 = arith.constant 5 : i32
      %get3A_277 = arith.index_cast %get3A_276 : i32 to index
      %get3A_278 = arith.index_cast %scan3A_77 : i32 to index
      %get3A_279 = arith.index_cast %min3A_246 : i32 to index
      %get3A_280 = tpu.vector_load %arg7[%get3A_277, %get3A_278, %get3A_279] {strides = array<i32>} : memref<12x16x256xf32, #tpu.memory_space<vmem>>, vector<16xf32>,
      %add3A_281 = arith.addf %add3A_275, %get3A_280 : vector<16xf32>
      %get3A_282 = arith.constant 6 : i32
      %get3A_283 = arith.index_cast %get3A_282 : i32 to index
      %get3A_284 = arith.index_cast %scan3A_77 : i32 to index
      %get3A_285 = arith.index_cast %min3A_246 : i32 to index
      %get3A_286 = tpu.vector_load %arg7[%get3A_283, %get3A_284, %get3A_285] {strides = array<i32>} : memref<12x16x256xf32, #tpu.memory_space<vmem>>, vector<16xf32>,
      %add3A_287 = arith.addf %add3A_281, %get3A_286 : vector<16xf32>
      %get3A_288 = arith.constant 7 : i32
      %get3A_289 = arith.index_cast %get3A_288 : i32 to index
      %get3A_290 = arith.index_cast %scan3A_77 : i32 to index
      %get3A_291 = arith.index_cast %min3A_246 : i32 to index
      %get3A_292 = tpu.vector_load %arg7[%get3A_289, %get3A_290, %get3A_291] {strides = array<i32>} : memref<12x16x256xf32, #tpu.memory_space<vmem>>, vector<16xf32>,
      %add3A_293 = arith.addf %add3A_287, %get3A_292 : vector<16xf32>
      %get3A_294 = arith.constant 8 : i32
      %get3A_295 = arith.index_cast %get3A_294 : i32 to index
      %get3A_296 = arith.index_cast %scan3A_77 : i32 to index
      %get3A_297 = arith.index_cast %min3A_246 : i32 to index
      %get3A_298 = tpu.vector_load %arg7[%get3A_295, %get3A_296, %get3A_297] {strides = array<i32>} : memref<12x16x256xf32, #tpu.memory_space<vmem>>, vector<16xf32>,
      %add3A_299 = arith.addf %add3A_293, %get3A_298 : vector<16xf32>
      %get3A_300 = arith.constant 9 : i32
      %get3A_301 = arith.index_cast %get3A_300 : i32 to index
      %get3A_302 = arith.index_cast %scan3A_77 : i32 to index
      %get3A_303 = arith.index_cast %min3A_246 : i32 to index
      %get3A_304 = tpu.vector_load %arg7[%get3A_301, %get3A_302, %get3A_303] {strides = array<i32>} : memref<12x16x256xf32, #tpu.memory_space<vmem>>, vector<16xf32>,
      %add3A_305 = arith.addf %add3A_299, %get3A_304 : vector<16xf32>
      %get3A_306 = arith.constant 10 : i32
      %get3A_307 = arith.index_cast %get3A_306 : i32 to index
      %get3A_308 = arith.index_cast %scan3A_77 : i32 to index
      %get3A_309 = arith.index_cast %min3A_246 : i32 to index
      %get3A_310 = tpu.vector_load %arg7[%get3A_307, %get3A_308, %get3A_309] {strides = array<i32>} : memref<12x16x256xf32, #tpu.memory_space<vmem>>, vector<16xf32>,
      %add3A_311 = arith.addf %add3A_305, %get3A_310 : vector<16xf32>
      %get3A_312 = arith.constant 11 : i32
      %get3A_313 = arith.index_cast %get3A_312 : i32 to index
      %get3A_314 = arith.index_cast %scan3A_77 : i32 to index
      %get3A_315 = arith.index_cast %min3A_246 : i32 to index
      %get3A_316 = tpu.vector_load %arg7[%get3A_313, %get3A_314, %get3A_315] {strides = array<i32>} : memref<12x16x256xf32, #tpu.memory_space<vmem>>, vector<16xf32>,
      %add3A_317 = arith.addf %add3A_311, %get3A_316 : vector<16xf32>
      %mul3A_318 = arith.constant 0.0833333358 : f32
      %mul3A_319 = vector.broadcast %mul3A_318 : f32 to vector<16xf32>
      %mul3A_320 = arith.mulf %add3A_317, %mul3A_319 : vector<16xf32>
      %mul3A_321 = arith.constant 272 : i32
      %mul3A_322 = arith.muli %scan3A_77, %mul3A_321 : i32
      %add3A_323 = arith.addi %mul3A_322, %min3A_246 : i32
      %swap3A_324 = arith.index_cast %add3A_323 : i32 to index
      %swap3A_325 = tpu.vector_load %arg8[%swap3A_324] {strides = array<i32>} : memref<4352xf32, #tpu.memory_space<vmem>>, vector<16xf32>,
      tpu.vector_store %arg8[%swap3A_324], %mul3A_320 {strides = array<i32>} : memref<4352xf32, #tpu.memory_space<vmem>>, vector<16xf32>,
      %add3A_326 = arith.constant 48 : i32
      %add3A_327 = arith.addi %select_n3A, %add3A_326 : i32
      %min3A_328 = arith.constant 240 : i32
      %min3A_329 = arith.minsi %add3A_327, %min3A_328 : i32
      %get3A_330 = arith.constant 0 : i32
      %get3A_331 = arith.index_cast %get3A_330 : i32 to index
      %get3A_332 = arith.index_cast %scan3A_77 : i32 to index
      %get3A_333 = arith.index_cast %min3A_329 : i32 to index
      %get3A_334 = tpu.vector_load %arg7[%get3A_331, %get3A_332, %get3A_333] {strides = array<i32>} : memref<12x16x256xf32, #tpu.memory_space<vmem>>, vector<16xf32>,
      %get3A_335 = arith.constant 1 : i32
      %get3A_336 = arith.index_cast %get3A_335 : i32 to index
      %get3A_337 = arith.index_cast %scan3A_77 : i32 to index
      %get3A_338 = arith.index_cast %min3A_329 : i32 to index
      %get3A_339 = tpu.vector_load %arg7[%get3A_336, %get3A_337, %get3A_338] {strides = array<i32>} : memref<12x16x256xf32, #tpu.memory_space<vmem>>, vector<16xf32>,
      %add3A_340 = arith.addf %get3A_334, %get3A_339 : vector<16xf32>
      %get3A_341 = arith.constant 2 : i32
      %get3A_342 = arith.index_cast %get3A_341 : i32 to index
      %get3A_343 = arith.index_cast %scan3A_77 : i32 to index
      %get3A_344 = arith.index_cast %min3A_329 : i32 to index
      %get3A_345 = tpu.vector_load %arg7[%get3A_342, %get3A_343, %get3A_344] {strides = array<i32>} : memref<12x16x256xf32, #tpu.memory_space<vmem>>, vector<16xf32>,
      %add3A_346 = arith.addf %add3A_340, %get3A_345 : vector<16xf32>
      %get3A_347 = arith.constant 3 : i32
      %get3A_348 = arith.index_cast %get3A_347 : i32 to index
      %get3A_349 = arith.index_cast %scan3A_77 : i32 to index
      %get3A_350 = arith.index_cast %min3A_329 : i32 to index
      %get3A_351 = tpu.vector_load %arg7[%get3A_348, %get3A_349, %get3A_350] {strides = array<i32>} : memref<12x16x256xf32, #tpu.memory_space<vmem>>, vector<16xf32>,
      %add3A_352 = arith.addf %add3A_346, %get3A_351 : vector<16xf32>
      %get3A_353 = arith.constant 4 : i32
      %get3A_354 = arith.index_cast %get3A_353 : i32 to index
      %get3A_355 = arith.index_cast %scan3A_77 : i32 to index
      %get3A_356 = arith.index_cast %min3A_329 : i32 to index
      %get3A_357 = tpu.vector_load %arg7[%get3A_354, %get3A_355, %get3A_356] {strides = array<i32>} : memref<12x16x256xf32, #tpu.memory_space<vmem>>, vector<16xf32>,
      %add3A_358 = arith.addf %add3A_352, %get3A_357 : vector<16xf32>
      %get3A_359 = arith.constant 5 : i32
      %get3A_360 = arith.index_cast %get3A_359 : i32 to index
      %get3A_361 = arith.index_cast %scan3A_77 : i32 to index
      %get3A_362 = arith.index_cast %min3A_329 : i32 to index
      %get3A_363 = tpu.vector_load %arg7[%get3A_360, %get3A_361, %get3A_362] {strides = array<i32>} : memref<12x16x256xf32, #tpu.memory_space<vmem>>, vector<16xf32>,
      %add3A_364 = arith.addf %add3A_358, %get3A_363 : vector<16xf32>
      %get3A_365 = arith.constant 6 : i32
      %get3A_366 = arith.index_cast %get3A_365 : i32 to index
      %get3A_367 = arith.index_cast %scan3A_77 : i32 to index
      %get3A_368 = arith.index_cast %min3A_329 : i32 to index
      %get3A_369 = tpu.vector_load %arg7[%get3A_366, %get3A_367, %get3A_368] {strides = array<i32>} : memref<12x16x256xf32, #tpu.memory_space<vmem>>, vector<16xf32>,
      %add3A_370 = arith.addf %add3A_364, %get3A_369 : vector<16xf32>
      %get3A_371 = arith.constant 7 : i32
      %get3A_372 = arith.index_cast %get3A_371 : i32 to index
      %get3A_373 = arith.index_cast %scan3A_77 : i32 to index
      %get3A_374 = arith.index_cast %min3A_329 : i32 to index
      %get3A_375 = tpu.vector_load %arg7[%get3A_372, %get3A_373, %get3A_374] {strides = array<i32>} : memref<12x16x256xf32, #tpu.memory_space<vmem>>, vector<16xf32>,
      %add3A_376 = arith.addf %add3A_370, %get3A_375 : vector<16xf32>
      %get3A_377 = arith.constant 8 : i32
      %get3A_378 = arith.index_cast %get3A_377 : i32 to index
      %get3A_379 = arith.index_cast %scan3A_77 : i32 to index
      %get3A_380 = arith.index_cast %min3A_329 : i32 to index
      %get3A_381 = tpu.vector_load %arg7[%get3A_378, %get3A_379, %get3A_380] {strides = array<i32>} : memref<12x16x256xf32, #tpu.memory_space<vmem>>, vector<16xf32>,
      %add3A_382 = arith.addf %add3A_376, %get3A_381 : vector<16xf32>
      %get3A_383 = arith.constant 9 : i32
      %get3A_384 = arith.index_cast %get3A_383 : i32 to index
      %get3A_385 = arith.index_cast %scan3A_77 : i32 to index
      %get3A_386 = arith.index_cast %min3A_329 : i32 to index
      %get3A_387 = tpu.vector_load %arg7[%get3A_384, %get3A_385, %get3A_386] {strides = array<i32>} : memref<12x16x256xf32, #tpu.memory_space<vmem>>, vector<16xf32>,
      %add3A_388 = arith.addf %add3A_382, %get3A_387 : vector<16xf32>
      %get3A_389 = arith.constant 10 : i32
      %get3A_390 = arith.index_cast %get3A_389 : i32 to index
      %get3A_391 = arith.index_cast %scan3A_77 : i32 to index
      %get3A_392 = arith.index_cast %min3A_329 : i32 to index
      %get3A_393 = tpu.vector_load %arg7[%get3A_390, %get3A_391, %get3A_392] {strides = array<i32>} : memref<12x16x256xf32, #tpu.memory_space<vmem>>, vector<16xf32>,
      %add3A_394 = arith.addf %add3A_388, %get3A_393 : vector<16xf32>
      %get3A_395 = arith.constant 11 : i32
      %get3A_396 = arith.index_cast %get3A_395 : i32 to index
      %get3A_397 = arith.index_cast %scan3A_77 : i32 to index
      %get3A_398 = arith.index_cast %min3A_329 : i32 to index
      %get3A_399 = tpu.vector_load %arg7[%get3A_396, %get3A_397, %get3A_398] {strides = array<i32>} : memref<12x16x256xf32, #tpu.memory_space<vmem>>, vector<16xf32>,
      %add3A_400 = arith.addf %add3A_394, %get3A_399 : vector<16xf32>
      %mul3A_401 = arith.constant 0.0833333358 : f32
      %mul3A_402 = vector.broadcast %mul3A_401 : f32 to vector<16xf32>
      %mul3A_403 = arith.mulf %add3A_400, %mul3A_402 : vector<16xf32>
      %mul3A_404 = arith.constant 272 : i32
      %mul3A_405 = arith.muli %scan3A_77, %mul3A_404 : i32
      %add3A_406 = arith.addi %mul3A_405, %min3A_329 : i32
      %swap3A_407 = arith.index_cast %add3A_406 : i32 to index
      %swap3A_408 = tpu.vector_load %arg8[%swap3A_407] {strides = array<i32>} : memref<4352xf32, #tpu.memory_space<vmem>>, vector<16xf32>,
      tpu.vector_store %arg8[%swap3A_407], %mul3A_403 {strides = array<i32>} : memref<4352xf32, #tpu.memory_space<vmem>>, vector<16xf32>,
      %add3A_409 = arith.constant 64 : i32
      %add3A_410 = arith.addi %select_n3A, %add3A_409 : i32
      %min3A_411 = arith.constant 240 : i32
      %min3A_412 = arith.minsi %add3A_410, %min3A_411 : i32
      %get3A_413 = arith.constant 0 : i32
      %get3A_414 = arith.index_cast %get3A_413 : i32 to index
      %get3A_415 = arith.index_cast %scan3A_77 : i32 to index
      %get3A_416 = arith.index_cast %min3A_412 : i32 to index
      %get3A_417 = tpu.vector_load %arg7[%get3A_414, %get3A_415, %get3A_416] {strides = array<i32>} : memref<12x16x256xf32, #tpu.memory_space<vmem>>, vector<16xf32>,
      %get3A_418 = arith.constant 1 : i32
      %get3A_419 = arith.index_cast %get3A_418 : i32 to index
      %get3A_420 = arith.index_cast %scan3A_77 : i32 to index
      %get3A_421 = arith.index_cast %min3A_412 : i32 to index
      %get3A_422 = tpu.vector_load %arg7[%get3A_419, %get3A_420, %get3A_421] {strides = array<i32>} : memref<12x16x256xf32, #tpu.memory_space<vmem>>, vector<16xf32>,
      %add3A_423 = arith.addf %get3A_417, %get3A_422 : vector<16xf32>
      %get3A_424 = arith.constant 2 : i32
      %get3A_425 = arith.index_cast %get3A_424 : i32 to index
      %get3A_426 = arith.index_cast %scan3A_77 : i32 to index
      %get3A_427 = arith.index_cast %min3A_412 : i32 to index
      %get3A_428 = tpu.vector_load %arg7[%get3A_425, %get3A_426, %get3A_427] {strides = array<i32>} : memref<12x16x256xf32, #tpu.memory_space<vmem>>, vector<16xf32>,
      %add3A_429 = arith.addf %add3A_423, %get3A_428 : vector<16xf32>
      %get3A_430 = arith.constant 3 : i32
      %get3A_431 = arith.index_cast %get3A_430 : i32 to index
      %get3A_432 = arith.index_cast %scan3A_77 : i32 to index
      %get3A_433 = arith.index_cast %min3A_412 : i32 to index
      %get3A_434 = tpu.vector_load %arg7[%get3A_431, %get3A_432, %get3A_433] {strides = array<i32>} : memref<12x16x256xf32, #tpu.memory_space<vmem>>, vector<16xf32>,
      %add3A_435 = arith.addf %add3A_429, %get3A_434 : vector<16xf32>
      %get3A_436 = arith.constant 4 : i32
      %get3A_437 = arith.index_cast %get3A_436 : i32 to index
      %get3A_438 = arith.index_cast %scan3A_77 : i32 to index
      %get3A_439 = arith.index_cast %min3A_412 : i32 to index
      %get3A_440 = tpu.vector_load %arg7[%get3A_437, %get3A_438, %get3A_439] {strides = array<i32>} : memref<12x16x256xf32, #tpu.memory_space<vmem>>, vector<16xf32>,
      %add3A_441 = arith.addf %add3A_435, %get3A_440 : vector<16xf32>
      %get3A_442 = arith.constant 5 : i32
      %get3A_443 = arith.index_cast %get3A_442 : i32 to index
      %get3A_444 = arith.index_cast %scan3A_77 : i32 to index
      %get3A_445 = arith.index_cast %min3A_412 : i32 to index
      %get3A_446 = tpu.vector_load %arg7[%get3A_443, %get3A_444, %get3A_445] {strides = array<i32>} : memref<12x16x256xf32, #tpu.memory_space<vmem>>, vector<16xf32>,
      %add3A_447 = arith.addf %add3A_441, %get3A_446 : vector<16xf32>
      %get3A_448 = arith.constant 6 : i32
      %get3A_449 = arith.index_cast %get3A_448 : i32 to index
      %get3A_450 = arith.index_cast %scan3A_77 : i32 to index
      %get3A_451 = arith.index_cast %min3A_412 : i32 to index
      %get3A_452 = tpu.vector_load %arg7[%get3A_449, %get3A_450, %get3A_451] {strides = array<i32>} : memref<12x16x256xf32, #tpu.memory_space<vmem>>, vector<16xf32>,
      %add3A_453 = arith.addf %add3A_447, %get3A_452 : vector<16xf32>
      %get3A_454 = arith.constant 7 : i32
      %get3A_455 = arith.index_cast %get3A_454 : i32 to index
      %get3A_456 = arith.index_cast %scan3A_77 : i32 to index
      %get3A_457 = arith.index_cast %min3A_412 : i32 to index
      %get3A_458 = tpu.vector_load %arg7[%get3A_455, %get3A_456, %get3A_457] {strides = array<i32>} : memref<12x16x256xf32, #tpu.memory_space<vmem>>, vector<16xf32>,
      %add3A_459 = arith.addf %add3A_453, %get3A_458 : vector<16xf32>
      %get3A_460 = arith.constant 8 : i32
      %get3A_461 = arith.index_cast %get3A_460 : i32 to index
      %get3A_462 = arith.index_cast %scan3A_77 : i32 to index
      %get3A_463 = arith.index_cast %min3A_412 : i32 to index
      %get3A_464 = tpu.vector_load %arg7[%get3A_461, %get3A_462, %get3A_463] {strides = array<i32>} : memref<12x16x256xf32, #tpu.memory_space<vmem>>, vector<16xf32>,
      %add3A_465 = arith.addf %add3A_459, %get3A_464 : vector<16xf32>
      %get3A_466 = arith.constant 9 : i32
      %get3A_467 = arith.index_cast %get3A_466 : i32 to index
      %get3A_468 = arith.index_cast %scan3A_77 : i32 to index
      %get3A_469 = arith.index_cast %min3A_412 : i32 to index
      %get3A_470 = tpu.vector_load %arg7[%get3A_467, %get3A_468, %get3A_469] {strides = array<i32>} : memref<12x16x256xf32, #tpu.memory_space<vmem>>, vector<16xf32>,
      %add3A_471 = arith.addf %add3A_465, %get3A_470 : vector<16xf32>
      %get3A_472 = arith.constant 10 : i32
      %get3A_473 = arith.index_cast %get3A_472 : i32 to index
      %get3A_474 = arith.index_cast %scan3A_77 : i32 to index
      %get3A_475 = arith.index_cast %min3A_412 : i32 to index
      %get3A_476 = tpu.vector_load %arg7[%get3A_473, %get3A_474, %get3A_475] {strides = array<i32>} : memref<12x16x256xf32, #tpu.memory_space<vmem>>, vector<16xf32>,
      %add3A_477 = arith.addf %add3A_471, %get3A_476 : vector<16xf32>
      %get3A_478 = arith.constant 11 : i32
      %get3A_479 = arith.index_cast %get3A_478 : i32 to index
      %get3A_480 = arith.index_cast %scan3A_77 : i32 to index
      %get3A_481 = arith.index_cast %min3A_412 : i32 to index
      %get3A_482 = tpu.vector_load %arg7[%get3A_479, %get3A_480, %get3A_481] {strides = array<i32>} : memref<12x16x256xf32, #tpu.memory_space<vmem>>, vector<16xf32>,
      %add3A_483 = arith.addf %add3A_477, %get3A_482 : vector<16xf32>
      %mul3A_484 = arith.constant 0.0833333358 : f32
      %mul3A_485 = vector.broadcast %mul3A_484 : f32 to vector<16xf32>
      %mul3A_486 = arith.mulf %add3A_483, %mul3A_485 : vector<16xf32>
      %mul3A_487 = arith.constant 272 : i32
      %mul3A_488 = arith.muli %scan3A_77, %mul3A_487 : i32
      %add3A_489 = arith.addi %mul3A_488, %min3A_412 : i32
      %swap3A_490 = arith.index_cast %add3A_489 : i32 to index
      %swap3A_491 = tpu.vector_load %arg8[%swap3A_490] {strides = array<i32>} : memref<4352xf32, #tpu.memory_space<vmem>>, vector<16xf32>,
      tpu.vector_store %arg8[%swap3A_490], %mul3A_486 {strides = array<i32>} : memref<4352xf32, #tpu.memory_space<vmem>>, vector<16xf32>,
      %add3A_492 = arith.constant 80 : i32
      %add3A_493 = arith.addi %select_n3A, %add3A_492 : i32
      %min3A_494 = arith.constant 240 : i32
      %min3A_495 = arith.minsi %add3A_493, %min3A_494 : i32
      %get3A_496 = arith.constant 0 : i32
      %get3A_497 = arith.index_cast %get3A_496 : i32 to index
      %get3A_498 = arith.index_cast %scan3A_77 : i32 to index
      %get3A_499 = arith.index_cast %min3A_495 : i32 to index
      %get3A_500 = tpu.vector_load %arg7[%get3A_497, %get3A_498, %get3A_499] {strides = array<i32>} : memref<12x16x256xf32, #tpu.memory_space<vmem>>, vector<16xf32>,
      %get3A_501 = arith.constant 1 : i32
      %get3A_502 = arith.index_cast %get3A_501 : i32 to index
      %get3A_503 = arith.index_cast %scan3A_77 : i32 to index
      %get3A_504 = arith.index_cast %min3A_495 : i32 to index
      %get3A_505 = tpu.vector_load %arg7[%get3A_502, %get3A_503, %get3A_504] {strides = array<i32>} : memref<12x16x256xf32, #tpu.memory_space<vmem>>, vector<16xf32>,
      %add3A_506 = arith.addf %get3A_500, %get3A_505 : vector<16xf32>
      %get3A_507 = arith.constant 2 : i32
      %get3A_508 = arith.index_cast %get3A_507 : i32 to index
      %get3A_509 = arith.index_cast %scan3A_77 : i32 to index
      %get3A_510 = arith.index_cast %min3A_495 : i32 to index
      %get3A_511 = tpu.vector_load %arg7[%get3A_508, %get3A_509, %get3A_510] {strides = array<i32>} : memref<12x16x256xf32, #tpu.memory_space<vmem>>, vector<16xf32>,
      %add3A_512 = arith.addf %add3A_506, %get3A_511 : vector<16xf32>
      %get3A_513 = arith.constant 3 : i32
      %get3A_514 = arith.index_cast %get3A_513 : i32 to index
      %get3A_515 = arith.index_cast %scan3A_77 : i32 to index
      %get3A_516 = arith.index_cast %min3A_495 : i32 to index
      %get3A_517 = tpu.vector_load %arg7[%get3A_514, %get3A_515, %get3A_516] {strides = array<i32>} : memref<12x16x256xf32, #tpu.memory_space<vmem>>, vector<16xf32>,
      %add3A_518 = arith.addf %add3A_512, %get3A_517 : vector<16xf32>
      %get3A_519 = arith.constant 4 : i32
      %get3A_520 = arith.index_cast %get3A_519 : i32 to index
      %get3A_521 = arith.index_cast %scan3A_77 : i32 to index
      %get3A_522 = arith.index_cast %min3A_495 : i32 to index
      %get3A_523 = tpu.vector_load %arg7[%get3A_520, %get3A_521, %get3A_522] {strides = array<i32>} : memref<12x16x256xf32, #tpu.memory_space<vmem>>, vector<16xf32>,
      %add3A_524 = arith.addf %add3A_518, %get3A_523 : vector<16xf32>
      %get3A_525 = arith.constant 5 : i32
      %get3A_526 = arith.index_cast %get3A_525 : i32 to index
      %get3A_527 = arith.index_cast %scan3A_77 : i32 to index
      %get3A_528 = arith.index_cast %min3A_495 : i32 to index
      %get3A_529 = tpu.vector_load %arg7[%get3A_526, %get3A_527, %get3A_528] {strides = array<i32>} : memref<12x16x256xf32, #tpu.memory_space<vmem>>, vector<16xf32>,
      %add3A_530 = arith.addf %add3A_524, %get3A_529 : vector<16xf32>
      %get3A_531 = arith.constant 6 : i32
      %get3A_532 = arith.index_cast %get3A_531 : i32 to index
      %get3A_533 = arith.index_cast %scan3A_77 : i32 to index
      %get3A_534 = arith.index_cast %min3A_495 : i32 to index
      %get3A_535 = tpu.vector_load %arg7[%get3A_532, %get3A_533, %get3A_534] {strides = array<i32>} : memref<12x16x256xf32, #tpu.memory_space<vmem>>, vector<16xf32>,
      %add3A_536 = arith.addf %add3A_530, %get3A_535 : vector<16xf32>
      %get3A_537 = arith.constant 7 : i32
      %get3A_538 = arith.index_cast %get3A_537 : i32 to index
      %get3A_539 = arith.index_cast %scan3A_77 : i32 to index
      %get3A_540 = arith.index_cast %min3A_495 : i32 to index
      %get3A_541 = tpu.vector_load %arg7[%get3A_538, %get3A_539, %get3A_540] {strides = array<i32>} : memref<12x16x256xf32, #tpu.memory_space<vmem>>, vector<16xf32>,
      %add3A_542 = arith.addf %add3A_536, %get3A_541 : vector<16xf32>
      %get3A_543 = arith.constant 8 : i32
      %get3A_544 = arith.index_cast %get3A_543 : i32 to index
      %get3A_545 = arith.index_cast %scan3A_77 : i32 to index
      %get3A_546 = arith.index_cast %min3A_495 : i32 to index
      %get3A_547 = tpu.vector_load %arg7[%get3A_544, %get3A_545, %get3A_546] {strides = array<i32>} : memref<12x16x256xf32, #tpu.memory_space<vmem>>, vector<16xf32>,
      %add3A_548 = arith.addf %add3A_542, %get3A_547 : vector<16xf32>
      %get3A_549 = arith.constant 9 : i32
      %get3A_550 = arith.index_cast %get3A_549 : i32 to index
      %get3A_551 = arith.index_cast %scan3A_77 : i32 to index
      %get3A_552 = arith.index_cast %min3A_495 : i32 to index
      %get3A_553 = tpu.vector_load %arg7[%get3A_550, %get3A_551, %get3A_552] {strides = array<i32>} : memref<12x16x256xf32, #tpu.memory_space<vmem>>, vector<16xf32>,
      %add3A_554 = arith.addf %add3A_548, %get3A_553 : vector<16xf32>
      %get3A_555 = arith.constant 10 : i32
      %get3A_556 = arith.index_cast %get3A_555 : i32 to index
      %get3A_557 = arith.index_cast %scan3A_77 : i32 to index
      %get3A_558 = arith.index_cast %min3A_495 : i32 to index
      %get3A_559 = tpu.vector_load %arg7[%get3A_556, %get3A_557, %get3A_558] {strides = array<i32>} : memref<12x16x256xf32, #tpu.memory_space<vmem>>, vector<16xf32>,
      %add3A_560 = arith.addf %add3A_554, %get3A_559 : vector<16xf32>
      %get3A_561 = arith.constant 11 : i32
      %get3A_562 = arith.index_cast %get3A_561 : i32 to index
      %get3A_563 = arith.index_cast %scan3A_77 : i32 to index
      %get3A_564 = arith.index_cast %min3A_495 : i32 to index
      %get3A_565 = tpu.vector_load %arg7[%get3A_562, %get3A_563, %get3A_564] {strides = array<i32>} : memref<12x16x256xf32, #tpu.memory_space<vmem>>, vector<16xf32>,
      %add3A_566 = arith.addf %add3A_560, %get3A_565 : vector<16xf32>
      %mul3A_567 = arith.constant 0.0833333358 : f32
      %mul3A_568 = vector.broadcast %mul3A_567 : f32 to vector<16xf32>
      %mul3A_569 = arith.mulf %add3A_566, %mul3A_568 : vector<16xf32>
      %mul3A_570 = arith.constant 272 : i32
      %mul3A_571 = arith.muli %scan3A_77, %mul3A_570 : i32
      %add3A_572 = arith.addi %mul3A_571, %min3A_495 : i32
      %swap3A_573 = arith.index_cast %add3A_572 : i32 to index
      %swap3A_574 = tpu.vector_load %arg8[%swap3A_573] {strides = array<i32>} : memref<4352xf32, #tpu.memory_space<vmem>>, vector<16xf32>,
      tpu.vector_store %arg8[%swap3A_573], %mul3A_569 {strides = array<i32>} : memref<4352xf32, #tpu.memory_space<vmem>>, vector<16xf32>,
      %add3A_575 = arith.constant 96 : i32
      %add3A_576 = arith.addi %select_n3A, %add3A_575 : i32
      %min3A_577 = arith.constant 240 : i32
      %min3A_578 = arith.minsi %add3A_576, %min3A_577 : i32
      %get3A_579 = arith.constant 0 : i32
      %get3A_580 = arith.index_cast %get3A_579 : i32 to index
      %get3A_581 = arith.index_cast %scan3A_77 : i32 to index
      %get3A_582 = arith.index_cast %min3A_578 : i32 to index
      %get3A_583 = tpu.vector_load %arg7[%get3A_580, %get3A_581, %get3A_582] {strides = array<i32>} : memref<12x16x256xf32, #tpu.memory_space<vmem>>, vector<16xf32>,
      %get3A_584 = arith.constant 1 : i32
      %get3A_585 = arith.index_cast %get3A_584 : i32 to index
      %get3A_586 = arith.index_cast %scan3A_77 : i32 to index
      %get3A_587 = arith.index_cast %min3A_578 : i32 to index
      %get3A_588 = tpu.vector_load %arg7[%get3A_585, %get3A_586, %get3A_587] {strides = array<i32>} : memref<12x16x256xf32, #tpu.memory_space<vmem>>, vector<16xf32>,
      %add3A_589 = arith.addf %get3A_583, %get3A_588 : vector<16xf32>
      %get3A_590 = arith.constant 2 : i32
      %get3A_591 = arith.index_cast %get3A_590 : i32 to index
      %get3A_592 = arith.index_cast %scan3A_77 : i32 to index
      %get3A_593 = arith.index_cast %min3A_578 : i32 to index
      %get3A_594 = tpu.vector_load %arg7[%get3A_591, %get3A_592, %get3A_593] {strides = array<i32>} : memref<12x16x256xf32, #tpu.memory_space<vmem>>, vector<16xf32>,
      %add3A_595 = arith.addf %add3A_589, %get3A_594 : vector<16xf32>
      %get3A_596 = arith.constant 3 : i32
      %get3A_597 = arith.index_cast %get3A_596 : i32 to index
      %get3A_598 = arith.index_cast %scan3A_77 : i32 to index
      %get3A_599 = arith.index_cast %min3A_578 : i32 to index
      %get3A_600 = tpu.vector_load %arg7[%get3A_597, %get3A_598, %get3A_599] {strides = array<i32>} : memref<12x16x256xf32, #tpu.memory_space<vmem>>, vector<16xf32>,
      %add3A_601 = arith.addf %add3A_595, %get3A_600 : vector<16xf32>
      %get3A_602 = arith.constant 4 : i32
      %get3A_603 = arith.index_cast %get3A_602 : i32 to index
      %get3A_604 = arith.index_cast %scan3A_77 : i32 to index
      %get3A_605 = arith.index_cast %min3A_578 : i32 to index
      %get3A_606 = tpu.vector_load %arg7[%get3A_603, %get3A_604, %get3A_605] {strides = array<i32>} : memref<12x16x256xf32, #tpu.memory_space<vmem>>, vector<16xf32>,
      %add3A_607 = arith.addf %add3A_601, %get3A_606 : vector<16xf32>
      %get3A_608 = arith.constant 5 : i32
      %get3A_609 = arith.index_cast %get3A_608 : i32 to index
      %get3A_610 = arith.index_cast %scan3A_77 : i32 to index
      %get3A_611 = arith.index_cast %min3A_578 : i32 to index
      %get3A_612 = tpu.vector_load %arg7[%get3A_609, %get3A_610, %get3A_611] {strides = array<i32>} : memref<12x16x256xf32, #tpu.memory_space<vmem>>, vector<16xf32>,
      %add3A_613 = arith.addf %add3A_607, %get3A_612 : vector<16xf32>
      %get3A_614 = arith.constant 6 : i32
      %get3A_615 = arith.index_cast %get3A_614 : i32 to index
      %get3A_616 = arith.index_cast %scan3A_77 : i32 to index
      %get3A_617 = arith.index_cast %min3A_578 : i32 to index
      %get3A_618 = tpu.vector_load %arg7[%get3A_615, %get3A_616, %get3A_617] {strides = array<i32>} : memref<12x16x256xf32, #tpu.memory_space<vmem>>, vector<16xf32>,
      %add3A_619 = arith.addf %add3A_613, %get3A_618 : vector<16xf32>
      %get3A_620 = arith.constant 7 : i32
      %get3A_621 = arith.index_cast %get3A_620 : i32 to index
      %get3A_622 = arith.index_cast %scan3A_77 : i32 to index
      %get3A_623 = arith.index_cast %min3A_578 : i32 to index
      %get3A_624 = tpu.vector_load %arg7[%get3A_621, %get3A_622, %get3A_623] {strides = array<i32>} : memref<12x16x256xf32, #tpu.memory_space<vmem>>, vector<16xf32>,
      %add3A_625 = arith.addf %add3A_619, %get3A_624 : vector<16xf32>
      %get3A_626 = arith.constant 8 : i32
      %get3A_627 = arith.index_cast %get3A_626 : i32 to index
      %get3A_628 = arith.index_cast %scan3A_77 : i32 to index
      %get3A_629 = arith.index_cast %min3A_578 : i32 to index
      %get3A_630 = tpu.vector_load %arg7[%get3A_627, %get3A_628, %get3A_629] {strides = array<i32>} : memref<12x16x256xf32, #tpu.memory_space<vmem>>, vector<16xf32>,
      %add3A_631 = arith.addf %add3A_625, %get3A_630 : vector<16xf32>
      %get3A_632 = arith.constant 9 : i32
      %get3A_633 = arith.index_cast %get3A_632 : i32 to index
      %get3A_634 = arith.index_cast %scan3A_77 : i32 to index
      %get3A_635 = arith.index_cast %min3A_578 : i32 to index
      %get3A_636 = tpu.vector_load %arg7[%get3A_633, %get3A_634, %get3A_635] {strides = array<i32>} : memref<12x16x256xf32, #tpu.memory_space<vmem>>, vector<16xf32>,
      %add3A_637 = arith.addf %add3A_631, %get3A_636 : vector<16xf32>
      %get3A_638 = arith.constant 10 : i32
      %get3A_639 = arith.index_cast %get3A_638 : i32 to index
      %get3A_640 = arith.index_cast %scan3A_77 : i32 to index
      %get3A_641 = arith.index_cast %min3A_578 : i32 to index
      %get3A_642 = tpu.vector_load %arg7[%get3A_639, %get3A_640, %get3A_641] {strides = array<i32>} : memref<12x16x256xf32, #tpu.memory_space<vmem>>, vector<16xf32>,
      %add3A_643 = arith.addf %add3A_637, %get3A_642 : vector<16xf32>
      %get3A_644 = arith.constant 11 : i32
      %get3A_645 = arith.index_cast %get3A_644 : i32 to index
      %get3A_646 = arith.index_cast %scan3A_77 : i32 to index
      %get3A_647 = arith.index_cast %min3A_578 : i32 to index
      %get3A_648 = tpu.vector_load %arg7[%get3A_645, %get3A_646, %get3A_647] {strides = array<i32>} : memref<12x16x256xf32, #tpu.memory_space<vmem>>, vector<16xf32>,
      %add3A_649 = arith.addf %add3A_643, %get3A_648 : vector<16xf32>
      %mul3A_650 = arith.constant 0.0833333358 : f32
      %mul3A_651 = vector.broadcast %mul3A_650 : f32 to vector<16xf32>
      %mul3A_652 = arith.mulf %add3A_649, %mul3A_651 : vector<16xf32>
      %mul3A_653 = arith.constant 272 : i32
      %mul3A_654 = arith.muli %scan3A_77, %mul3A_653 : i32
      %add3A_655 = arith.addi %mul3A_654, %min3A_578 : i32
      %swap3A_656 = arith.index_cast %add3A_655 : i32 to index
      %swap3A_657 = tpu.vector_load %arg8[%swap3A_656] {strides = array<i32>} : memref<4352xf32, #tpu.memory_space<vmem>>, vector<16xf32>,
      tpu.vector_store %arg8[%swap3A_656], %mul3A_652 {strides = array<i32>} : memref<4352xf32, #tpu.memory_space<vmem>>, vector<16xf32>,
      %add3A_658 = arith.constant 112 : i32
      %add3A_659 = arith.addi %select_n3A, %add3A_658 : i32
      %min3A_660 = arith.constant 240 : i32
      %min3A_661 = arith.minsi %add3A_659, %min3A_660 : i32
      %get3A_662 = arith.constant 0 : i32
      %get3A_663 = arith.index_cast %get3A_662 : i32 to index
      %get3A_664 = arith.index_cast %scan3A_77 : i32 to index
      %get3A_665 = arith.index_cast %min3A_661 : i32 to index
      %get3A_666 = tpu.vector_load %arg7[%get3A_663, %get3A_664, %get3A_665] {strides = array<i32>} : memref<12x16x256xf32, #tpu.memory_space<vmem>>, vector<16xf32>,
      %get3A_667 = arith.constant 1 : i32
      %get3A_668 = arith.index_cast %get3A_667 : i32 to index
      %get3A_669 = arith.index_cast %scan3A_77 : i32 to index
      %get3A_670 = arith.index_cast %min3A_661 : i32 to index
      %get3A_671 = tpu.vector_load %arg7[%get3A_668, %get3A_669, %get3A_670] {strides = array<i32>} : memref<12x16x256xf32, #tpu.memory_space<vmem>>, vector<16xf32>,
      %add3A_672 = arith.addf %get3A_666, %get3A_671 : vector<16xf32>
      %get3A_673 = arith.constant 2 : i32
      %get3A_674 = arith.index_cast %get3A_673 : i32 to index
      %get3A_675 = arith.index_cast %scan3A_77 : i32 to index
      %get3A_676 = arith.index_cast %min3A_661 : i32 to index
      %get3A_677 = tpu.vector_load %arg7[%get3A_674, %get3A_675, %get3A_676] {strides = array<i32>} : memref<12x16x256xf32, #tpu.memory_space<vmem>>, vector<16xf32>,
      %add3A_678 = arith.addf %add3A_672, %get3A_677 : vector<16xf32>
      %get3A_679 = arith.constant 3 : i32
      %get3A_680 = arith.index_cast %get3A_679 : i32 to index
      %get3A_681 = arith.index_cast %scan3A_77 : i32 to index
      %get3A_682 = arith.index_cast %min3A_661 : i32 to index
      %get3A_683 = tpu.vector_load %arg7[%get3A_680, %get3A_681, %get3A_682] {strides = array<i32>} : memref<12x16x256xf32, #tpu.memory_space<vmem>>, vector<16xf32>,
      %add3A_684 = arith.addf %add3A_678, %get3A_683 : vector<16xf32>
      %get3A_685 = arith.constant 4 : i32
      %get3A_686 = arith.index_cast %get3A_685 : i32 to index
      %get3A_687 = arith.index_cast %scan3A_77 : i32 to index
      %get3A_688 = arith.index_cast %min3A_661 : i32 to index
      %get3A_689 = tpu.vector_load %arg7[%get3A_686, %get3A_687, %get3A_688] {strides = array<i32>} : memref<12x16x256xf32, #tpu.memory_space<vmem>>, vector<16xf32>,
      %add3A_690 = arith.addf %add3A_684, %get3A_689 : vector<16xf32>
      %get3A_691 = arith.constant 5 : i32
      %get3A_692 = arith.index_cast %get3A_691 : i32 to index
      %get3A_693 = arith.index_cast %scan3A_77 : i32 to index
      %get3A_694 = arith.index_cast %min3A_661 : i32 to index
      %get3A_695 = tpu.vector_load %arg7[%get3A_692, %get3A_693, %get3A_694] {strides = array<i32>} : memref<12x16x256xf32, #tpu.memory_space<vmem>>, vector<16xf32>,
      %add3A_696 = arith.addf %add3A_690, %get3A_695 : vector<16xf32>
      %get3A_697 = arith.constant 6 : i32
      %get3A_698 = arith.index_cast %get3A_697 : i32 to index
      %get3A_699 = arith.index_cast %scan3A_77 : i32 to index
      %get3A_700 = arith.index_cast %min3A_661 : i32 to index
      %get3A_701 = tpu.vector_load %arg7[%get3A_698, %get3A_699, %get3A_700] {strides = array<i32>} : memref<12x16x256xf32, #tpu.memory_space<vmem>>, vector<16xf32>,
      %add3A_702 = arith.addf %add3A_696, %get3A_701 : vector<16xf32>
      %get3A_703 = arith.constant 7 : i32
      %get3A_704 = arith.index_cast %get3A_703 : i32 to index
      %get3A_705 = arith.index_cast %scan3A_77 : i32 to index
      %get3A_706 = arith.index_cast %min3A_661 : i32 to index
      %get3A_707 = tpu.vector_load %arg7[%get3A_704, %get3A_705, %get3A_706] {strides = array<i32>} : memref<12x16x256xf32, #tpu.memory_space<vmem>>, vector<16xf32>,
      %add3A_708 = arith.addf %add3A_702, %get3A_707 : vector<16xf32>
      %get3A_709 = arith.constant 8 : i32
      %get3A_710 = arith.index_cast %get3A_709 : i32 to index
      %get3A_711 = arith.index_cast %scan3A_77 : i32 to index
      %get3A_712 = arith.index_cast %min3A_661 : i32 to index
      %get3A_713 = tpu.vector_load %arg7[%get3A_710, %get3A_711, %get3A_712] {strides = array<i32>} : memref<12x16x256xf32, #tpu.memory_space<vmem>>, vector<16xf32>,
      %add3A_714 = arith.addf %add3A_708, %get3A_713 : vector<16xf32>
      %get3A_715 = arith.constant 9 : i32
      %get3A_716 = arith.index_cast %get3A_715 : i32 to index
      %get3A_717 = arith.index_cast %scan3A_77 : i32 to index
      %get3A_718 = arith.index_cast %min3A_661 : i32 to index
      %get3A_719 = tpu.vector_load %arg7[%get3A_716, %get3A_717, %get3A_718] {strides = array<i32>} : memref<12x16x256xf32, #tpu.memory_space<vmem>>, vector<16xf32>,
      %add3A_720 = arith.addf %add3A_714, %get3A_719 : vector<16xf32>
      %get3A_721 = arith.constant 10 : i32
      %get3A_722 = arith.index_cast %get3A_721 : i32 to index
      %get3A_723 = arith.index_cast %scan3A_77 : i32 to index
      %get3A_724 = arith.index_cast %min3A_661 : i32 to index
      %get3A_725 = tpu.vector_load %arg7[%get3A_722, %get3A_723, %get3A_724] {strides = array<i32>} : memref<12x16x256xf32, #tpu.memory_space<vmem>>, vector<16xf32>,
      %add3A_726 = arith.addf %add3A_720, %get3A_725 : vector<16xf32>
      %get3A_727 = arith.constant 11 : i32
      %get3A_728 = arith.index_cast %get3A_727 : i32 to index
      %get3A_729 = arith.index_cast %scan3A_77 : i32 to index
      %get3A_730 = arith.index_cast %min3A_661 : i32 to index
      %get3A_731 = tpu.vector_load %arg7[%get3A_728, %get3A_729, %get3A_730] {strides = array<i32>} : memref<12x16x256xf32, #tpu.memory_space<vmem>>, vector<16xf32>,
      %add3A_732 = arith.addf %add3A_726, %get3A_731 : vector<16xf32>
      %mul3A_733 = arith.constant 0.0833333358 : f32
      %mul3A_734 = vector.broadcast %mul3A_733 : f32 to vector<16xf32>
      %mul3A_735 = arith.mulf %add3A_732, %mul3A_734 : vector<16xf32>
      %mul3A_736 = arith.constant 272 : i32
      %mul3A_737 = arith.muli %scan3A_77, %mul3A_736 : i32
      %add3A_738 = arith.addi %mul3A_737, %min3A_661 : i32
      %swap3A_739 = arith.index_cast %add3A_738 : i32 to index
      %swap3A_740 = tpu.vector_load %arg8[%swap3A_739] {strides = array<i32>} : memref<4352xf32, #tpu.memory_space<vmem>>, vector<16xf32>,
      tpu.vector_store %arg8[%swap3A_739], %mul3A_735 {strides = array<i32>} : memref<4352xf32, #tpu.memory_space<vmem>>, vector<16xf32>,
      %add3A_741 = arith.constant 128 : i32
      %add3A_742 = arith.addi %select_n3A, %add3A_741 : i32
      %min3A_743 = arith.constant 240 : i32
      %min3A_744 = arith.minsi %add3A_742, %min3A_743 : i32
      %get3A_745 = arith.constant 0 : i32
      %get3A_746 = arith.index_cast %get3A_745 : i32 to index
      %get3A_747 = arith.index_cast %scan3A_77 : i32 to index
      %get3A_748 = arith.index_cast %min3A_744 : i32 to index
      %get3A_749 = tpu.vector_load %arg7[%get3A_746, %get3A_747, %get3A_748] {strides = array<i32>} : memref<12x16x256xf32, #tpu.memory_space<vmem>>, vector<16xf32>,
      %get3A_750 = arith.constant 1 : i32
      %get3A_751 = arith.index_cast %get3A_750 : i32 to index
      %get3A_752 = arith.index_cast %scan3A_77 : i32 to index
      %get3A_753 = arith.index_cast %min3A_744 : i32 to index
      %get3A_754 = tpu.vector_load %arg7[%get3A_751, %get3A_752, %get3A_753] {strides = array<i32>} : memref<12x16x256xf32, #tpu.memory_space<vmem>>, vector<16xf32>,
      %add3A_755 = arith.addf %get3A_749, %get3A_754 : vector<16xf32>
      %get3A_756 = arith.constant 2 : i32
      %get3A_757 = arith.index_cast %get3A_756 : i32 to index
      %get3A_758 = arith.index_cast %scan3A_77 : i32 to index
      %get3A_759 = arith.index_cast %min3A_744 : i32 to index
      %get3A_760 = tpu.vector_load %arg7[%get3A_757, %get3A_758, %get3A_759] {strides = array<i32>} : memref<12x16x256xf32, #tpu.memory_space<vmem>>, vector<16xf32>,
      %add3A_761 = arith.addf %add3A_755, %get3A_760 : vector<16xf32>
      %get3A_762 = arith.constant 3 : i32
      %get3A_763 = arith.index_cast %get3A_762 : i32 to index
      %get3A_764 = arith.index_cast %scan3A_77 : i32 to index
      %get3A_765 = arith.index_cast %min3A_744 : i32 to index
      %get3A_766 = tpu.vector_load %arg7[%get3A_763, %get3A_764, %get3A_765] {strides = array<i32>} : memref<12x16x256xf32, #tpu.memory_space<vmem>>, vector<16xf32>,
      %add3A_767 = arith.addf %add3A_761, %get3A_766 : vector<16xf32>
      %get3A_768 = arith.constant 4 : i32
      %get3A_769 = arith.index_cast %get3A_768 : i32 to index
      %get3A_770 = arith.index_cast %scan3A_77 : i32 to index
      %get3A_771 = arith.index_cast %min3A_744 : i32 to index
      %get3A_772 = tpu.vector_load %arg7[%get3A_769, %get3A_770, %get3A_771] {strides = array<i32>} : memref<12x16x256xf32, #tpu.memory_space<vmem>>, vector<16xf32>,
      %add3A_773 = arith.addf %add3A_767, %get3A_772 : vector<16xf32>
      %get3A_774 = arith.constant 5 : i32
      %get3A_775 = arith.index_cast %get3A_774 : i32 to index
      %get3A_776 = arith.index_cast %scan3A_77 : i32 to index
      %get3A_777 = arith.index_cast %min3A_744 : i32 to index
      %get3A_778 = tpu.vector_load %arg7[%get3A_775, %get3A_776, %get3A_777] {strides = array<i32>} : memref<12x16x256xf32, #tpu.memory_space<vmem>>, vector<16xf32>,
      %add3A_779 = arith.addf %add3A_773, %get3A_778 : vector<16xf32>
      %get3A_780 = arith.constant 6 : i32
      %get3A_781 = arith.index_cast %get3A_780 : i32 to index
      %get3A_782 = arith.index_cast %scan3A_77 : i32 to index
      %get3A_783 = arith.index_cast %min3A_744 : i32 to index
      %get3A_784 = tpu.vector_load %arg7[%get3A_781, %get3A_782, %get3A_783] {strides = array<i32>} : memref<12x16x256xf32, #tpu.memory_space<vmem>>, vector<16xf32>,
      %add3A_785 = arith.addf %add3A_779, %get3A_784 : vector<16xf32>
      %get3A_786 = arith.constant 7 : i32
      %get3A_787 = arith.index_cast %get3A_786 : i32 to index
      %get3A_788 = arith.index_cast %scan3A_77 : i32 to index
      %get3A_789 = arith.index_cast %min3A_744 : i32 to index
      %get3A_790 = tpu.vector_load %arg7[%get3A_787, %get3A_788, %get3A_789] {strides = array<i32>} : memref<12x16x256xf32, #tpu.memory_space<vmem>>, vector<16xf32>,
      %add3A_791 = arith.addf %add3A_785, %get3A_790 : vector<16xf32>
      %get3A_792 = arith.constant 8 : i32
      %get3A_793 = arith.index_cast %get3A_792 : i32 to index
      %get3A_794 = arith.index_cast %scan3A_77 : i32 to index
      %get3A_795 = arith.index_cast %min3A_744 : i32 to index
      %get3A_796 = tpu.vector_load %arg7[%get3A_793, %get3A_794, %get3A_795] {strides = array<i32>} : memref<12x16x256xf32, #tpu.memory_space<vmem>>, vector<16xf32>,
      %add3A_797 = arith.addf %add3A_791, %get3A_796 : vector<16xf32>
      %get3A_798 = arith.constant 9 : i32
      %get3A_799 = arith.index_cast %get3A_798 : i32 to index
      %get3A_800 = arith.index_cast %scan3A_77 : i32 to index
      %get3A_801 = arith.index_cast %min3A_744 : i32 to index
      %get3A_802 = tpu.vector_load %arg7[%get3A_799, %get3A_800, %get3A_801] {strides = array<i32>} : memref<12x16x256xf32, #tpu.memory_space<vmem>>, vector<16xf32>,
      %add3A_803 = arith.addf %add3A_797, %get3A_802 : vector<16xf32>
      %get3A_804 = arith.constant 10 : i32
      %get3A_805 = arith.index_cast %get3A_804 : i32 to index
      %get3A_806 = arith.index_cast %scan3A_77 : i32 to index
      %get3A_807 = arith.index_cast %min3A_744 : i32 to index
      %get3A_808 = tpu.vector_load %arg7[%get3A_805, %get3A_806, %get3A_807] {strides = array<i32>} : memref<12x16x256xf32, #tpu.memory_space<vmem>>, vector<16xf32>,
      %add3A_809 = arith.addf %add3A_803, %get3A_808 : vector<16xf32>
      %get3A_810 = arith.constant 11 : i32
      %get3A_811 = arith.index_cast %get3A_810 : i32 to index
      %get3A_812 = arith.index_cast %scan3A_77 : i32 to index
      %get3A_813 = arith.index_cast %min3A_744 : i32 to index
      %get3A_814 = tpu.vector_load %arg7[%get3A_811, %get3A_812, %get3A_813] {strides = array<i32>} : memref<12x16x256xf32, #tpu.memory_space<vmem>>, vector<16xf32>,
      %add3A_815 = arith.addf %add3A_809, %get3A_814 : vector<16xf32>
      %mul3A_816 = arith.constant 0.0833333358 : f32
      %mul3A_817 = vector.broadcast %mul3A_816 : f32 to vector<16xf32>
      %mul3A_818 = arith.mulf %add3A_815, %mul3A_817 : vector<16xf32>
      %mul3A_819 = arith.constant 272 : i32
      %mul3A_820 = arith.muli %scan3A_77, %mul3A_819 : i32
      %add3A_821 = arith.addi %mul3A_820, %min3A_744 : i32
      %swap3A_822 = arith.index_cast %add3A_821 : i32 to index
      %swap3A_823 = tpu.vector_load %arg8[%swap3A_822] {strides = array<i32>} : memref<4352xf32, #tpu.memory_space<vmem>>, vector<16xf32>,
      tpu.vector_store %arg8[%swap3A_822], %mul3A_818 {strides = array<i32>} : memref<4352xf32, #tpu.memory_space<vmem>>, vector<16xf32>,
    }
    %scan3A_22 = arith.constant 16 : i32
    %get3A = arith.constant 0 : index
    %get3A_23 = tpu.vector_load %arg11[%get3A] {strides = array<i32>} : memref<96xf32, #tpu.memory_space<vmem>>, vector<16xf32>,
    %mul3A_24 = arith.constant 1.22464685E-16 : f32
    %mul3A_25 = vector.broadcast %mul3A_24 : f32 to vector<16xf32>
    %mul3A_26 = arith.mulf %get3A_23, %mul3A_25 : vector<16xf32>
    %get3A_27 = arith.constant 32 : index
    %get3A_28 = tpu.vector_load %arg11[%get3A_27] {strides = array<i32>} : memref<96xf32, #tpu.memory_space<vmem>>, vector<16xf32>,
    %mul3A_29 = arith.constant -1.000000e+00 : f32
    %mul3A_30 = vector.broadcast %mul3A_29 : f32 to vector<16xf32>
    %mul3A_31 = arith.mulf %get3A_28, %mul3A_30 : vector<16xf32>
    %add3A_32 = arith.addf %mul3A_26, %mul3A_31 : vector<16xf32>
    %get3A_33 = arith.constant 64 : index
    %get3A_34 = tpu.vector_load %arg11[%get3A_33] {strides = array<i32>} : memref<96xf32, #tpu.memory_space<vmem>>, vector<16xf32>,
    %add3A_35 = arith.addf %add3A_32, %get3A_34 : vector<16xf32>
    %get3A_36 = arith.constant 16 : index
    %get3A_37 = tpu.vector_load %arg11[%get3A_36] {strides = array<i32>} : memref<96xf32, #tpu.memory_space<vmem>>, vector<16xf32>,
    %mul3A_38 = arith.constant 1.22464685E-16 : f32
    %mul3A_39 = vector.broadcast %mul3A_38 : f32 to vector<16xf32>
    %mul3A_40 = arith.mulf %get3A_37, %mul3A_39 : vector<16xf32>
    %get3A_41 = arith.constant 48 : index
    %get3A_42 = tpu.vector_load %arg11[%get3A_41] {strides = array<i32>} : memref<96xf32, #tpu.memory_space<vmem>>, vector<16xf32>,
    %mul3A_43 = arith.constant -1.000000e+00 : f32
    %mul3A_44 = vector.broadcast %mul3A_43 : f32 to vector<16xf32>
    %mul3A_45 = arith.mulf %get3A_42, %mul3A_44 : vector<16xf32>
    %add3A_46 = arith.addf %mul3A_40, %mul3A_45 : vector<16xf32>
    %get3A_47 = arith.constant 80 : index
    %get3A_48 = tpu.vector_load %arg11[%get3A_47] {strides = array<i32>} : memref<96xf32, #tpu.memory_space<vmem>>, vector<16xf32>,
    %add3A_49 = arith.addf %add3A_46, %get3A_48 : vector<16xf32>
    %get3A_50 = arith.constant 0 : index
    %get3A_51 = tpu.vector_load %arg10[%get3A_50] {strides = array<i32>} : memref<96xf32, #tpu.memory_space<vmem>>, vector<16xf32>,
    %get3A_52 = arith.constant 16 : index
    %get3A_53 = tpu.vector_load %arg10[%get3A_52] {strides = array<i32>} : memref<96xf32, #tpu.memory_space<vmem>>, vector<16xf32>,
    %get3A_54 = arith.constant 32 : index
    %get3A_55 = tpu.vector_load %arg10[%get3A_54] {strides = array<i32>} : memref<96xf32, #tpu.memory_space<vmem>>, vector<16xf32>,
    %get3A_56 = arith.constant 48 : index
    %get3A_57 = tpu.vector_load %arg10[%get3A_56] {strides = array<i32>} : memref<96xf32, #tpu.memory_space<vmem>>, vector<16xf32>,
    %get3A_58 = arith.constant 64 : index
    %get3A_59 = tpu.vector_load %arg10[%get3A_58] {strides = array<i32>} : memref<96xf32, #tpu.memory_space<vmem>>, vector<16xf32>,
    %get3A_60 = arith.constant 80 : index
    %get3A_61 = tpu.vector_load %arg10[%get3A_60] {strides = array<i32>} : memref<96xf32, #tpu.memory_space<vmem>>, vector<16xf32>,
    %mul3A_62 = arith.constant 8 : i32
    %mul3A_63 = arith.muli %add3A, %mul3A_62 : i32
    %scan3A_64 = arith.constant 0 : i32
    %scan3A_65 = arith.constant 0 : i32
    %scan3A_66 = arith.constant 64 : i32
    %scan3A_67 = arith.addi %scan3A_65, %scan3A_66 : i32
    %scan3A_68 = arith.constant 1 : i32
    scf.for %scan3A_77 = %scan3A_65 to %scan3A_67 step %scan3A_68  : i32 {
      %shift_right_arithmetic3A = arith.constant 3 : i32
      %shift_right_arithmetic3A_78 = arith.shrsi %scan3A_77, %shift_right_arithmetic3A : i32
      %and3A = arith.constant 7 : i32
      %and3A_79 = arith.andi %scan3A_77, %and3A : i32
      %add3A_80 = arith.addi %mul3A_63, %shift_right_arithmetic3A_78 : i32
      %mul3A_81 = arith.constant 16 : i32
      %mul3A_82 = arith.muli %add3A_80, %mul3A_81 : i32
      %sub3A = arith.subi %mul3A_82, %multiple_of3A : i32
      %mul3A_83 = arith.constant 272 : i32
      %mul3A_84 = arith.muli %and3A_79, %mul3A_83 : i32
      %add3A_85 = arith.addi %sub3A, %mul3A_84 : i32
      %broadcast_in_dim3A = vector.broadcast %add3A_85 : i32 to vector<16xi32>
      %add3A_86 = arith.constant 2176 : i32
      %add3A_87 = vector.broadcast %add3A_86 : i32 to vector<16xi32>
      %add3A_88 = arith.addi %broadcast_in_dim3A, %add3A_87 : vector<16xi32>
      %add3A_89 = arith.constant 0 : i32
      %add3A_90 = vector.broadcast %add3A_89 : i32 to vector<16xi32>
      %add3A_91 = arith.addi %broadcast_in_dim3A, %add3A_90 : vector<16xi32>
      %gather3A = tpu.vector_load_idx %arg8[%add3A_91] : memref<4352xf32, #tpu.memory_space<vmem>>[vector<16xi32>], vector<16xf32>,
      %add3A_92 = arith.constant 0 : i32
      %add3A_93 = vector.broadcast %add3A_92 : i32 to vector<16xi32>
      %add3A_94 = arith.addi %add3A_88, %add3A_93 : vector<16xi32>
      %gather3A_95 = tpu.vector_load_idx %arg8[%add3A_94] : memref<4352xf32, #tpu.memory_space<vmem>>[vector<16xi32>], vector<16xf32>,
      %get3A_96 = arith.constant 0 : index
      %get3A_97 = tpu.vector_load %arg9[%get3A_96] {strides = array<i32>} : memref<3072xf32, #tpu.memory_space<vmem>>, vector<16xf32>,
      %mul3A_98 = arith.mulf %gather3A, %get3A_97 : vector<16xf32>
      %add3A_99 = arith.addf %get3A_51, %mul3A_98 : vector<16xf32>
      %mul3A_100 = arith.mulf %gather3A_95, %get3A_97 : vector<16xf32>
      %add3A_101 = arith.addf %get3A_51, %mul3A_100 : vector<16xf32>
      %get3A_102 = arith.constant 16 : index
      %get3A_103 = tpu.vector_load %arg9[%get3A_102] {strides = array<i32>} : memref<3072xf32, #tpu.memory_space<vmem>>, vector<16xf32>,
      %mul3A_104 = arith.mulf %gather3A, %get3A_103 : vector<16xf32>
      %add3A_105 = arith.addf %get3A_53, %mul3A_104 : vector<16xf32>
      %mul3A_106 = arith.mulf %gather3A_95, %get3A_103 : vector<16xf32>
      %add3A_107 = arith.addf %get3A_53, %mul3A_106 : vector<16xf32>
      %get3A_108 = arith.constant 32 : index
      %get3A_109 = tpu.vector_load %arg9[%get3A_108] {strides = array<i32>} : memref<3072xf32, #tpu.memory_space<vmem>>, vector<16xf32>,
      %mul3A_110 = arith.mulf %gather3A, %get3A_109 : vector<16xf32>
      %add3A_111 = arith.addf %get3A_55, %mul3A_110 : vector<16xf32>
      %mul3A_112 = arith.mulf %gather3A_95, %get3A_109 : vector<16xf32>
      %add3A_113 = arith.addf %get3A_55, %mul3A_112 : vector<16xf32>
      %get3A_114 = arith.constant 48 : index
      %get3A_115 = tpu.vector_load %arg9[%get3A_114] {strides = array<i32>} : memref<3072xf32, #tpu.memory_space<vmem>>, vector<16xf32>,
      %mul3A_116 = arith.mulf %gather3A, %get3A_115 : vector<16xf32>
      %add3A_117 = arith.addf %get3A_57, %mul3A_116 : vector<16xf32>
      %mul3A_118 = arith.mulf %gather3A_95, %get3A_115 : vector<16xf32>
      %add3A_119 = arith.addf %get3A_57, %mul3A_118 : vector<16xf32>
      %get3A_120 = arith.constant 64 : index
      %get3A_121 = tpu.vector_load %arg9[%get3A_120] {strides = array<i32>} : memref<3072xf32, #tpu.memory_space<vmem>>, vector<16xf32>,
      %mul3A_122 = arith.mulf %gather3A, %get3A_121 : vector<16xf32>
      %add3A_123 = arith.addf %get3A_59, %mul3A_122 : vector<16xf32>
      %mul3A_124 = arith.mulf %gather3A_95, %get3A_121 : vector<16xf32>
      %add3A_125 = arith.addf %get3A_59, %mul3A_124 : vector<16xf32>
      %get3A_126 = arith.constant 80 : index
      %get3A_127 = tpu.vector_load %arg9[%get3A_126] {strides = array<i32>} : memref<3072xf32, #tpu.memory_space<vmem>>, vector<16xf32>,
      %mul3A_128 = arith.mulf %gather3A, %get3A_127 : vector<16xf32>
      %add3A_129 = arith.addf %get3A_61, %mul3A_128 : vector<16xf32>
      %mul3A_130 = arith.mulf %gather3A_95, %get3A_127 : vector<16xf32>
      %add3A_131 = arith.addf %get3A_61, %mul3A_130 : vector<16xf32>
      %add3A_132 = arith.constant 1 : i32
      %add3A_133 = vector.broadcast %add3A_132 : i32 to vector<16xi32>
      %add3A_134 = arith.addi %broadcast_in_dim3A, %add3A_133 : vector<16xi32>
      %gather3A_135 = tpu.vector_load_idx %arg8[%add3A_134] : memref<4352xf32, #tpu.memory_space<vmem>>[vector<16xi32>], vector<16xf32>,
      %add3A_136 = arith.constant 1 : i32
      %add3A_137 = vector.broadcast %add3A_136 : i32 to vector<16xi32>
      %add3A_138 = arith.addi %add3A_88, %add3A_137 : vector<16xi32>
      %gather3A_139 = tpu.vector_load_idx %arg8[%add3A_138] : memref<4352xf32, #tpu.memory_space<vmem>>[vector<16xi32>], vector<16xf32>,
      %get3A_140 = arith.constant 96 : index
      %get3A_141 = tpu.vector_load %arg9[%get3A_140] {strides = array<i32>} : memref<3072xf32, #tpu.memory_space<vmem>>, vector<16xf32>,
      %mul3A_142 = arith.mulf %gather3A_135, %get3A_141 : vector<16xf32>
      %add3A_143 = arith.addf %add3A_99, %mul3A_142 : vector<16xf32>
      %mul3A_144 = arith.mulf %gather3A_139, %get3A_141 : vector<16xf32>
      %add3A_145 = arith.addf %add3A_101, %mul3A_144 : vector<16xf32>
      %get3A_146 = arith.constant 112 : index
      %get3A_147 = tpu.vector_load %arg9[%get3A_146] {strides = array<i32>} : memref<3072xf32, #tpu.memory_space<vmem>>, vector<16xf32>,
      %mul3A_148 = arith.mulf %gather3A_135, %get3A_147 : vector<16xf32>
      %add3A_149 = arith.addf %add3A_105, %mul3A_148 : vector<16xf32>
      %mul3A_150 = arith.mulf %gather3A_139, %get3A_147 : vector<16xf32>
      %add3A_151 = arith.addf %add3A_107, %mul3A_150 : vector<16xf32>
      %get3A_152 = arith.constant 128 : index
      %get3A_153 = tpu.vector_load %arg9[%get3A_152] {strides = array<i32>} : memref<3072xf32, #tpu.memory_space<vmem>>, vector<16xf32>,
      %mul3A_154 = arith.mulf %gather3A_135, %get3A_153 : vector<16xf32>
      %add3A_155 = arith.addf %add3A_111, %mul3A_154 : vector<16xf32>
      %mul3A_156 = arith.mulf %gather3A_139, %get3A_153 : vector<16xf32>
      %add3A_157 = arith.addf %add3A_113, %mul3A_156 : vector<16xf32>
      %get3A_158 = arith.constant 144 : index
      %get3A_159 = tpu.vector_load %arg9[%get3A_158] {strides = array<i32>} : memref<3072xf32, #tpu.memory_space<vmem>>, vector<16xf32>,
      %mul3A_160 = arith.mulf %gather3A_135, %get3A_159 : vector<16xf32>
      %add3A_161 = arith.addf %add3A_117, %mul3A_160 : vector<16xf32>
      %mul3A_162 = arith.mulf %gather3A_139, %get3A_159 : vector<16xf32>
      %add3A_163 = arith.addf %add3A_119, %mul3A_162 : vector<16xf32>
      %get3A_164 = arith.constant 160 : index
      %get3A_165 = tpu.vector_load %arg9[%get3A_164] {strides = array<i32>} : memref<3072xf32, #tpu.memory_space<vmem>>, vector<16xf32>,
      %mul3A_166 = arith.mulf %gather3A_135, %get3A_165 : vector<16xf32>
      %add3A_167 = arith.addf %add3A_123, %mul3A_166 : vector<16xf32>
      %mul3A_168 = arith.mulf %gather3A_139, %get3A_165 : vector<16xf32>
      %add3A_169 = arith.addf %add3A_125, %mul3A_168 : vector<16xf32>
      %get3A_170 = arith.constant 176 : index
      %get3A_171 = tpu.vector_load %arg9[%get3A_170] {strides = array<i32>} : memref<3072xf32, #tpu.memory_space<vmem>>, vector<16xf32>,
      %mul3A_172 = arith.mulf %gather3A_135, %get3A_171 : vector<16xf32>
      %add3A_173 = arith.addf %add3A_129, %mul3A_172 : vector<16xf32>
      %mul3A_174 = arith.mulf %gather3A_139, %get3A_171 : vector<16xf32>
      %add3A_175 = arith.addf %add3A_131, %mul3A_174 : vector<16xf32>
      %add3A_176 = arith.constant 2 : i32
      %add3A_177 = vector.broadcast %add3A_176 : i32 to vector<16xi32>
      %add3A_178 = arith.addi %broadcast_in_dim3A, %add3A_177 : vector<16xi32>
      %gather3A_179 = tpu.vector_load_idx %arg8[%add3A_178] : memref<4352xf32, #tpu.memory_space<vmem>>[vector<16xi32>], vector<16xf32>,
      %add3A_180 = arith.constant 2 : i32
      %add3A_181 = vector.broadcast %add3A_180 : i32 to vector<16xi32>
      %add3A_182 = arith.addi %add3A_88, %add3A_181 : vector<16xi32>
      %gather3A_183 = tpu.vector_load_idx %arg8[%add3A_182] : memref<4352xf32, #tpu.memory_space<vmem>>[vector<16xi32>], vector<16xf32>,
      %get3A_184 = arith.constant 192 : index
      %get3A_185 = tpu.vector_load %arg9[%get3A_184] {strides = array<i32>} : memref<3072xf32, #tpu.memory_space<vmem>>, vector<16xf32>,
      %mul3A_186 = arith.mulf %gather3A_179, %get3A_185 : vector<16xf32>
      %add3A_187 = arith.addf %add3A_143, %mul3A_186 : vector<16xf32>
      %mul3A_188 = arith.mulf %gather3A_183, %get3A_185 : vector<16xf32>
      %add3A_189 = arith.addf %add3A_145, %mul3A_188 : vector<16xf32>
      %get3A_190 = arith.constant 208 : index
      %get3A_191 = tpu.vector_load %arg9[%get3A_190] {strides = array<i32>} : memref<3072xf32, #tpu.memory_space<vmem>>, vector<16xf32>,
      %mul3A_192 = arith.mulf %gather3A_179, %get3A_191 : vector<16xf32>
      %add3A_193 = arith.addf %add3A_149, %mul3A_192 : vector<16xf32>
      %mul3A_194 = arith.mulf %gather3A_183, %get3A_191 : vector<16xf32>
      %add3A_195 = arith.addf %add3A_151, %mul3A_194 : vector<16xf32>
      %get3A_196 = arith.constant 224 : index
      %get3A_197 = tpu.vector_load %arg9[%get3A_196] {strides = array<i32>} : memref<3072xf32, #tpu.memory_space<vmem>>, vector<16xf32>,
      %mul3A_198 = arith.mulf %gather3A_179, %get3A_197 : vector<16xf32>
      %add3A_199 = arith.addf %add3A_155, %mul3A_198 : vector<16xf32>
      %mul3A_200 = arith.mulf %gather3A_183, %get3A_197 : vector<16xf32>
      %add3A_201 = arith.addf %add3A_157, %mul3A_200 : vector<16xf32>
      %get3A_202 = arith.constant 240 : index
      %get3A_203 = tpu.vector_load %arg9[%get3A_202] {strides = array<i32>} : memref<3072xf32, #tpu.memory_space<vmem>>, vector<16xf32>,
      %mul3A_204 = arith.mulf %gather3A_179, %get3A_203 : vector<16xf32>
      %add3A_205 = arith.addf %add3A_161, %mul3A_204 : vector<16xf32>
      %mul3A_206 = arith.mulf %gather3A_183, %get3A_203 : vector<16xf32>
      %add3A_207 = arith.addf %add3A_163, %mul3A_206 : vector<16xf32>
      %get3A_208 = arith.constant 256 : index
      %get3A_209 = tpu.vector_load %arg9[%get3A_208] {strides = array<i32>} : memref<3072xf32, #tpu.memory_space<vmem>>, vector<16xf32>,
      %mul3A_210 = arith.mulf %gather3A_179, %get3A_209 : vector<16xf32>
      %add3A_211 = arith.addf %add3A_167, %mul3A_210 : vector<16xf32>
      %mul3A_212 = arith.mulf %gather3A_183, %get3A_209 : vector<16xf32>
      %add3A_213 = arith.addf %add3A_169, %mul3A_212 : vector<16xf32>
      %get3A_214 = arith.constant 272 : index
      %get3A_215 = tpu.vector_load %arg9[%get3A_214] {strides = array<i32>} : memref<3072xf32, #tpu.memory_space<vmem>>, vector<16xf32>,
      %mul3A_216 = arith.mulf %gather3A_179, %get3A_215 : vector<16xf32>
      %add3A_217 = arith.addf %add3A_173, %mul3A_216 : vector<16xf32>
      %mul3A_218 = arith.mulf %gather3A_183, %get3A_215 : vector<16xf32>
      %add3A_219 = arith.addf %add3A_175, %mul3A_218 : vector<16xf32>
      %add3A_220 = arith.constant 3 : i32
      %add3A_221 = vector.broadcast %add3A_220 : i32 to vector<16xi32>
      %add3A_222 = arith.addi %broadcast_in_dim3A, %add3A_221 : vector<16xi32>
      %gather3A_223 = tpu.vector_load_idx %arg8[%add3A_222] : memref<4352xf32, #tpu.memory_space<vmem>>[vector<16xi32>], vector<16xf32>,
      %add3A_224 = arith.constant 3 : i32
      %add3A_225 = vector.broadcast %add3A_224 : i32 to vector<16xi32>
      %add3A_226 = arith.addi %add3A_88, %add3A_225 : vector<16xi32>
      %gather3A_227 = tpu.vector_load_idx %arg8[%add3A_226] : memref<4352xf32, #tpu.memory_space<vmem>>[vector<16xi32>], vector<16xf32>,
      %get3A_228 = arith.constant 288 : index
      %get3A_229 = tpu.vector_load %arg9[%get3A_228] {strides = array<i32>} : memref<3072xf32, #tpu.memory_space<vmem>>, vector<16xf32>,
      %mul3A_230 = arith.mulf %gather3A_223, %get3A_229 : vector<16xf32>
      %add3A_231 = arith.addf %add3A_187, %mul3A_230 : vector<16xf32>
      %mul3A_232 = arith.mulf %gather3A_227, %get3A_229 : vector<16xf32>
      %add3A_233 = arith.addf %add3A_189, %mul3A_232 : vector<16xf32>
      %get3A_234 = arith.constant 304 : index
      %get3A_235 = tpu.vector_load %arg9[%get3A_234] {strides = array<i32>} : memref<3072xf32, #tpu.memory_space<vmem>>, vector<16xf32>,
      %mul3A_236 = arith.mulf %gather3A_223, %get3A_235 : vector<16xf32>
      %add3A_237 = arith.addf %add3A_193, %mul3A_236 : vector<16xf32>
      %mul3A_238 = arith.mulf %gather3A_227, %get3A_235 : vector<16xf32>
      %add3A_239 = arith.addf %add3A_195, %mul3A_238 : vector<16xf32>
      %get3A_240 = arith.constant 320 : index
      %get3A_241 = tpu.vector_load %arg9[%get3A_240] {strides = array<i32>} : memref<3072xf32, #tpu.memory_space<vmem>>, vector<16xf32>,
      %mul3A_242 = arith.mulf %gather3A_223, %get3A_241 : vector<16xf32>
      %add3A_243 = arith.addf %add3A_199, %mul3A_242 : vector<16xf32>
      %mul3A_244 = arith.mulf %gather3A_227, %get3A_241 : vector<16xf32>
      %add3A_245 = arith.addf %add3A_201, %mul3A_244 : vector<16xf32>
      %get3A_246 = arith.constant 336 : index
      %get3A_247 = tpu.vector_load %arg9[%get3A_246] {strides = array<i32>} : memref<3072xf32, #tpu.memory_space<vmem>>, vector<16xf32>,
      %mul3A_248 = arith.mulf %gather3A_223, %get3A_247 : vector<16xf32>
      %add3A_249 = arith.addf %add3A_205, %mul3A_248 : vector<16xf32>
      %mul3A_250 = arith.mulf %gather3A_227, %get3A_247 : vector<16xf32>
      %add3A_251 = arith.addf %add3A_207, %mul3A_250 : vector<16xf32>
      %get3A_252 = arith.constant 352 : index
      %get3A_253 = tpu.vector_load %arg9[%get3A_252] {strides = array<i32>} : memref<3072xf32, #tpu.memory_space<vmem>>, vector<16xf32>,
      %mul3A_254 = arith.mulf %gather3A_223, %get3A_253 : vector<16xf32>
      %add3A_255 = arith.addf %add3A_211, %mul3A_254 : vector<16xf32>
      %mul3A_256 = arith.mulf %gather3A_227, %get3A_253 : vector<16xf32>
      %add3A_257 = arith.addf %add3A_213, %mul3A_256 : vector<16xf32>
      %get3A_258 = arith.constant 368 : index
      %get3A_259 = tpu.vector_load %arg9[%get3A_258] {strides = array<i32>} : memref<3072xf32, #tpu.memory_space<vmem>>, vector<16xf32>,
      %mul3A_260 = arith.mulf %gather3A_223, %get3A_259 : vector<16xf32>
      %add3A_261 = arith.addf %add3A_217, %mul3A_260 : vector<16xf32>
      %mul3A_262 = arith.mulf %gather3A_227, %get3A_259 : vector<16xf32>
      %add3A_263 = arith.addf %add3A_219, %mul3A_262 : vector<16xf32>
      %add3A_264 = arith.constant 4 : i32
      %add3A_265 = vector.broadcast %add3A_264 : i32 to vector<16xi32>
      %add3A_266 = arith.addi %broadcast_in_dim3A, %add3A_265 : vector<16xi32>
      %gather3A_267 = tpu.vector_load_idx %arg8[%add3A_266] : memref<4352xf32, #tpu.memory_space<vmem>>[vector<16xi32>], vector<16xf32>,
      %add3A_268 = arith.constant 4 : i32
      %add3A_269 = vector.broadcast %add3A_268 : i32 to vector<16xi32>
      %add3A_270 = arith.addi %add3A_88, %add3A_269 : vector<16xi32>
      %gather3A_271 = tpu.vector_load_idx %arg8[%add3A_270] : memref<4352xf32, #tpu.memory_space<vmem>>[vector<16xi32>], vector<16xf32>,
      %get3A_272 = arith.constant 384 : index
      %get3A_273 = tpu.vector_load %arg9[%get3A_272] {strides = array<i32>} : memref<3072xf32, #tpu.memory_space<vmem>>, vector<16xf32>,
      %mul3A_274 = arith.mulf %gather3A_267, %get3A_273 : vector<16xf32>
      %add3A_275 = arith.addf %add3A_231, %mul3A_274 : vector<16xf32>
      %mul3A_276 = arith.mulf %gather3A_271, %get3A_273 : vector<16xf32>
      %add3A_277 = arith.addf %add3A_233, %mul3A_276 : vector<16xf32>
      %get3A_278 = arith.constant 400 : index
      %get3A_279 = tpu.vector_load %arg9[%get3A_278] {strides = array<i32>} : memref<3072xf32, #tpu.memory_space<vmem>>, vector<16xf32>,
      %mul3A_280 = arith.mulf %gather3A_267, %get3A_279 : vector<16xf32>
      %add3A_281 = arith.addf %add3A_237, %mul3A_280 : vector<16xf32>
      %mul3A_282 = arith.mulf %gather3A_271, %get3A_279 : vector<16xf32>
      %add3A_283 = arith.addf %add3A_239, %mul3A_282 : vector<16xf32>
      %get3A_284 = arith.constant 416 : index
      %get3A_285 = tpu.vector_load %arg9[%get3A_284] {strides = array<i32>} : memref<3072xf32, #tpu.memory_space<vmem>>, vector<16xf32>,
      %mul3A_286 = arith.mulf %gather3A_267, %get3A_285 : vector<16xf32>
      %add3A_287 = arith.addf %add3A_243, %mul3A_286 : vector<16xf32>
      %mul3A_288 = arith.mulf %gather3A_271, %get3A_285 : vector<16xf32>
      %add3A_289 = arith.addf %add3A_245, %mul3A_288 : vector<16xf32>
      %get3A_290 = arith.constant 432 : index
      %get3A_291 = tpu.vector_load %arg9[%get3A_290] {strides = array<i32>} : memref<3072xf32, #tpu.memory_space<vmem>>, vector<16xf32>,
      %mul3A_292 = arith.mulf %gather3A_267, %get3A_291 : vector<16xf32>
      %add3A_293 = arith.addf %add3A_249, %mul3A_292 : vector<16xf32>
      %mul3A_294 = arith.mulf %gather3A_271, %get3A_291 : vector<16xf32>
      %add3A_295 = arith.addf %add3A_251, %mul3A_294 : vector<16xf32>
      %get3A_296 = arith.constant 448 : index
      %get3A_297 = tpu.vector_load %arg9[%get3A_296] {strides = array<i32>} : memref<3072xf32, #tpu.memory_space<vmem>>, vector<16xf32>,
      %mul3A_298 = arith.mulf %gather3A_267, %get3A_297 : vector<16xf32>
      %add3A_299 = arith.addf %add3A_255, %mul3A_298 : vector<16xf32>
      %mul3A_300 = arith.mulf %gather3A_271, %get3A_297 : vector<16xf32>
      %add3A_301 = arith.addf %add3A_257, %mul3A_300 : vector<16xf32>
      %get3A_302 = arith.constant 464 : index
      %get3A_303 = tpu.vector_load %arg9[%get3A_302] {strides = array<i32>} : memref<3072xf32, #tpu.memory_space<vmem>>, vector<16xf32>,
      %mul3A_304 = arith.mulf %gather3A_267, %get3A_303 : vector<16xf32>
      %add3A_305 = arith.addf %add3A_261, %mul3A_304 : vector<16xf32>
      %mul3A_306 = arith.mulf %gather3A_271, %get3A_303 : vector<16xf32>
      %add3A_307 = arith.addf %add3A_263, %mul3A_306 : vector<16xf32>
      %add3A_308 = arith.constant 5 : i32
      %add3A_309 = vector.broadcast %add3A_308 : i32 to vector<16xi32>
      %add3A_310 = arith.addi %broadcast_in_dim3A, %add3A_309 : vector<16xi32>
      %gather3A_311 = tpu.vector_load_idx %arg8[%add3A_310] : memref<4352xf32, #tpu.memory_space<vmem>>[vector<16xi32>], vector<16xf32>,
      %add3A_312 = arith.constant 5 : i32
      %add3A_313 = vector.broadcast %add3A_312 : i32 to vector<16xi32>
      %add3A_314 = arith.addi %add3A_88, %add3A_313 : vector<16xi32>
      %gather3A_315 = tpu.vector_load_idx %arg8[%add3A_314] : memref<4352xf32, #tpu.memory_space<vmem>>[vector<16xi32>], vector<16xf32>,
      %get3A_316 = arith.constant 480 : index
      %get3A_317 = tpu.vector_load %arg9[%get3A_316] {strides = array<i32>} : memref<3072xf32, #tpu.memory_space<vmem>>, vector<16xf32>,
      %mul3A_318 = arith.mulf %gather3A_311, %get3A_317 : vector<16xf32>
      %add3A_319 = arith.addf %add3A_275, %mul3A_318 : vector<16xf32>
      %mul3A_320 = arith.mulf %gather3A_315, %get3A_317 : vector<16xf32>
      %add3A_321 = arith.addf %add3A_277, %mul3A_320 : vector<16xf32>
      %get3A_322 = arith.constant 496 : index
      %get3A_323 = tpu.vector_load %arg9[%get3A_322] {strides = array<i32>} : memref<3072xf32, #tpu.memory_space<vmem>>, vector<16xf32>,
      %mul3A_324 = arith.mulf %gather3A_311, %get3A_323 : vector<16xf32>
      %add3A_325 = arith.addf %add3A_281, %mul3A_324 : vector<16xf32>
      %mul3A_326 = arith.mulf %gather3A_315, %get3A_323 : vector<16xf32>
      %add3A_327 = arith.addf %add3A_283, %mul3A_326 : vector<16xf32>
      %get3A_328 = arith.constant 512 : index
      %get3A_329 = tpu.vector_load %arg9[%get3A_328] {strides = array<i32>} : memref<3072xf32, #tpu.memory_space<vmem>>, vector<16xf32>,
      %mul3A_330 = arith.mulf %gather3A_311, %get3A_329 : vector<16xf32>
      %add3A_331 = arith.addf %add3A_287, %mul3A_330 : vector<16xf32>
      %mul3A_332 = arith.mulf %gather3A_315, %get3A_329 : vector<16xf32>
      %add3A_333 = arith.addf %add3A_289, %mul3A_332 : vector<16xf32>
      %get3A_334 = arith.constant 528 : index
      %get3A_335 = tpu.vector_load %arg9[%get3A_334] {strides = array<i32>} : memref<3072xf32, #tpu.memory_space<vmem>>, vector<16xf32>,
      %mul3A_336 = arith.mulf %gather3A_311, %get3A_335 : vector<16xf32>
      %add3A_337 = arith.addf %add3A_293, %mul3A_336 : vector<16xf32>
      %mul3A_338 = arith.mulf %gather3A_315, %get3A_335 : vector<16xf32>
      %add3A_339 = arith.addf %add3A_295, %mul3A_338 : vector<16xf32>
      %get3A_340 = arith.constant 544 : index
      %get3A_341 = tpu.vector_load %arg9[%get3A_340] {strides = array<i32>} : memref<3072xf32, #tpu.memory_space<vmem>>, vector<16xf32>,
      %mul3A_342 = arith.mulf %gather3A_311, %get3A_341 : vector<16xf32>
      %add3A_343 = arith.addf %add3A_299, %mul3A_342 : vector<16xf32>
      %mul3A_344 = arith.mulf %gather3A_315, %get3A_341 : vector<16xf32>
      %add3A_345 = arith.addf %add3A_301, %mul3A_344 : vector<16xf32>
      %get3A_346 = arith.constant 560 : index
      %get3A_347 = tpu.vector_load %arg9[%get3A_346] {strides = array<i32>} : memref<3072xf32, #tpu.memory_space<vmem>>, vector<16xf32>,
      %mul3A_348 = arith.mulf %gather3A_311, %get3A_347 : vector<16xf32>
      %add3A_349 = arith.addf %add3A_305, %mul3A_348 : vector<16xf32>
      %mul3A_350 = arith.mulf %gather3A_315, %get3A_347 : vector<16xf32>
      %add3A_351 = arith.addf %add3A_307, %mul3A_350 : vector<16xf32>
      %add3A_352 = arith.constant 6 : i32
      %add3A_353 = vector.broadcast %add3A_352 : i32 to vector<16xi32>
      %add3A_354 = arith.addi %broadcast_in_dim3A, %add3A_353 : vector<16xi32>
      %gather3A_355 = tpu.vector_load_idx %arg8[%add3A_354] : memref<4352xf32, #tpu.memory_space<vmem>>[vector<16xi32>], vector<16xf32>,
      %add3A_356 = arith.constant 6 : i32
      %add3A_357 = vector.broadcast %add3A_356 : i32 to vector<16xi32>
      %add3A_358 = arith.addi %add3A_88, %add3A_357 : vector<16xi32>
      %gather3A_359 = tpu.vector_load_idx %arg8[%add3A_358] : memref<4352xf32, #tpu.memory_space<vmem>>[vector<16xi32>], vector<16xf32>,
      %get3A_360 = arith.constant 576 : index
      %get3A_361 = tpu.vector_load %arg9[%get3A_360] {strides = array<i32>} : memref<3072xf32, #tpu.memory_space<vmem>>, vector<16xf32>,
      %mul3A_362 = arith.mulf %gather3A_355, %get3A_361 : vector<16xf32>
      %add3A_363 = arith.addf %add3A_319, %mul3A_362 : vector<16xf32>
      %mul3A_364 = arith.mulf %gather3A_359, %get3A_361 : vector<16xf32>
      %add3A_365 = arith.addf %add3A_321, %mul3A_364 : vector<16xf32>
      %get3A_366 = arith.constant 592 : index
      %get3A_367 = tpu.vector_load %arg9[%get3A_366] {strides = array<i32>} : memref<3072xf32, #tpu.memory_space<vmem>>, vector<16xf32>,
      %mul3A_368 = arith.mulf %gather3A_355, %get3A_367 : vector<16xf32>
      %add3A_369 = arith.addf %add3A_325, %mul3A_368 : vector<16xf32>
      %mul3A_370 = arith.mulf %gather3A_359, %get3A_367 : vector<16xf32>
      %add3A_371 = arith.addf %add3A_327, %mul3A_370 : vector<16xf32>
      %get3A_372 = arith.constant 608 : index
      %get3A_373 = tpu.vector_load %arg9[%get3A_372] {strides = array<i32>} : memref<3072xf32, #tpu.memory_space<vmem>>, vector<16xf32>,
      %mul3A_374 = arith.mulf %gather3A_355, %get3A_373 : vector<16xf32>
      %add3A_375 = arith.addf %add3A_331, %mul3A_374 : vector<16xf32>
      %mul3A_376 = arith.mulf %gather3A_359, %get3A_373 : vector<16xf32>
      %add3A_377 = arith.addf %add3A_333, %mul3A_376 : vector<16xf32>
      %get3A_378 = arith.constant 624 : index
      %get3A_379 = tpu.vector_load %arg9[%get3A_378] {strides = array<i32>} : memref<3072xf32, #tpu.memory_space<vmem>>, vector<16xf32>,
      %mul3A_380 = arith.mulf %gather3A_355, %get3A_379 : vector<16xf32>
      %add3A_381 = arith.addf %add3A_337, %mul3A_380 : vector<16xf32>
      %mul3A_382 = arith.mulf %gather3A_359, %get3A_379 : vector<16xf32>
      %add3A_383 = arith.addf %add3A_339, %mul3A_382 : vector<16xf32>
      %get3A_384 = arith.constant 640 : index
      %get3A_385 = tpu.vector_load %arg9[%get3A_384] {strides = array<i32>} : memref<3072xf32, #tpu.memory_space<vmem>>, vector<16xf32>,
      %mul3A_386 = arith.mulf %gather3A_355, %get3A_385 : vector<16xf32>
      %add3A_387 = arith.addf %add3A_343, %mul3A_386 : vector<16xf32>
      %mul3A_388 = arith.mulf %gather3A_359, %get3A_385 : vector<16xf32>
      %add3A_389 = arith.addf %add3A_345, %mul3A_388 : vector<16xf32>
      %get3A_390 = arith.constant 656 : index
      %get3A_391 = tpu.vector_load %arg9[%get3A_390] {strides = array<i32>} : memref<3072xf32, #tpu.memory_space<vmem>>, vector<16xf32>,
      %mul3A_392 = arith.mulf %gather3A_355, %get3A_391 : vector<16xf32>
      %add3A_393 = arith.addf %add3A_349, %mul3A_392 : vector<16xf32>
      %mul3A_394 = arith.mulf %gather3A_359, %get3A_391 : vector<16xf32>
      %add3A_395 = arith.addf %add3A_351, %mul3A_394 : vector<16xf32>
      %add3A_396 = arith.constant 7 : i32
      %add3A_397 = vector.broadcast %add3A_396 : i32 to vector<16xi32>
      %add3A_398 = arith.addi %broadcast_in_dim3A, %add3A_397 : vector<16xi32>
      %gather3A_399 = tpu.vector_load_idx %arg8[%add3A_398] : memref<4352xf32, #tpu.memory_space<vmem>>[vector<16xi32>], vector<16xf32>,
      %add3A_400 = arith.constant 7 : i32
      %add3A_401 = vector.broadcast %add3A_400 : i32 to vector<16xi32>
      %add3A_402 = arith.addi %add3A_88, %add3A_401 : vector<16xi32>
      %gather3A_403 = tpu.vector_load_idx %arg8[%add3A_402] : memref<4352xf32, #tpu.memory_space<vmem>>[vector<16xi32>], vector<16xf32>,
      %get3A_404 = arith.constant 672 : index
      %get3A_405 = tpu.vector_load %arg9[%get3A_404] {strides = array<i32>} : memref<3072xf32, #tpu.memory_space<vmem>>, vector<16xf32>,
      %mul3A_406 = arith.mulf %gather3A_399, %get3A_405 : vector<16xf32>
      %add3A_407 = arith.addf %add3A_363, %mul3A_406 : vector<16xf32>
      %mul3A_408 = arith.mulf %gather3A_403, %get3A_405 : vector<16xf32>
      %add3A_409 = arith.addf %add3A_365, %mul3A_408 : vector<16xf32>
      %get3A_410 = arith.constant 688 : index
      %get3A_411 = tpu.vector_load %arg9[%get3A_410] {strides = array<i32>} : memref<3072xf32, #tpu.memory_space<vmem>>, vector<16xf32>,
      %mul3A_412 = arith.mulf %gather3A_399, %get3A_411 : vector<16xf32>
      %add3A_413 = arith.addf %add3A_369, %mul3A_412 : vector<16xf32>
      %mul3A_414 = arith.mulf %gather3A_403, %get3A_411 : vector<16xf32>
      %add3A_415 = arith.addf %add3A_371, %mul3A_414 : vector<16xf32>
      %get3A_416 = arith.constant 704 : index
      %get3A_417 = tpu.vector_load %arg9[%get3A_416] {strides = array<i32>} : memref<3072xf32, #tpu.memory_space<vmem>>, vector<16xf32>,
      %mul3A_418 = arith.mulf %gather3A_399, %get3A_417 : vector<16xf32>
      %add3A_419 = arith.addf %add3A_375, %mul3A_418 : vector<16xf32>
      %mul3A_420 = arith.mulf %gather3A_403, %get3A_417 : vector<16xf32>
      %add3A_421 = arith.addf %add3A_377, %mul3A_420 : vector<16xf32>
      %get3A_422 = arith.constant 720 : index
      %get3A_423 = tpu.vector_load %arg9[%get3A_422] {strides = array<i32>} : memref<3072xf32, #tpu.memory_space<vmem>>, vector<16xf32>,
      %mul3A_424 = arith.mulf %gather3A_399, %get3A_423 : vector<16xf32>
      %add3A_425 = arith.addf %add3A_381, %mul3A_424 : vector<16xf32>
      %mul3A_426 = arith.mulf %gather3A_403, %get3A_423 : vector<16xf32>
      %add3A_427 = arith.addf %add3A_383, %mul3A_426 : vector<16xf32>
      %get3A_428 = arith.constant 736 : index
      %get3A_429 = tpu.vector_load %arg9[%get3A_428] {strides = array<i32>} : memref<3072xf32, #tpu.memory_space<vmem>>, vector<16xf32>,
      %mul3A_430 = arith.mulf %gather3A_399, %get3A_429 : vector<16xf32>
      %add3A_431 = arith.addf %add3A_387, %mul3A_430 : vector<16xf32>
      %mul3A_432 = arith.mulf %gather3A_403, %get3A_429 : vector<16xf32>
      %add3A_433 = arith.addf %add3A_389, %mul3A_432 : vector<16xf32>
      %get3A_434 = arith.constant 752 : index
      %get3A_435 = tpu.vector_load %arg9[%get3A_434] {strides = array<i32>} : memref<3072xf32, #tpu.memory_space<vmem>>, vector<16xf32>,
      %mul3A_436 = arith.mulf %gather3A_399, %get3A_435 : vector<16xf32>
      %add3A_437 = arith.addf %add3A_393, %mul3A_436 : vector<16xf32>
      %mul3A_438 = arith.mulf %gather3A_403, %get3A_435 : vector<16xf32>
      %add3A_439 = arith.addf %add3A_395, %mul3A_438 : vector<16xf32>
      %add3A_440 = arith.constant 8 : i32
      %add3A_441 = vector.broadcast %add3A_440 : i32 to vector<16xi32>
      %add3A_442 = arith.addi %broadcast_in_dim3A, %add3A_441 : vector<16xi32>
      %gather3A_443 = tpu.vector_load_idx %arg8[%add3A_442] : memref<4352xf32, #tpu.memory_space<vmem>>[vector<16xi32>], vector<16xf32>,
      %add3A_444 = arith.constant 8 : i32
      %add3A_445 = vector.broadcast %add3A_444 : i32 to vector<16xi32>
      %add3A_446 = arith.addi %add3A_88, %add3A_445 : vector<16xi32>
      %gather3A_447 = tpu.vector_load_idx %arg8[%add3A_446] : memref<4352xf32, #tpu.memory_space<vmem>>[vector<16xi32>], vector<16xf32>,
      %get3A_448 = arith.constant 768 : index
      %get3A_449 = tpu.vector_load %arg9[%get3A_448] {strides = array<i32>} : memref<3072xf32, #tpu.memory_space<vmem>>, vector<16xf32>,
      %mul3A_450 = arith.mulf %gather3A_443, %get3A_449 : vector<16xf32>
      %add3A_451 = arith.addf %add3A_407, %mul3A_450 : vector<16xf32>
      %mul3A_452 = arith.mulf %gather3A_447, %get3A_449 : vector<16xf32>
      %add3A_453 = arith.addf %add3A_409, %mul3A_452 : vector<16xf32>
      %get3A_454 = arith.constant 784 : index
      %get3A_455 = tpu.vector_load %arg9[%get3A_454] {strides = array<i32>} : memref<3072xf32, #tpu.memory_space<vmem>>, vector<16xf32>,
      %mul3A_456 = arith.mulf %gather3A_443, %get3A_455 : vector<16xf32>
      %add3A_457 = arith.addf %add3A_413, %mul3A_456 : vector<16xf32>
      %mul3A_458 = arith.mulf %gather3A_447, %get3A_455 : vector<16xf32>
      %add3A_459 = arith.addf %add3A_415, %mul3A_458 : vector<16xf32>
      %get3A_460 = arith.constant 800 : index
      %get3A_461 = tpu.vector_load %arg9[%get3A_460] {strides = array<i32>} : memref<3072xf32, #tpu.memory_space<vmem>>, vector<16xf32>,
      %mul3A_462 = arith.mulf %gather3A_443, %get3A_461 : vector<16xf32>
      %add3A_463 = arith.addf %add3A_419, %mul3A_462 : vector<16xf32>
      %mul3A_464 = arith.mulf %gather3A_447, %get3A_461 : vector<16xf32>
      %add3A_465 = arith.addf %add3A_421, %mul3A_464 : vector<16xf32>
      %get3A_466 = arith.constant 816 : index
      %get3A_467 = tpu.vector_load %arg9[%get3A_466] {strides = array<i32>} : memref<3072xf32, #tpu.memory_space<vmem>>, vector<16xf32>,
      %mul3A_468 = arith.mulf %gather3A_443, %get3A_467 : vector<16xf32>
      %add3A_469 = arith.addf %add3A_425, %mul3A_468 : vector<16xf32>
      %mul3A_470 = arith.mulf %gather3A_447, %get3A_467 : vector<16xf32>
      %add3A_471 = arith.addf %add3A_427, %mul3A_470 : vector<16xf32>
      %get3A_472 = arith.constant 832 : index
      %get3A_473 = tpu.vector_load %arg9[%get3A_472] {strides = array<i32>} : memref<3072xf32, #tpu.memory_space<vmem>>, vector<16xf32>,
      %mul3A_474 = arith.mulf %gather3A_443, %get3A_473 : vector<16xf32>
      %add3A_475 = arith.addf %add3A_431, %mul3A_474 : vector<16xf32>
      %mul3A_476 = arith.mulf %gather3A_447, %get3A_473 : vector<16xf32>
      %add3A_477 = arith.addf %add3A_433, %mul3A_476 : vector<16xf32>
      %get3A_478 = arith.constant 848 : index
      %get3A_479 = tpu.vector_load %arg9[%get3A_478] {strides = array<i32>} : memref<3072xf32, #tpu.memory_space<vmem>>, vector<16xf32>,
      %mul3A_480 = arith.mulf %gather3A_443, %get3A_479 : vector<16xf32>
      %add3A_481 = arith.addf %add3A_437, %mul3A_480 : vector<16xf32>
      %mul3A_482 = arith.mulf %gather3A_447, %get3A_479 : vector<16xf32>
      %add3A_483 = arith.addf %add3A_439, %mul3A_482 : vector<16xf32>
      %add3A_484 = arith.constant 9 : i32
      %add3A_485 = vector.broadcast %add3A_484 : i32 to vector<16xi32>
      %add3A_486 = arith.addi %broadcast_in_dim3A, %add3A_485 : vector<16xi32>
      %gather3A_487 = tpu.vector_load_idx %arg8[%add3A_486] : memref<4352xf32, #tpu.memory_space<vmem>>[vector<16xi32>], vector<16xf32>,
      %add3A_488 = arith.constant 9 : i32
      %add3A_489 = vector.broadcast %add3A_488 : i32 to vector<16xi32>
      %add3A_490 = arith.addi %add3A_88, %add3A_489 : vector<16xi32>
      %gather3A_491 = tpu.vector_load_idx %arg8[%add3A_490] : memref<4352xf32, #tpu.memory_space<vmem>>[vector<16xi32>], vector<16xf32>,
      %get3A_492 = arith.constant 864 : index
      %get3A_493 = tpu.vector_load %arg9[%get3A_492] {strides = array<i32>} : memref<3072xf32, #tpu.memory_space<vmem>>, vector<16xf32>,
      %mul3A_494 = arith.mulf %gather3A_487, %get3A_493 : vector<16xf32>
      %add3A_495 = arith.addf %add3A_451, %mul3A_494 : vector<16xf32>
      %mul3A_496 = arith.mulf %gather3A_491, %get3A_493 : vector<16xf32>
      %add3A_497 = arith.addf %add3A_453, %mul3A_496 : vector<16xf32>
      %get3A_498 = arith.constant 880 : index
      %get3A_499 = tpu.vector_load %arg9[%get3A_498] {strides = array<i32>} : memref<3072xf32, #tpu.memory_space<vmem>>, vector<16xf32>,
      %mul3A_500 = arith.mulf %gather3A_487, %get3A_499 : vector<16xf32>
      %add3A_501 = arith.addf %add3A_457, %mul3A_500 : vector<16xf32>
      %mul3A_502 = arith.mulf %gather3A_491, %get3A_499 : vector<16xf32>
      %add3A_503 = arith.addf %add3A_459, %mul3A_502 : vector<16xf32>
      %get3A_504 = arith.constant 896 : index
      %get3A_505 = tpu.vector_load %arg9[%get3A_504] {strides = array<i32>} : memref<3072xf32, #tpu.memory_space<vmem>>, vector<16xf32>,
      %mul3A_506 = arith.mulf %gather3A_487, %get3A_505 : vector<16xf32>
      %add3A_507 = arith.addf %add3A_463, %mul3A_506 : vector<16xf32>
      %mul3A_508 = arith.mulf %gather3A_491, %get3A_505 : vector<16xf32>
      %add3A_509 = arith.addf %add3A_465, %mul3A_508 : vector<16xf32>
      %get3A_510 = arith.constant 912 : index
      %get3A_511 = tpu.vector_load %arg9[%get3A_510] {strides = array<i32>} : memref<3072xf32, #tpu.memory_space<vmem>>, vector<16xf32>,
      %mul3A_512 = arith.mulf %gather3A_487, %get3A_511 : vector<16xf32>
      %add3A_513 = arith.addf %add3A_469, %mul3A_512 : vector<16xf32>
      %mul3A_514 = arith.mulf %gather3A_491, %get3A_511 : vector<16xf32>
      %add3A_515 = arith.addf %add3A_471, %mul3A_514 : vector<16xf32>
      %get3A_516 = arith.constant 928 : index
      %get3A_517 = tpu.vector_load %arg9[%get3A_516] {strides = array<i32>} : memref<3072xf32, #tpu.memory_space<vmem>>, vector<16xf32>,
      %mul3A_518 = arith.mulf %gather3A_487, %get3A_517 : vector<16xf32>
      %add3A_519 = arith.addf %add3A_475, %mul3A_518 : vector<16xf32>
      %mul3A_520 = arith.mulf %gather3A_491, %get3A_517 : vector<16xf32>
      %add3A_521 = arith.addf %add3A_477, %mul3A_520 : vector<16xf32>
      %get3A_522 = arith.constant 944 : index
      %get3A_523 = tpu.vector_load %arg9[%get3A_522] {strides = array<i32>} : memref<3072xf32, #tpu.memory_space<vmem>>, vector<16xf32>,
      %mul3A_524 = arith.mulf %gather3A_487, %get3A_523 : vector<16xf32>
      %add3A_525 = arith.addf %add3A_481, %mul3A_524 : vector<16xf32>
      %mul3A_526 = arith.mulf %gather3A_491, %get3A_523 : vector<16xf32>
      %add3A_527 = arith.addf %add3A_483, %mul3A_526 : vector<16xf32>
      %add3A_528 = arith.constant 10 : i32
      %add3A_529 = vector.broadcast %add3A_528 : i32 to vector<16xi32>
      %add3A_530 = arith.addi %broadcast_in_dim3A, %add3A_529 : vector<16xi32>
      %gather3A_531 = tpu.vector_load_idx %arg8[%add3A_530] : memref<4352xf32, #tpu.memory_space<vmem>>[vector<16xi32>], vector<16xf32>,
      %add3A_532 = arith.constant 10 : i32
      %add3A_533 = vector.broadcast %add3A_532 : i32 to vector<16xi32>
      %add3A_534 = arith.addi %add3A_88, %add3A_533 : vector<16xi32>
      %gather3A_535 = tpu.vector_load_idx %arg8[%add3A_534] : memref<4352xf32, #tpu.memory_space<vmem>>[vector<16xi32>], vector<16xf32>,
      %get3A_536 = arith.constant 960 : index
      %get3A_537 = tpu.vector_load %arg9[%get3A_536] {strides = array<i32>} : memref<3072xf32, #tpu.memory_space<vmem>>, vector<16xf32>,
      %mul3A_538 = arith.mulf %gather3A_531, %get3A_537 : vector<16xf32>
      %add3A_539 = arith.addf %add3A_495, %mul3A_538 : vector<16xf32>
      %mul3A_540 = arith.mulf %gather3A_535, %get3A_537 : vector<16xf32>
      %add3A_541 = arith.addf %add3A_497, %mul3A_540 : vector<16xf32>
      %get3A_542 = arith.constant 976 : index
      %get3A_543 = tpu.vector_load %arg9[%get3A_542] {strides = array<i32>} : memref<3072xf32, #tpu.memory_space<vmem>>, vector<16xf32>,
      %mul3A_544 = arith.mulf %gather3A_531, %get3A_543 : vector<16xf32>
      %add3A_545 = arith.addf %add3A_501, %mul3A_544 : vector<16xf32>
      %mul3A_546 = arith.mulf %gather3A_535, %get3A_543 : vector<16xf32>
      %add3A_547 = arith.addf %add3A_503, %mul3A_546 : vector<16xf32>
      %get3A_548 = arith.constant 992 : index
      %get3A_549 = tpu.vector_load %arg9[%get3A_548] {strides = array<i32>} : memref<3072xf32, #tpu.memory_space<vmem>>, vector<16xf32>,
      %mul3A_550 = arith.mulf %gather3A_531, %get3A_549 : vector<16xf32>
      %add3A_551 = arith.addf %add3A_507, %mul3A_550 : vector<16xf32>
      %mul3A_552 = arith.mulf %gather3A_535, %get3A_549 : vector<16xf32>
      %add3A_553 = arith.addf %add3A_509, %mul3A_552 : vector<16xf32>
      %get3A_554 = arith.constant 1008 : index
      %get3A_555 = tpu.vector_load %arg9[%get3A_554] {strides = array<i32>} : memref<3072xf32, #tpu.memory_space<vmem>>, vector<16xf32>,
      %mul3A_556 = arith.mulf %gather3A_531, %get3A_555 : vector<16xf32>
      %add3A_557 = arith.addf %add3A_513, %mul3A_556 : vector<16xf32>
      %mul3A_558 = arith.mulf %gather3A_535, %get3A_555 : vector<16xf32>
      %add3A_559 = arith.addf %add3A_515, %mul3A_558 : vector<16xf32>
      %get3A_560 = arith.constant 1024 : index
      %get3A_561 = tpu.vector_load %arg9[%get3A_560] {strides = array<i32>} : memref<3072xf32, #tpu.memory_space<vmem>>, vector<16xf32>,
      %mul3A_562 = arith.mulf %gather3A_531, %get3A_561 : vector<16xf32>
      %add3A_563 = arith.addf %add3A_519, %mul3A_562 : vector<16xf32>
      %mul3A_564 = arith.mulf %gather3A_535, %get3A_561 : vector<16xf32>
      %add3A_565 = arith.addf %add3A_521, %mul3A_564 : vector<16xf32>
      %get3A_566 = arith.constant 1040 : index
      %get3A_567 = tpu.vector_load %arg9[%get3A_566] {strides = array<i32>} : memref<3072xf32, #tpu.memory_space<vmem>>, vector<16xf32>,
      %mul3A_568 = arith.mulf %gather3A_531, %get3A_567 : vector<16xf32>
      %add3A_569 = arith.addf %add3A_525, %mul3A_568 : vector<16xf32>
      %mul3A_570 = arith.mulf %gather3A_535, %get3A_567 : vector<16xf32>
      %add3A_571 = arith.addf %add3A_527, %mul3A_570 : vector<16xf32>
      %add3A_572 = arith.constant 11 : i32
      %add3A_573 = vector.broadcast %add3A_572 : i32 to vector<16xi32>
      %add3A_574 = arith.addi %broadcast_in_dim3A, %add3A_573 : vector<16xi32>
      %gather3A_575 = tpu.vector_load_idx %arg8[%add3A_574] : memref<4352xf32, #tpu.memory_space<vmem>>[vector<16xi32>], vector<16xf32>,
      %add3A_576 = arith.constant 11 : i32
      %add3A_577 = vector.broadcast %add3A_576 : i32 to vector<16xi32>
      %add3A_578 = arith.addi %add3A_88, %add3A_577 : vector<16xi32>
      %gather3A_579 = tpu.vector_load_idx %arg8[%add3A_578] : memref<4352xf32, #tpu.memory_space<vmem>>[vector<16xi32>], vector<16xf32>,
      %get3A_580 = arith.constant 1056 : index
      %get3A_581 = tpu.vector_load %arg9[%get3A_580] {strides = array<i32>} : memref<3072xf32, #tpu.memory_space<vmem>>, vector<16xf32>,
      %mul3A_582 = arith.mulf %gather3A_575, %get3A_581 : vector<16xf32>
      %add3A_583 = arith.addf %add3A_539, %mul3A_582 : vector<16xf32>
      %mul3A_584 = arith.mulf %gather3A_579, %get3A_581 : vector<16xf32>
      %add3A_585 = arith.addf %add3A_541, %mul3A_584 : vector<16xf32>
      %get3A_586 = arith.constant 1072 : index
      %get3A_587 = tpu.vector_load %arg9[%get3A_586] {strides = array<i32>} : memref<3072xf32, #tpu.memory_space<vmem>>, vector<16xf32>,
      %mul3A_588 = arith.mulf %gather3A_575, %get3A_587 : vector<16xf32>
      %add3A_589 = arith.addf %add3A_545, %mul3A_588 : vector<16xf32>
      %mul3A_590 = arith.mulf %gather3A_579, %get3A_587 : vector<16xf32>
      %add3A_591 = arith.addf %add3A_547, %mul3A_590 : vector<16xf32>
      %get3A_592 = arith.constant 1088 : index
      %get3A_593 = tpu.vector_load %arg9[%get3A_592] {strides = array<i32>} : memref<3072xf32, #tpu.memory_space<vmem>>, vector<16xf32>,
      %mul3A_594 = arith.mulf %gather3A_575, %get3A_593 : vector<16xf32>
      %add3A_595 = arith.addf %add3A_551, %mul3A_594 : vector<16xf32>
      %mul3A_596 = arith.mulf %gather3A_579, %get3A_593 : vector<16xf32>
      %add3A_597 = arith.addf %add3A_553, %mul3A_596 : vector<16xf32>
      %get3A_598 = arith.constant 1104 : index
      %get3A_599 = tpu.vector_load %arg9[%get3A_598] {strides = array<i32>} : memref<3072xf32, #tpu.memory_space<vmem>>, vector<16xf32>,
      %mul3A_600 = arith.mulf %gather3A_575, %get3A_599 : vector<16xf32>
      %add3A_601 = arith.addf %add3A_557, %mul3A_600 : vector<16xf32>
      %mul3A_602 = arith.mulf %gather3A_579, %get3A_599 : vector<16xf32>
      %add3A_603 = arith.addf %add3A_559, %mul3A_602 : vector<16xf32>
      %get3A_604 = arith.constant 1120 : index
      %get3A_605 = tpu.vector_load %arg9[%get3A_604] {strides = array<i32>} : memref<3072xf32, #tpu.memory_space<vmem>>, vector<16xf32>,
      %mul3A_606 = arith.mulf %gather3A_575, %get3A_605 : vector<16xf32>
      %add3A_607 = arith.addf %add3A_563, %mul3A_606 : vector<16xf32>
      %mul3A_608 = arith.mulf %gather3A_579, %get3A_605 : vector<16xf32>
      %add3A_609 = arith.addf %add3A_565, %mul3A_608 : vector<16xf32>
      %get3A_610 = arith.constant 1136 : index
      %get3A_611 = tpu.vector_load %arg9[%get3A_610] {strides = array<i32>} : memref<3072xf32, #tpu.memory_space<vmem>>, vector<16xf32>,
      %mul3A_612 = arith.mulf %gather3A_575, %get3A_611 : vector<16xf32>
      %add3A_613 = arith.addf %add3A_569, %mul3A_612 : vector<16xf32>
      %mul3A_614 = arith.mulf %gather3A_579, %get3A_611 : vector<16xf32>
      %add3A_615 = arith.addf %add3A_571, %mul3A_614 : vector<16xf32>
      %add3A_616 = arith.constant 12 : i32
      %add3A_617 = vector.broadcast %add3A_616 : i32 to vector<16xi32>
      %add3A_618 = arith.addi %broadcast_in_dim3A, %add3A_617 : vector<16xi32>
      %gather3A_619 = tpu.vector_load_idx %arg8[%add3A_618] : memref<4352xf32, #tpu.memory_space<vmem>>[vector<16xi32>], vector<16xf32>,
      %add3A_620 = arith.constant 12 : i32
      %add3A_621 = vector.broadcast %add3A_620 : i32 to vector<16xi32>
      %add3A_622 = arith.addi %add3A_88, %add3A_621 : vector<16xi32>
      %gather3A_623 = tpu.vector_load_idx %arg8[%add3A_622] : memref<4352xf32, #tpu.memory_space<vmem>>[vector<16xi32>], vector<16xf32>,
      %get3A_624 = arith.constant 1152 : index
      %get3A_625 = tpu.vector_load %arg9[%get3A_624] {strides = array<i32>} : memref<3072xf32, #tpu.memory_space<vmem>>, vector<16xf32>,
      %mul3A_626 = arith.mulf %gather3A_619, %get3A_625 : vector<16xf32>
      %add3A_627 = arith.addf %add3A_583, %mul3A_626 : vector<16xf32>
      %mul3A_628 = arith.mulf %gather3A_623, %get3A_625 : vector<16xf32>
      %add3A_629 = arith.addf %add3A_585, %mul3A_628 : vector<16xf32>
      %get3A_630 = arith.constant 1168 : index
      %get3A_631 = tpu.vector_load %arg9[%get3A_630] {strides = array<i32>} : memref<3072xf32, #tpu.memory_space<vmem>>, vector<16xf32>,
      %mul3A_632 = arith.mulf %gather3A_619, %get3A_631 : vector<16xf32>
      %add3A_633 = arith.addf %add3A_589, %mul3A_632 : vector<16xf32>
      %mul3A_634 = arith.mulf %gather3A_623, %get3A_631 : vector<16xf32>
      %add3A_635 = arith.addf %add3A_591, %mul3A_634 : vector<16xf32>
      %get3A_636 = arith.constant 1184 : index
      %get3A_637 = tpu.vector_load %arg9[%get3A_636] {strides = array<i32>} : memref<3072xf32, #tpu.memory_space<vmem>>, vector<16xf32>,
      %mul3A_638 = arith.mulf %gather3A_619, %get3A_637 : vector<16xf32>
      %add3A_639 = arith.addf %add3A_595, %mul3A_638 : vector<16xf32>
      %mul3A_640 = arith.mulf %gather3A_623, %get3A_637 : vector<16xf32>
      %add3A_641 = arith.addf %add3A_597, %mul3A_640 : vector<16xf32>
      %get3A_642 = arith.constant 1200 : index
      %get3A_643 = tpu.vector_load %arg9[%get3A_642] {strides = array<i32>} : memref<3072xf32, #tpu.memory_space<vmem>>, vector<16xf32>,
      %mul3A_644 = arith.mulf %gather3A_619, %get3A_643 : vector<16xf32>
      %add3A_645 = arith.addf %add3A_601, %mul3A_644 : vector<16xf32>
      %mul3A_646 = arith.mulf %gather3A_623, %get3A_643 : vector<16xf32>
      %add3A_647 = arith.addf %add3A_603, %mul3A_646 : vector<16xf32>
      %get3A_648 = arith.constant 1216 : index
      %get3A_649 = tpu.vector_load %arg9[%get3A_648] {strides = array<i32>} : memref<3072xf32, #tpu.memory_space<vmem>>, vector<16xf32>,
      %mul3A_650 = arith.mulf %gather3A_619, %get3A_649 : vector<16xf32>
      %add3A_651 = arith.addf %add3A_607, %mul3A_650 : vector<16xf32>
      %mul3A_652 = arith.mulf %gather3A_623, %get3A_649 : vector<16xf32>
      %add3A_653 = arith.addf %add3A_609, %mul3A_652 : vector<16xf32>
      %get3A_654 = arith.constant 1232 : index
      %get3A_655 = tpu.vector_load %arg9[%get3A_654] {strides = array<i32>} : memref<3072xf32, #tpu.memory_space<vmem>>, vector<16xf32>,
      %mul3A_656 = arith.mulf %gather3A_619, %get3A_655 : vector<16xf32>
      %add3A_657 = arith.addf %add3A_613, %mul3A_656 : vector<16xf32>
      %mul3A_658 = arith.mulf %gather3A_623, %get3A_655 : vector<16xf32>
      %add3A_659 = arith.addf %add3A_615, %mul3A_658 : vector<16xf32>
      %add3A_660 = arith.constant 13 : i32
      %add3A_661 = vector.broadcast %add3A_660 : i32 to vector<16xi32>
      %add3A_662 = arith.addi %broadcast_in_dim3A, %add3A_661 : vector<16xi32>
      %gather3A_663 = tpu.vector_load_idx %arg8[%add3A_662] : memref<4352xf32, #tpu.memory_space<vmem>>[vector<16xi32>], vector<16xf32>,
      %add3A_664 = arith.constant 13 : i32
      %add3A_665 = vector.broadcast %add3A_664 : i32 to vector<16xi32>
      %add3A_666 = arith.addi %add3A_88, %add3A_665 : vector<16xi32>
      %gather3A_667 = tpu.vector_load_idx %arg8[%add3A_666] : memref<4352xf32, #tpu.memory_space<vmem>>[vector<16xi32>], vector<16xf32>,
      %get3A_668 = arith.constant 1248 : index
      %get3A_669 = tpu.vector_load %arg9[%get3A_668] {strides = array<i32>} : memref<3072xf32, #tpu.memory_space<vmem>>, vector<16xf32>,
      %mul3A_670 = arith.mulf %gather3A_663, %get3A_669 : vector<16xf32>
      %add3A_671 = arith.addf %add3A_627, %mul3A_670 : vector<16xf32>
      %mul3A_672 = arith.mulf %gather3A_667, %get3A_669 : vector<16xf32>
      %add3A_673 = arith.addf %add3A_629, %mul3A_672 : vector<16xf32>
      %get3A_674 = arith.constant 1264 : index
      %get3A_675 = tpu.vector_load %arg9[%get3A_674] {strides = array<i32>} : memref<3072xf32, #tpu.memory_space<vmem>>, vector<16xf32>,
      %mul3A_676 = arith.mulf %gather3A_663, %get3A_675 : vector<16xf32>
      %add3A_677 = arith.addf %add3A_633, %mul3A_676 : vector<16xf32>
      %mul3A_678 = arith.mulf %gather3A_667, %get3A_675 : vector<16xf32>
      %add3A_679 = arith.addf %add3A_635, %mul3A_678 : vector<16xf32>
      %get3A_680 = arith.constant 1280 : index
      %get3A_681 = tpu.vector_load %arg9[%get3A_680] {strides = array<i32>} : memref<3072xf32, #tpu.memory_space<vmem>>, vector<16xf32>,
      %mul3A_682 = arith.mulf %gather3A_663, %get3A_681 : vector<16xf32>
      %add3A_683 = arith.addf %add3A_639, %mul3A_682 : vector<16xf32>
      %mul3A_684 = arith.mulf %gather3A_667, %get3A_681 : vector<16xf32>
      %add3A_685 = arith.addf %add3A_641, %mul3A_684 : vector<16xf32>
      %get3A_686 = arith.constant 1296 : index
      %get3A_687 = tpu.vector_load %arg9[%get3A_686] {strides = array<i32>} : memref<3072xf32, #tpu.memory_space<vmem>>, vector<16xf32>,
      %mul3A_688 = arith.mulf %gather3A_663, %get3A_687 : vector<16xf32>
      %add3A_689 = arith.addf %add3A_645, %mul3A_688 : vector<16xf32>
      %mul3A_690 = arith.mulf %gather3A_667, %get3A_687 : vector<16xf32>
      %add3A_691 = arith.addf %add3A_647, %mul3A_690 : vector<16xf32>
      %get3A_692 = arith.constant 1312 : index
      %get3A_693 = tpu.vector_load %arg9[%get3A_692] {strides = array<i32>} : memref<3072xf32, #tpu.memory_space<vmem>>, vector<16xf32>,
      %mul3A_694 = arith.mulf %gather3A_663, %get3A_693 : vector<16xf32>
      %add3A_695 = arith.addf %add3A_651, %mul3A_694 : vector<16xf32>
      %mul3A_696 = arith.mulf %gather3A_667, %get3A_693 : vector<16xf32>
      %add3A_697 = arith.addf %add3A_653, %mul3A_696 : vector<16xf32>
      %get3A_698 = arith.constant 1328 : index
      %get3A_699 = tpu.vector_load %arg9[%get3A_698] {strides = array<i32>} : memref<3072xf32, #tpu.memory_space<vmem>>, vector<16xf32>,
      %mul3A_700 = arith.mulf %gather3A_663, %get3A_699 : vector<16xf32>
      %add3A_701 = arith.addf %add3A_657, %mul3A_700 : vector<16xf32>
      %mul3A_702 = arith.mulf %gather3A_667, %get3A_699 : vector<16xf32>
      %add3A_703 = arith.addf %add3A_659, %mul3A_702 : vector<16xf32>
      %add3A_704 = arith.constant 14 : i32
      %add3A_705 = vector.broadcast %add3A_704 : i32 to vector<16xi32>
      %add3A_706 = arith.addi %broadcast_in_dim3A, %add3A_705 : vector<16xi32>
      %gather3A_707 = tpu.vector_load_idx %arg8[%add3A_706] : memref<4352xf32, #tpu.memory_space<vmem>>[vector<16xi32>], vector<16xf32>,
      %add3A_708 = arith.constant 14 : i32
      %add3A_709 = vector.broadcast %add3A_708 : i32 to vector<16xi32>
      %add3A_710 = arith.addi %add3A_88, %add3A_709 : vector<16xi32>
      %gather3A_711 = tpu.vector_load_idx %arg8[%add3A_710] : memref<4352xf32, #tpu.memory_space<vmem>>[vector<16xi32>], vector<16xf32>,
      %get3A_712 = arith.constant 1344 : index
      %get3A_713 = tpu.vector_load %arg9[%get3A_712] {strides = array<i32>} : memref<3072xf32, #tpu.memory_space<vmem>>, vector<16xf32>,
      %mul3A_714 = arith.mulf %gather3A_707, %get3A_713 : vector<16xf32>
      %add3A_715 = arith.addf %add3A_671, %mul3A_714 : vector<16xf32>
      %mul3A_716 = arith.mulf %gather3A_711, %get3A_713 : vector<16xf32>
      %add3A_717 = arith.addf %add3A_673, %mul3A_716 : vector<16xf32>
      %get3A_718 = arith.constant 1360 : index
      %get3A_719 = tpu.vector_load %arg9[%get3A_718] {strides = array<i32>} : memref<3072xf32, #tpu.memory_space<vmem>>, vector<16xf32>,
      %mul3A_720 = arith.mulf %gather3A_707, %get3A_719 : vector<16xf32>
      %add3A_721 = arith.addf %add3A_677, %mul3A_720 : vector<16xf32>
      %mul3A_722 = arith.mulf %gather3A_711, %get3A_719 : vector<16xf32>
      %add3A_723 = arith.addf %add3A_679, %mul3A_722 : vector<16xf32>
      %get3A_724 = arith.constant 1376 : index
      %get3A_725 = tpu.vector_load %arg9[%get3A_724] {strides = array<i32>} : memref<3072xf32, #tpu.memory_space<vmem>>, vector<16xf32>,
      %mul3A_726 = arith.mulf %gather3A_707, %get3A_725 : vector<16xf32>
      %add3A_727 = arith.addf %add3A_683, %mul3A_726 : vector<16xf32>
      %mul3A_728 = arith.mulf %gather3A_711, %get3A_725 : vector<16xf32>
      %add3A_729 = arith.addf %add3A_685, %mul3A_728 : vector<16xf32>
      %get3A_730 = arith.constant 1392 : index
      %get3A_731 = tpu.vector_load %arg9[%get3A_730] {strides = array<i32>} : memref<3072xf32, #tpu.memory_space<vmem>>, vector<16xf32>,
      %mul3A_732 = arith.mulf %gather3A_707, %get3A_731 : vector<16xf32>
      %add3A_733 = arith.addf %add3A_689, %mul3A_732 : vector<16xf32>
      %mul3A_734 = arith.mulf %gather3A_711, %get3A_731 : vector<16xf32>
      %add3A_735 = arith.addf %add3A_691, %mul3A_734 : vector<16xf32>
      %get3A_736 = arith.constant 1408 : index
      %get3A_737 = tpu.vector_load %arg9[%get3A_736] {strides = array<i32>} : memref<3072xf32, #tpu.memory_space<vmem>>, vector<16xf32>,
      %mul3A_738 = arith.mulf %gather3A_707, %get3A_737 : vector<16xf32>
      %add3A_739 = arith.addf %add3A_695, %mul3A_738 : vector<16xf32>
      %mul3A_740 = arith.mulf %gather3A_711, %get3A_737 : vector<16xf32>
      %add3A_741 = arith.addf %add3A_697, %mul3A_740 : vector<16xf32>
      %get3A_742 = arith.constant 1424 : index
      %get3A_743 = tpu.vector_load %arg9[%get3A_742] {strides = array<i32>} : memref<3072xf32, #tpu.memory_space<vmem>>, vector<16xf32>,
      %mul3A_744 = arith.mulf %gather3A_707, %get3A_743 : vector<16xf32>
      %add3A_745 = arith.addf %add3A_701, %mul3A_744 : vector<16xf32>
      %mul3A_746 = arith.mulf %gather3A_711, %get3A_743 : vector<16xf32>
      %add3A_747 = arith.addf %add3A_703, %mul3A_746 : vector<16xf32>
      %add3A_748 = arith.constant 15 : i32
      %add3A_749 = vector.broadcast %add3A_748 : i32 to vector<16xi32>
      %add3A_750 = arith.addi %broadcast_in_dim3A, %add3A_749 : vector<16xi32>
      %gather3A_751 = tpu.vector_load_idx %arg8[%add3A_750] : memref<4352xf32, #tpu.memory_space<vmem>>[vector<16xi32>], vector<16xf32>,
      %add3A_752 = arith.constant 15 : i32
      %add3A_753 = vector.broadcast %add3A_752 : i32 to vector<16xi32>
      %add3A_754 = arith.addi %add3A_88, %add3A_753 : vector<16xi32>
      %gather3A_755 = tpu.vector_load_idx %arg8[%add3A_754] : memref<4352xf32, #tpu.memory_space<vmem>>[vector<16xi32>], vector<16xf32>,
      %get3A_756 = arith.constant 1440 : index
      %get3A_757 = tpu.vector_load %arg9[%get3A_756] {strides = array<i32>} : memref<3072xf32, #tpu.memory_space<vmem>>, vector<16xf32>,
      %mul3A_758 = arith.mulf %gather3A_751, %get3A_757 : vector<16xf32>
      %add3A_759 = arith.addf %add3A_715, %mul3A_758 : vector<16xf32>
      %mul3A_760 = arith.mulf %gather3A_755, %get3A_757 : vector<16xf32>
      %add3A_761 = arith.addf %add3A_717, %mul3A_760 : vector<16xf32>
      %get3A_762 = arith.constant 1456 : index
      %get3A_763 = tpu.vector_load %arg9[%get3A_762] {strides = array<i32>} : memref<3072xf32, #tpu.memory_space<vmem>>, vector<16xf32>,
      %mul3A_764 = arith.mulf %gather3A_751, %get3A_763 : vector<16xf32>
      %add3A_765 = arith.addf %add3A_721, %mul3A_764 : vector<16xf32>
      %mul3A_766 = arith.mulf %gather3A_755, %get3A_763 : vector<16xf32>
      %add3A_767 = arith.addf %add3A_723, %mul3A_766 : vector<16xf32>
      %get3A_768 = arith.constant 1472 : index
      %get3A_769 = tpu.vector_load %arg9[%get3A_768] {strides = array<i32>} : memref<3072xf32, #tpu.memory_space<vmem>>, vector<16xf32>,
      %mul3A_770 = arith.mulf %gather3A_751, %get3A_769 : vector<16xf32>
      %add3A_771 = arith.addf %add3A_727, %mul3A_770 : vector<16xf32>
      %mul3A_772 = arith.mulf %gather3A_755, %get3A_769 : vector<16xf32>
      %add3A_773 = arith.addf %add3A_729, %mul3A_772 : vector<16xf32>
      %get3A_774 = arith.constant 1488 : index
      %get3A_775 = tpu.vector_load %arg9[%get3A_774] {strides = array<i32>} : memref<3072xf32, #tpu.memory_space<vmem>>, vector<16xf32>,
      %mul3A_776 = arith.mulf %gather3A_751, %get3A_775 : vector<16xf32>
      %add3A_777 = arith.addf %add3A_733, %mul3A_776 : vector<16xf32>
      %mul3A_778 = arith.mulf %gather3A_755, %get3A_775 : vector<16xf32>
      %add3A_779 = arith.addf %add3A_735, %mul3A_778 : vector<16xf32>
      %get3A_780 = arith.constant 1504 : index
      %get3A_781 = tpu.vector_load %arg9[%get3A_780] {strides = array<i32>} : memref<3072xf32, #tpu.memory_space<vmem>>, vector<16xf32>,
      %mul3A_782 = arith.mulf %gather3A_751, %get3A_781 : vector<16xf32>
      %add3A_783 = arith.addf %add3A_739, %mul3A_782 : vector<16xf32>
      %mul3A_784 = arith.mulf %gather3A_755, %get3A_781 : vector<16xf32>
      %add3A_785 = arith.addf %add3A_741, %mul3A_784 : vector<16xf32>
      %get3A_786 = arith.constant 1520 : index
      %get3A_787 = tpu.vector_load %arg9[%get3A_786] {strides = array<i32>} : memref<3072xf32, #tpu.memory_space<vmem>>, vector<16xf32>,
      %mul3A_788 = arith.mulf %gather3A_751, %get3A_787 : vector<16xf32>
      %add3A_789 = arith.addf %add3A_745, %mul3A_788 : vector<16xf32>
      %mul3A_790 = arith.mulf %gather3A_755, %get3A_787 : vector<16xf32>
      %add3A_791 = arith.addf %add3A_747, %mul3A_790 : vector<16xf32>
      %add3A_792 = arith.constant 16 : i32
      %add3A_793 = vector.broadcast %add3A_792 : i32 to vector<16xi32>
      %add3A_794 = arith.addi %broadcast_in_dim3A, %add3A_793 : vector<16xi32>
      %gather3A_795 = tpu.vector_load_idx %arg8[%add3A_794] : memref<4352xf32, #tpu.memory_space<vmem>>[vector<16xi32>], vector<16xf32>,
      %add3A_796 = arith.constant 16 : i32
      %add3A_797 = vector.broadcast %add3A_796 : i32 to vector<16xi32>
      %add3A_798 = arith.addi %add3A_88, %add3A_797 : vector<16xi32>
      %gather3A_799 = tpu.vector_load_idx %arg8[%add3A_798] : memref<4352xf32, #tpu.memory_space<vmem>>[vector<16xi32>], vector<16xf32>,
      %get3A_800 = arith.constant 1536 : index
      %get3A_801 = tpu.vector_load %arg9[%get3A_800] {strides = array<i32>} : memref<3072xf32, #tpu.memory_space<vmem>>, vector<16xf32>,
      %mul3A_802 = arith.mulf %gather3A_795, %get3A_801 : vector<16xf32>
      %add3A_803 = arith.addf %add3A_759, %mul3A_802 : vector<16xf32>
      %mul3A_804 = arith.mulf %gather3A_799, %get3A_801 : vector<16xf32>
      %add3A_805 = arith.addf %add3A_761, %mul3A_804 : vector<16xf32>
      %get3A_806 = arith.constant 1552 : index
      %get3A_807 = tpu.vector_load %arg9[%get3A_806] {strides = array<i32>} : memref<3072xf32, #tpu.memory_space<vmem>>, vector<16xf32>,
      %mul3A_808 = arith.mulf %gather3A_795, %get3A_807 : vector<16xf32>
      %add3A_809 = arith.addf %add3A_765, %mul3A_808 : vector<16xf32>
      %mul3A_810 = arith.mulf %gather3A_799, %get3A_807 : vector<16xf32>
      %add3A_811 = arith.addf %add3A_767, %mul3A_810 : vector<16xf32>
      %get3A_812 = arith.constant 1568 : index
      %get3A_813 = tpu.vector_load %arg9[%get3A_812] {strides = array<i32>} : memref<3072xf32, #tpu.memory_space<vmem>>, vector<16xf32>,
      %mul3A_814 = arith.mulf %gather3A_795, %get3A_813 : vector<16xf32>
      %add3A_815 = arith.addf %add3A_771, %mul3A_814 : vector<16xf32>
      %mul3A_816 = arith.mulf %gather3A_799, %get3A_813 : vector<16xf32>
      %add3A_817 = arith.addf %add3A_773, %mul3A_816 : vector<16xf32>
      %get3A_818 = arith.constant 1584 : index
      %get3A_819 = tpu.vector_load %arg9[%get3A_818] {strides = array<i32>} : memref<3072xf32, #tpu.memory_space<vmem>>, vector<16xf32>,
      %mul3A_820 = arith.mulf %gather3A_795, %get3A_819 : vector<16xf32>
      %add3A_821 = arith.addf %add3A_777, %mul3A_820 : vector<16xf32>
      %mul3A_822 = arith.mulf %gather3A_799, %get3A_819 : vector<16xf32>
      %add3A_823 = arith.addf %add3A_779, %mul3A_822 : vector<16xf32>
      %get3A_824 = arith.constant 1600 : index
      %get3A_825 = tpu.vector_load %arg9[%get3A_824] {strides = array<i32>} : memref<3072xf32, #tpu.memory_space<vmem>>, vector<16xf32>,
      %mul3A_826 = arith.mulf %gather3A_795, %get3A_825 : vector<16xf32>
      %add3A_827 = arith.addf %add3A_783, %mul3A_826 : vector<16xf32>
      %mul3A_828 = arith.mulf %gather3A_799, %get3A_825 : vector<16xf32>
      %add3A_829 = arith.addf %add3A_785, %mul3A_828 : vector<16xf32>
      %get3A_830 = arith.constant 1616 : index
      %get3A_831 = tpu.vector_load %arg9[%get3A_830] {strides = array<i32>} : memref<3072xf32, #tpu.memory_space<vmem>>, vector<16xf32>,
      %mul3A_832 = arith.mulf %gather3A_795, %get3A_831 : vector<16xf32>
      %add3A_833 = arith.addf %add3A_789, %mul3A_832 : vector<16xf32>
      %mul3A_834 = arith.mulf %gather3A_799, %get3A_831 : vector<16xf32>
      %add3A_835 = arith.addf %add3A_791, %mul3A_834 : vector<16xf32>
      %add3A_836 = arith.constant 17 : i32
      %add3A_837 = vector.broadcast %add3A_836 : i32 to vector<16xi32>
      %add3A_838 = arith.addi %broadcast_in_dim3A, %add3A_837 : vector<16xi32>
      %gather3A_839 = tpu.vector_load_idx %arg8[%add3A_838] : memref<4352xf32, #tpu.memory_space<vmem>>[vector<16xi32>], vector<16xf32>,
      %add3A_840 = arith.constant 17 : i32
      %add3A_841 = vector.broadcast %add3A_840 : i32 to vector<16xi32>
      %add3A_842 = arith.addi %add3A_88, %add3A_841 : vector<16xi32>
      %gather3A_843 = tpu.vector_load_idx %arg8[%add3A_842] : memref<4352xf32, #tpu.memory_space<vmem>>[vector<16xi32>], vector<16xf32>,
      %get3A_844 = arith.constant 1632 : index
      %get3A_845 = tpu.vector_load %arg9[%get3A_844] {strides = array<i32>} : memref<3072xf32, #tpu.memory_space<vmem>>, vector<16xf32>,
      %mul3A_846 = arith.mulf %gather3A_839, %get3A_845 : vector<16xf32>
      %add3A_847 = arith.addf %add3A_803, %mul3A_846 : vector<16xf32>
      %mul3A_848 = arith.mulf %gather3A_843, %get3A_845 : vector<16xf32>
      %add3A_849 = arith.addf %add3A_805, %mul3A_848 : vector<16xf32>
      %get3A_850 = arith.constant 1648 : index
      %get3A_851 = tpu.vector_load %arg9[%get3A_850] {strides = array<i32>} : memref<3072xf32, #tpu.memory_space<vmem>>, vector<16xf32>,
      %mul3A_852 = arith.mulf %gather3A_839, %get3A_851 : vector<16xf32>
      %add3A_853 = arith.addf %add3A_809, %mul3A_852 : vector<16xf32>
      %mul3A_854 = arith.mulf %gather3A_843, %get3A_851 : vector<16xf32>
      %add3A_855 = arith.addf %add3A_811, %mul3A_854 : vector<16xf32>
      %get3A_856 = arith.constant 1664 : index
      %get3A_857 = tpu.vector_load %arg9[%get3A_856] {strides = array<i32>} : memref<3072xf32, #tpu.memory_space<vmem>>, vector<16xf32>,
      %mul3A_858 = arith.mulf %gather3A_839, %get3A_857 : vector<16xf32>
      %add3A_859 = arith.addf %add3A_815, %mul3A_858 : vector<16xf32>
      %mul3A_860 = arith.mulf %gather3A_843, %get3A_857 : vector<16xf32>
      %add3A_861 = arith.addf %add3A_817, %mul3A_860 : vector<16xf32>
      %get3A_862 = arith.constant 1680 : index
      %get3A_863 = tpu.vector_load %arg9[%get3A_862] {strides = array<i32>} : memref<3072xf32, #tpu.memory_space<vmem>>, vector<16xf32>,
      %mul3A_864 = arith.mulf %gather3A_839, %get3A_863 : vector<16xf32>
      %add3A_865 = arith.addf %add3A_821, %mul3A_864 : vector<16xf32>
      %mul3A_866 = arith.mulf %gather3A_843, %get3A_863 : vector<16xf32>
      %add3A_867 = arith.addf %add3A_823, %mul3A_866 : vector<16xf32>
      %get3A_868 = arith.constant 1696 : index
      %get3A_869 = tpu.vector_load %arg9[%get3A_868] {strides = array<i32>} : memref<3072xf32, #tpu.memory_space<vmem>>, vector<16xf32>,
      %mul3A_870 = arith.mulf %gather3A_839, %get3A_869 : vector<16xf32>
      %add3A_871 = arith.addf %add3A_827, %mul3A_870 : vector<16xf32>
      %mul3A_872 = arith.mulf %gather3A_843, %get3A_869 : vector<16xf32>
      %add3A_873 = arith.addf %add3A_829, %mul3A_872 : vector<16xf32>
      %get3A_874 = arith.constant 1712 : index
      %get3A_875 = tpu.vector_load %arg9[%get3A_874] {strides = array<i32>} : memref<3072xf32, #tpu.memory_space<vmem>>, vector<16xf32>,
      %mul3A_876 = arith.mulf %gather3A_839, %get3A_875 : vector<16xf32>
      %add3A_877 = arith.addf %add3A_833, %mul3A_876 : vector<16xf32>
      %mul3A_878 = arith.mulf %gather3A_843, %get3A_875 : vector<16xf32>
      %add3A_879 = arith.addf %add3A_835, %mul3A_878 : vector<16xf32>
      %add3A_880 = arith.constant 18 : i32
      %add3A_881 = vector.broadcast %add3A_880 : i32 to vector<16xi32>
      %add3A_882 = arith.addi %broadcast_in_dim3A, %add3A_881 : vector<16xi32>
      %gather3A_883 = tpu.vector_load_idx %arg8[%add3A_882] : memref<4352xf32, #tpu.memory_space<vmem>>[vector<16xi32>], vector<16xf32>,
      %add3A_884 = arith.constant 18 : i32
      %add3A_885 = vector.broadcast %add3A_884 : i32 to vector<16xi32>
      %add3A_886 = arith.addi %add3A_88, %add3A_885 : vector<16xi32>
      %gather3A_887 = tpu.vector_load_idx %arg8[%add3A_886] : memref<4352xf32, #tpu.memory_space<vmem>>[vector<16xi32>], vector<16xf32>,
      %get3A_888 = arith.constant 1728 : index
      %get3A_889 = tpu.vector_load %arg9[%get3A_888] {strides = array<i32>} : memref<3072xf32, #tpu.memory_space<vmem>>, vector<16xf32>,
      %mul3A_890 = arith.mulf %gather3A_883, %get3A_889 : vector<16xf32>
      %add3A_891 = arith.addf %add3A_847, %mul3A_890 : vector<16xf32>
      %mul3A_892 = arith.mulf %gather3A_887, %get3A_889 : vector<16xf32>
      %add3A_893 = arith.addf %add3A_849, %mul3A_892 : vector<16xf32>
      %get3A_894 = arith.constant 1744 : index
      %get3A_895 = tpu.vector_load %arg9[%get3A_894] {strides = array<i32>} : memref<3072xf32, #tpu.memory_space<vmem>>, vector<16xf32>,
      %mul3A_896 = arith.mulf %gather3A_883, %get3A_895 : vector<16xf32>
      %add3A_897 = arith.addf %add3A_853, %mul3A_896 : vector<16xf32>
      %mul3A_898 = arith.mulf %gather3A_887, %get3A_895 : vector<16xf32>
      %add3A_899 = arith.addf %add3A_855, %mul3A_898 : vector<16xf32>
      %get3A_900 = arith.constant 1760 : index
      %get3A_901 = tpu.vector_load %arg9[%get3A_900] {strides = array<i32>} : memref<3072xf32, #tpu.memory_space<vmem>>, vector<16xf32>,
      %mul3A_902 = arith.mulf %gather3A_883, %get3A_901 : vector<16xf32>
      %add3A_903 = arith.addf %add3A_859, %mul3A_902 : vector<16xf32>
      %mul3A_904 = arith.mulf %gather3A_887, %get3A_901 : vector<16xf32>
      %add3A_905 = arith.addf %add3A_861, %mul3A_904 : vector<16xf32>
      %get3A_906 = arith.constant 1776 : index
      %get3A_907 = tpu.vector_load %arg9[%get3A_906] {strides = array<i32>} : memref<3072xf32, #tpu.memory_space<vmem>>, vector<16xf32>,
      %mul3A_908 = arith.mulf %gather3A_883, %get3A_907 : vector<16xf32>
      %add3A_909 = arith.addf %add3A_865, %mul3A_908 : vector<16xf32>
      %mul3A_910 = arith.mulf %gather3A_887, %get3A_907 : vector<16xf32>
      %add3A_911 = arith.addf %add3A_867, %mul3A_910 : vector<16xf32>
      %get3A_912 = arith.constant 1792 : index
      %get3A_913 = tpu.vector_load %arg9[%get3A_912] {strides = array<i32>} : memref<3072xf32, #tpu.memory_space<vmem>>, vector<16xf32>,
      %mul3A_914 = arith.mulf %gather3A_883, %get3A_913 : vector<16xf32>
      %add3A_915 = arith.addf %add3A_871, %mul3A_914 : vector<16xf32>
      %mul3A_916 = arith.mulf %gather3A_887, %get3A_913 : vector<16xf32>
      %add3A_917 = arith.addf %add3A_873, %mul3A_916 : vector<16xf32>
      %get3A_918 = arith.constant 1808 : index
      %get3A_919 = tpu.vector_load %arg9[%get3A_918] {strides = array<i32>} : memref<3072xf32, #tpu.memory_space<vmem>>, vector<16xf32>,
      %mul3A_920 = arith.mulf %gather3A_883, %get3A_919 : vector<16xf32>
      %add3A_921 = arith.addf %add3A_877, %mul3A_920 : vector<16xf32>
      %mul3A_922 = arith.mulf %gather3A_887, %get3A_919 : vector<16xf32>
      %add3A_923 = arith.addf %add3A_879, %mul3A_922 : vector<16xf32>
      %add3A_924 = arith.constant 19 : i32
      %add3A_925 = vector.broadcast %add3A_924 : i32 to vector<16xi32>
      %add3A_926 = arith.addi %broadcast_in_dim3A, %add3A_925 : vector<16xi32>
      %gather3A_927 = tpu.vector_load_idx %arg8[%add3A_926] : memref<4352xf32, #tpu.memory_space<vmem>>[vector<16xi32>], vector<16xf32>,
      %add3A_928 = arith.constant 19 : i32
      %add3A_929 = vector.broadcast %add3A_928 : i32 to vector<16xi32>
      %add3A_930 = arith.addi %add3A_88, %add3A_929 : vector<16xi32>
      %gather3A_931 = tpu.vector_load_idx %arg8[%add3A_930] : memref<4352xf32, #tpu.memory_space<vmem>>[vector<16xi32>], vector<16xf32>,
      %get3A_932 = arith.constant 1824 : index
      %get3A_933 = tpu.vector_load %arg9[%get3A_932] {strides = array<i32>} : memref<3072xf32, #tpu.memory_space<vmem>>, vector<16xf32>,
      %mul3A_934 = arith.mulf %gather3A_927, %get3A_933 : vector<16xf32>
      %add3A_935 = arith.addf %add3A_891, %mul3A_934 : vector<16xf32>
      %mul3A_936 = arith.mulf %gather3A_931, %get3A_933 : vector<16xf32>
      %add3A_937 = arith.addf %add3A_893, %mul3A_936 : vector<16xf32>
      %get3A_938 = arith.constant 1840 : index
      %get3A_939 = tpu.vector_load %arg9[%get3A_938] {strides = array<i32>} : memref<3072xf32, #tpu.memory_space<vmem>>, vector<16xf32>,
      %mul3A_940 = arith.mulf %gather3A_927, %get3A_939 : vector<16xf32>
      %add3A_941 = arith.addf %add3A_897, %mul3A_940 : vector<16xf32>
      %mul3A_942 = arith.mulf %gather3A_931, %get3A_939 : vector<16xf32>
      %add3A_943 = arith.addf %add3A_899, %mul3A_942 : vector<16xf32>
      %get3A_944 = arith.constant 1856 : index
      %get3A_945 = tpu.vector_load %arg9[%get3A_944] {strides = array<i32>} : memref<3072xf32, #tpu.memory_space<vmem>>, vector<16xf32>,
      %mul3A_946 = arith.mulf %gather3A_927, %get3A_945 : vector<16xf32>
      %add3A_947 = arith.addf %add3A_903, %mul3A_946 : vector<16xf32>
      %mul3A_948 = arith.mulf %gather3A_931, %get3A_945 : vector<16xf32>
      %add3A_949 = arith.addf %add3A_905, %mul3A_948 : vector<16xf32>
      %get3A_950 = arith.constant 1872 : index
      %get3A_951 = tpu.vector_load %arg9[%get3A_950] {strides = array<i32>} : memref<3072xf32, #tpu.memory_space<vmem>>, vector<16xf32>,
      %mul3A_952 = arith.mulf %gather3A_927, %get3A_951 : vector<16xf32>
      %add3A_953 = arith.addf %add3A_909, %mul3A_952 : vector<16xf32>
      %mul3A_954 = arith.mulf %gather3A_931, %get3A_951 : vector<16xf32>
      %add3A_955 = arith.addf %add3A_911, %mul3A_954 : vector<16xf32>
      %get3A_956 = arith.constant 1888 : index
      %get3A_957 = tpu.vector_load %arg9[%get3A_956] {strides = array<i32>} : memref<3072xf32, #tpu.memory_space<vmem>>, vector<16xf32>,
      %mul3A_958 = arith.mulf %gather3A_927, %get3A_957 : vector<16xf32>
      %add3A_959 = arith.addf %add3A_915, %mul3A_958 : vector<16xf32>
      %mul3A_960 = arith.mulf %gather3A_931, %get3A_957 : vector<16xf32>
      %add3A_961 = arith.addf %add3A_917, %mul3A_960 : vector<16xf32>
      %get3A_962 = arith.constant 1904 : index
      %get3A_963 = tpu.vector_load %arg9[%get3A_962] {strides = array<i32>} : memref<3072xf32, #tpu.memory_space<vmem>>, vector<16xf32>,
      %mul3A_964 = arith.mulf %gather3A_927, %get3A_963 : vector<16xf32>
      %add3A_965 = arith.addf %add3A_921, %mul3A_964 : vector<16xf32>
      %mul3A_966 = arith.mulf %gather3A_931, %get3A_963 : vector<16xf32>
      %add3A_967 = arith.addf %add3A_923, %mul3A_966 : vector<16xf32>
      %add3A_968 = arith.constant 20 : i32
      %add3A_969 = vector.broadcast %add3A_968 : i32 to vector<16xi32>
      %add3A_970 = arith.addi %broadcast_in_dim3A, %add3A_969 : vector<16xi32>
      %gather3A_971 = tpu.vector_load_idx %arg8[%add3A_970] : memref<4352xf32, #tpu.memory_space<vmem>>[vector<16xi32>], vector<16xf32>,
      %add3A_972 = arith.constant 20 : i32
      %add3A_973 = vector.broadcast %add3A_972 : i32 to vector<16xi32>
      %add3A_974 = arith.addi %add3A_88, %add3A_973 : vector<16xi32>
      %gather3A_975 = tpu.vector_load_idx %arg8[%add3A_974] : memref<4352xf32, #tpu.memory_space<vmem>>[vector<16xi32>], vector<16xf32>,
      %get3A_976 = arith.constant 1920 : index
      %get3A_977 = tpu.vector_load %arg9[%get3A_976] {strides = array<i32>} : memref<3072xf32, #tpu.memory_space<vmem>>, vector<16xf32>,
      %mul3A_978 = arith.mulf %gather3A_971, %get3A_977 : vector<16xf32>
      %add3A_979 = arith.addf %add3A_935, %mul3A_978 : vector<16xf32>
      %mul3A_980 = arith.mulf %gather3A_975, %get3A_977 : vector<16xf32>
      %add3A_981 = arith.addf %add3A_937, %mul3A_980 : vector<16xf32>
      %get3A_982 = arith.constant 1936 : index
      %get3A_983 = tpu.vector_load %arg9[%get3A_982] {strides = array<i32>} : memref<3072xf32, #tpu.memory_space<vmem>>, vector<16xf32>,
      %mul3A_984 = arith.mulf %gather3A_971, %get3A_983 : vector<16xf32>
      %add3A_985 = arith.addf %add3A_941, %mul3A_984 : vector<16xf32>
      %mul3A_986 = arith.mulf %gather3A_975, %get3A_983 : vector<16xf32>
      %add3A_987 = arith.addf %add3A_943, %mul3A_986 : vector<16xf32>
      %get3A_988 = arith.constant 1952 : index
      %get3A_989 = tpu.vector_load %arg9[%get3A_988] {strides = array<i32>} : memref<3072xf32, #tpu.memory_space<vmem>>, vector<16xf32>,
      %mul3A_990 = arith.mulf %gather3A_971, %get3A_989 : vector<16xf32>
      %add3A_991 = arith.addf %add3A_947, %mul3A_990 : vector<16xf32>
      %mul3A_992 = arith.mulf %gather3A_975, %get3A_989 : vector<16xf32>
      %add3A_993 = arith.addf %add3A_949, %mul3A_992 : vector<16xf32>
      %get3A_994 = arith.constant 1968 : index
      %get3A_995 = tpu.vector_load %arg9[%get3A_994] {strides = array<i32>} : memref<3072xf32, #tpu.memory_space<vmem>>, vector<16xf32>,
      %mul3A_996 = arith.mulf %gather3A_971, %get3A_995 : vector<16xf32>
      %add3A_997 = arith.addf %add3A_953, %mul3A_996 : vector<16xf32>
      %mul3A_998 = arith.mulf %gather3A_975, %get3A_995 : vector<16xf32>
      %add3A_999 = arith.addf %add3A_955, %mul3A_998 : vector<16xf32>
      %get3A_1000 = arith.constant 1984 : index
      %get3A_1001 = tpu.vector_load %arg9[%get3A_1000] {strides = array<i32>} : memref<3072xf32, #tpu.memory_space<vmem>>, vector<16xf32>,
      %mul3A_1002 = arith.mulf %gather3A_971, %get3A_1001 : vector<16xf32>
      %add3A_1003 = arith.addf %add3A_959, %mul3A_1002 : vector<16xf32>
      %mul3A_1004 = arith.mulf %gather3A_975, %get3A_1001 : vector<16xf32>
      %add3A_1005 = arith.addf %add3A_961, %mul3A_1004 : vector<16xf32>
      %get3A_1006 = arith.constant 2000 : index
      %get3A_1007 = tpu.vector_load %arg9[%get3A_1006] {strides = array<i32>} : memref<3072xf32, #tpu.memory_space<vmem>>, vector<16xf32>,
      %mul3A_1008 = arith.mulf %gather3A_971, %get3A_1007 : vector<16xf32>
      %add3A_1009 = arith.addf %add3A_965, %mul3A_1008 : vector<16xf32>
      %mul3A_1010 = arith.mulf %gather3A_975, %get3A_1007 : vector<16xf32>
      %add3A_1011 = arith.addf %add3A_967, %mul3A_1010 : vector<16xf32>
      %add3A_1012 = arith.constant 21 : i32
      %add3A_1013 = vector.broadcast %add3A_1012 : i32 to vector<16xi32>
      %add3A_1014 = arith.addi %broadcast_in_dim3A, %add3A_1013 : vector<16xi32>
      %gather3A_1015 = tpu.vector_load_idx %arg8[%add3A_1014] : memref<4352xf32, #tpu.memory_space<vmem>>[vector<16xi32>], vector<16xf32>,
      %add3A_1016 = arith.constant 21 : i32
      %add3A_1017 = vector.broadcast %add3A_1016 : i32 to vector<16xi32>
      %add3A_1018 = arith.addi %add3A_88, %add3A_1017 : vector<16xi32>
      %gather3A_1019 = tpu.vector_load_idx %arg8[%add3A_1018] : memref<4352xf32, #tpu.memory_space<vmem>>[vector<16xi32>], vector<16xf32>,
      %get3A_1020 = arith.constant 2016 : index
      %get3A_1021 = tpu.vector_load %arg9[%get3A_1020] {strides = array<i32>} : memref<3072xf32, #tpu.memory_space<vmem>>, vector<16xf32>,
      %mul3A_1022 = arith.mulf %gather3A_1015, %get3A_1021 : vector<16xf32>
      %add3A_1023 = arith.addf %add3A_979, %mul3A_1022 : vector<16xf32>
      %mul3A_1024 = arith.mulf %gather3A_1019, %get3A_1021 : vector<16xf32>
      %add3A_1025 = arith.addf %add3A_981, %mul3A_1024 : vector<16xf32>
      %get3A_1026 = arith.constant 2032 : index
      %get3A_1027 = tpu.vector_load %arg9[%get3A_1026] {strides = array<i32>} : memref<3072xf32, #tpu.memory_space<vmem>>, vector<16xf32>,
      %mul3A_1028 = arith.mulf %gather3A_1015, %get3A_1027 : vector<16xf32>
      %add3A_1029 = arith.addf %add3A_985, %mul3A_1028 : vector<16xf32>
      %mul3A_1030 = arith.mulf %gather3A_1019, %get3A_1027 : vector<16xf32>
      %add3A_1031 = arith.addf %add3A_987, %mul3A_1030 : vector<16xf32>
      %get3A_1032 = arith.constant 2048 : index
      %get3A_1033 = tpu.vector_load %arg9[%get3A_1032] {strides = array<i32>} : memref<3072xf32, #tpu.memory_space<vmem>>, vector<16xf32>,
      %mul3A_1034 = arith.mulf %gather3A_1015, %get3A_1033 : vector<16xf32>
      %add3A_1035 = arith.addf %add3A_991, %mul3A_1034 : vector<16xf32>
      %mul3A_1036 = arith.mulf %gather3A_1019, %get3A_1033 : vector<16xf32>
      %add3A_1037 = arith.addf %add3A_993, %mul3A_1036 : vector<16xf32>
      %get3A_1038 = arith.constant 2064 : index
      %get3A_1039 = tpu.vector_load %arg9[%get3A_1038] {strides = array<i32>} : memref<3072xf32, #tpu.memory_space<vmem>>, vector<16xf32>,
      %mul3A_1040 = arith.mulf %gather3A_1015, %get3A_1039 : vector<16xf32>
      %add3A_1041 = arith.addf %add3A_997, %mul3A_1040 : vector<16xf32>
      %mul3A_1042 = arith.mulf %gather3A_1019, %get3A_1039 : vector<16xf32>
      %add3A_1043 = arith.addf %add3A_999, %mul3A_1042 : vector<16xf32>
      %get3A_1044 = arith.constant 2080 : index
      %get3A_1045 = tpu.vector_load %arg9[%get3A_1044] {strides = array<i32>} : memref<3072xf32, #tpu.memory_space<vmem>>, vector<16xf32>,
      %mul3A_1046 = arith.mulf %gather3A_1015, %get3A_1045 : vector<16xf32>
      %add3A_1047 = arith.addf %add3A_1003, %mul3A_1046 : vector<16xf32>
      %mul3A_1048 = arith.mulf %gather3A_1019, %get3A_1045 : vector<16xf32>
      %add3A_1049 = arith.addf %add3A_1005, %mul3A_1048 : vector<16xf32>
      %get3A_1050 = arith.constant 2096 : index
      %get3A_1051 = tpu.vector_load %arg9[%get3A_1050] {strides = array<i32>} : memref<3072xf32, #tpu.memory_space<vmem>>, vector<16xf32>,
      %mul3A_1052 = arith.mulf %gather3A_1015, %get3A_1051 : vector<16xf32>
      %add3A_1053 = arith.addf %add3A_1009, %mul3A_1052 : vector<16xf32>
      %mul3A_1054 = arith.mulf %gather3A_1019, %get3A_1051 : vector<16xf32>
      %add3A_1055 = arith.addf %add3A_1011, %mul3A_1054 : vector<16xf32>
      %add3A_1056 = arith.constant 22 : i32
      %add3A_1057 = vector.broadcast %add3A_1056 : i32 to vector<16xi32>
      %add3A_1058 = arith.addi %broadcast_in_dim3A, %add3A_1057 : vector<16xi32>
      %gather3A_1059 = tpu.vector_load_idx %arg8[%add3A_1058] : memref<4352xf32, #tpu.memory_space<vmem>>[vector<16xi32>], vector<16xf32>,
      %add3A_1060 = arith.constant 22 : i32
      %add3A_1061 = vector.broadcast %add3A_1060 : i32 to vector<16xi32>
      %add3A_1062 = arith.addi %add3A_88, %add3A_1061 : vector<16xi32>
      %gather3A_1063 = tpu.vector_load_idx %arg8[%add3A_1062] : memref<4352xf32, #tpu.memory_space<vmem>>[vector<16xi32>], vector<16xf32>,
      %get3A_1064 = arith.constant 2112 : index
      %get3A_1065 = tpu.vector_load %arg9[%get3A_1064] {strides = array<i32>} : memref<3072xf32, #tpu.memory_space<vmem>>, vector<16xf32>,
      %mul3A_1066 = arith.mulf %gather3A_1059, %get3A_1065 : vector<16xf32>
      %add3A_1067 = arith.addf %add3A_1023, %mul3A_1066 : vector<16xf32>
      %mul3A_1068 = arith.mulf %gather3A_1063, %get3A_1065 : vector<16xf32>
      %add3A_1069 = arith.addf %add3A_1025, %mul3A_1068 : vector<16xf32>
      %get3A_1070 = arith.constant 2128 : index
      %get3A_1071 = tpu.vector_load %arg9[%get3A_1070] {strides = array<i32>} : memref<3072xf32, #tpu.memory_space<vmem>>, vector<16xf32>,
      %mul3A_1072 = arith.mulf %gather3A_1059, %get3A_1071 : vector<16xf32>
      %add3A_1073 = arith.addf %add3A_1029, %mul3A_1072 : vector<16xf32>
      %mul3A_1074 = arith.mulf %gather3A_1063, %get3A_1071 : vector<16xf32>
      %add3A_1075 = arith.addf %add3A_1031, %mul3A_1074 : vector<16xf32>
      %get3A_1076 = arith.constant 2144 : index
      %get3A_1077 = tpu.vector_load %arg9[%get3A_1076] {strides = array<i32>} : memref<3072xf32, #tpu.memory_space<vmem>>, vector<16xf32>,
      %mul3A_1078 = arith.mulf %gather3A_1059, %get3A_1077 : vector<16xf32>
      %add3A_1079 = arith.addf %add3A_1035, %mul3A_1078 : vector<16xf32>
      %mul3A_1080 = arith.mulf %gather3A_1063, %get3A_1077 : vector<16xf32>
      %add3A_1081 = arith.addf %add3A_1037, %mul3A_1080 : vector<16xf32>
      %get3A_1082 = arith.constant 2160 : index
      %get3A_1083 = tpu.vector_load %arg9[%get3A_1082] {strides = array<i32>} : memref<3072xf32, #tpu.memory_space<vmem>>, vector<16xf32>,
      %mul3A_1084 = arith.mulf %gather3A_1059, %get3A_1083 : vector<16xf32>
      %add3A_1085 = arith.addf %add3A_1041, %mul3A_1084 : vector<16xf32>
      %mul3A_1086 = arith.mulf %gather3A_1063, %get3A_1083 : vector<16xf32>
      %add3A_1087 = arith.addf %add3A_1043, %mul3A_1086 : vector<16xf32>
      %get3A_1088 = arith.constant 2176 : index
      %get3A_1089 = tpu.vector_load %arg9[%get3A_1088] {strides = array<i32>} : memref<3072xf32, #tpu.memory_space<vmem>>, vector<16xf32>,
      %mul3A_1090 = arith.mulf %gather3A_1059, %get3A_1089 : vector<16xf32>
      %add3A_1091 = arith.addf %add3A_1047, %mul3A_1090 : vector<16xf32>
      %mul3A_1092 = arith.mulf %gather3A_1063, %get3A_1089 : vector<16xf32>
      %add3A_1093 = arith.addf %add3A_1049, %mul3A_1092 : vector<16xf32>
      %get3A_1094 = arith.constant 2192 : index
      %get3A_1095 = tpu.vector_load %arg9[%get3A_1094] {strides = array<i32>} : memref<3072xf32, #tpu.memory_space<vmem>>, vector<16xf32>,
      %mul3A_1096 = arith.mulf %gather3A_1059, %get3A_1095 : vector<16xf32>
      %add3A_1097 = arith.addf %add3A_1053, %mul3A_1096 : vector<16xf32>
      %mul3A_1098 = arith.mulf %gather3A_1063, %get3A_1095 : vector<16xf32>
      %add3A_1099 = arith.addf %add3A_1055, %mul3A_1098 : vector<16xf32>
      %add3A_1100 = arith.constant 23 : i32
      %add3A_1101 = vector.broadcast %add3A_1100 : i32 to vector<16xi32>
      %add3A_1102 = arith.addi %broadcast_in_dim3A, %add3A_1101 : vector<16xi32>
      %gather3A_1103 = tpu.vector_load_idx %arg8[%add3A_1102] : memref<4352xf32, #tpu.memory_space<vmem>>[vector<16xi32>], vector<16xf32>,
      %add3A_1104 = arith.constant 23 : i32
      %add3A_1105 = vector.broadcast %add3A_1104 : i32 to vector<16xi32>
      %add3A_1106 = arith.addi %add3A_88, %add3A_1105 : vector<16xi32>
      %gather3A_1107 = tpu.vector_load_idx %arg8[%add3A_1106] : memref<4352xf32, #tpu.memory_space<vmem>>[vector<16xi32>], vector<16xf32>,
      %get3A_1108 = arith.constant 2208 : index
      %get3A_1109 = tpu.vector_load %arg9[%get3A_1108] {strides = array<i32>} : memref<3072xf32, #tpu.memory_space<vmem>>, vector<16xf32>,
      %mul3A_1110 = arith.mulf %gather3A_1103, %get3A_1109 : vector<16xf32>
      %add3A_1111 = arith.addf %add3A_1067, %mul3A_1110 : vector<16xf32>
      %mul3A_1112 = arith.mulf %gather3A_1107, %get3A_1109 : vector<16xf32>
      %add3A_1113 = arith.addf %add3A_1069, %mul3A_1112 : vector<16xf32>
      %get3A_1114 = arith.constant 2224 : index
      %get3A_1115 = tpu.vector_load %arg9[%get3A_1114] {strides = array<i32>} : memref<3072xf32, #tpu.memory_space<vmem>>, vector<16xf32>,
      %mul3A_1116 = arith.mulf %gather3A_1103, %get3A_1115 : vector<16xf32>
      %add3A_1117 = arith.addf %add3A_1073, %mul3A_1116 : vector<16xf32>
      %mul3A_1118 = arith.mulf %gather3A_1107, %get3A_1115 : vector<16xf32>
      %add3A_1119 = arith.addf %add3A_1075, %mul3A_1118 : vector<16xf32>
      %get3A_1120 = arith.constant 2240 : index
      %get3A_1121 = tpu.vector_load %arg9[%get3A_1120] {strides = array<i32>} : memref<3072xf32, #tpu.memory_space<vmem>>, vector<16xf32>,
      %mul3A_1122 = arith.mulf %gather3A_1103, %get3A_1121 : vector<16xf32>
      %add3A_1123 = arith.addf %add3A_1079, %mul3A_1122 : vector<16xf32>
      %mul3A_1124 = arith.mulf %gather3A_1107, %get3A_1121 : vector<16xf32>
      %add3A_1125 = arith.addf %add3A_1081, %mul3A_1124 : vector<16xf32>
      %get3A_1126 = arith.constant 2256 : index
      %get3A_1127 = tpu.vector_load %arg9[%get3A_1126] {strides = array<i32>} : memref<3072xf32, #tpu.memory_space<vmem>>, vector<16xf32>,
      %mul3A_1128 = arith.mulf %gather3A_1103, %get3A_1127 : vector<16xf32>
      %add3A_1129 = arith.addf %add3A_1085, %mul3A_1128 : vector<16xf32>
      %mul3A_1130 = arith.mulf %gather3A_1107, %get3A_1127 : vector<16xf32>
      %add3A_1131 = arith.addf %add3A_1087, %mul3A_1130 : vector<16xf32>
      %get3A_1132 = arith.constant 2272 : index
      %get3A_1133 = tpu.vector_load %arg9[%get3A_1132] {strides = array<i32>} : memref<3072xf32, #tpu.memory_space<vmem>>, vector<16xf32>,
      %mul3A_1134 = arith.mulf %gather3A_1103, %get3A_1133 : vector<16xf32>
      %add3A_1135 = arith.addf %add3A_1091, %mul3A_1134 : vector<16xf32>
      %mul3A_1136 = arith.mulf %gather3A_1107, %get3A_1133 : vector<16xf32>
      %add3A_1137 = arith.addf %add3A_1093, %mul3A_1136 : vector<16xf32>
      %get3A_1138 = arith.constant 2288 : index
      %get3A_1139 = tpu.vector_load %arg9[%get3A_1138] {strides = array<i32>} : memref<3072xf32, #tpu.memory_space<vmem>>, vector<16xf32>,
      %mul3A_1140 = arith.mulf %gather3A_1103, %get3A_1139 : vector<16xf32>
      %add3A_1141 = arith.addf %add3A_1097, %mul3A_1140 : vector<16xf32>
      %mul3A_1142 = arith.mulf %gather3A_1107, %get3A_1139 : vector<16xf32>
      %add3A_1143 = arith.addf %add3A_1099, %mul3A_1142 : vector<16xf32>
      %add3A_1144 = arith.constant 24 : i32
      %add3A_1145 = vector.broadcast %add3A_1144 : i32 to vector<16xi32>
      %add3A_1146 = arith.addi %broadcast_in_dim3A, %add3A_1145 : vector<16xi32>
      %gather3A_1147 = tpu.vector_load_idx %arg8[%add3A_1146] : memref<4352xf32, #tpu.memory_space<vmem>>[vector<16xi32>], vector<16xf32>,
      %add3A_1148 = arith.constant 24 : i32
      %add3A_1149 = vector.broadcast %add3A_1148 : i32 to vector<16xi32>
      %add3A_1150 = arith.addi %add3A_88, %add3A_1149 : vector<16xi32>
      %gather3A_1151 = tpu.vector_load_idx %arg8[%add3A_1150] : memref<4352xf32, #tpu.memory_space<vmem>>[vector<16xi32>], vector<16xf32>,
      %get3A_1152 = arith.constant 2304 : index
      %get3A_1153 = tpu.vector_load %arg9[%get3A_1152] {strides = array<i32>} : memref<3072xf32, #tpu.memory_space<vmem>>, vector<16xf32>,
      %mul3A_1154 = arith.mulf %gather3A_1147, %get3A_1153 : vector<16xf32>
      %add3A_1155 = arith.addf %add3A_1111, %mul3A_1154 : vector<16xf32>
      %mul3A_1156 = arith.mulf %gather3A_1151, %get3A_1153 : vector<16xf32>
      %add3A_1157 = arith.addf %add3A_1113, %mul3A_1156 : vector<16xf32>
      %get3A_1158 = arith.constant 2320 : index
      %get3A_1159 = tpu.vector_load %arg9[%get3A_1158] {strides = array<i32>} : memref<3072xf32, #tpu.memory_space<vmem>>, vector<16xf32>,
      %mul3A_1160 = arith.mulf %gather3A_1147, %get3A_1159 : vector<16xf32>
      %add3A_1161 = arith.addf %add3A_1117, %mul3A_1160 : vector<16xf32>
      %mul3A_1162 = arith.mulf %gather3A_1151, %get3A_1159 : vector<16xf32>
      %add3A_1163 = arith.addf %add3A_1119, %mul3A_1162 : vector<16xf32>
      %get3A_1164 = arith.constant 2336 : index
      %get3A_1165 = tpu.vector_load %arg9[%get3A_1164] {strides = array<i32>} : memref<3072xf32, #tpu.memory_space<vmem>>, vector<16xf32>,
      %mul3A_1166 = arith.mulf %gather3A_1147, %get3A_1165 : vector<16xf32>
      %add3A_1167 = arith.addf %add3A_1123, %mul3A_1166 : vector<16xf32>
      %mul3A_1168 = arith.mulf %gather3A_1151, %get3A_1165 : vector<16xf32>
      %add3A_1169 = arith.addf %add3A_1125, %mul3A_1168 : vector<16xf32>
      %get3A_1170 = arith.constant 2352 : index
      %get3A_1171 = tpu.vector_load %arg9[%get3A_1170] {strides = array<i32>} : memref<3072xf32, #tpu.memory_space<vmem>>, vector<16xf32>,
      %mul3A_1172 = arith.mulf %gather3A_1147, %get3A_1171 : vector<16xf32>
      %add3A_1173 = arith.addf %add3A_1129, %mul3A_1172 : vector<16xf32>
      %mul3A_1174 = arith.mulf %gather3A_1151, %get3A_1171 : vector<16xf32>
      %add3A_1175 = arith.addf %add3A_1131, %mul3A_1174 : vector<16xf32>
      %get3A_1176 = arith.constant 2368 : index
      %get3A_1177 = tpu.vector_load %arg9[%get3A_1176] {strides = array<i32>} : memref<3072xf32, #tpu.memory_space<vmem>>, vector<16xf32>,
      %mul3A_1178 = arith.mulf %gather3A_1147, %get3A_1177 : vector<16xf32>
      %add3A_1179 = arith.addf %add3A_1135, %mul3A_1178 : vector<16xf32>
      %mul3A_1180 = arith.mulf %gather3A_1151, %get3A_1177 : vector<16xf32>
      %add3A_1181 = arith.addf %add3A_1137, %mul3A_1180 : vector<16xf32>
      %get3A_1182 = arith.constant 2384 : index
      %get3A_1183 = tpu.vector_load %arg9[%get3A_1182] {strides = array<i32>} : memref<3072xf32, #tpu.memory_space<vmem>>, vector<16xf32>,
      %mul3A_1184 = arith.mulf %gather3A_1147, %get3A_1183 : vector<16xf32>
      %add3A_1185 = arith.addf %add3A_1141, %mul3A_1184 : vector<16xf32>
      %mul3A_1186 = arith.mulf %gather3A_1151, %get3A_1183 : vector<16xf32>
      %add3A_1187 = arith.addf %add3A_1143, %mul3A_1186 : vector<16xf32>
      %add3A_1188 = arith.constant 25 : i32
      %add3A_1189 = vector.broadcast %add3A_1188 : i32 to vector<16xi32>
      %add3A_1190 = arith.addi %broadcast_in_dim3A, %add3A_1189 : vector<16xi32>
      %gather3A_1191 = tpu.vector_load_idx %arg8[%add3A_1190] : memref<4352xf32, #tpu.memory_space<vmem>>[vector<16xi32>], vector<16xf32>,
      %add3A_1192 = arith.constant 25 : i32
      %add3A_1193 = vector.broadcast %add3A_1192 : i32 to vector<16xi32>
      %add3A_1194 = arith.addi %add3A_88, %add3A_1193 : vector<16xi32>
      %gather3A_1195 = tpu.vector_load_idx %arg8[%add3A_1194] : memref<4352xf32, #tpu.memory_space<vmem>>[vector<16xi32>], vector<16xf32>,
      %get3A_1196 = arith.constant 2400 : index
      %get3A_1197 = tpu.vector_load %arg9[%get3A_1196] {strides = array<i32>} : memref<3072xf32, #tpu.memory_space<vmem>>, vector<16xf32>,
      %mul3A_1198 = arith.mulf %gather3A_1191, %get3A_1197 : vector<16xf32>
      %add3A_1199 = arith.addf %add3A_1155, %mul3A_1198 : vector<16xf32>
      %mul3A_1200 = arith.mulf %gather3A_1195, %get3A_1197 : vector<16xf32>
      %add3A_1201 = arith.addf %add3A_1157, %mul3A_1200 : vector<16xf32>
      %get3A_1202 = arith.constant 2416 : index
      %get3A_1203 = tpu.vector_load %arg9[%get3A_1202] {strides = array<i32>} : memref<3072xf32, #tpu.memory_space<vmem>>, vector<16xf32>,
      %mul3A_1204 = arith.mulf %gather3A_1191, %get3A_1203 : vector<16xf32>
      %add3A_1205 = arith.addf %add3A_1161, %mul3A_1204 : vector<16xf32>
      %mul3A_1206 = arith.mulf %gather3A_1195, %get3A_1203 : vector<16xf32>
      %add3A_1207 = arith.addf %add3A_1163, %mul3A_1206 : vector<16xf32>
      %get3A_1208 = arith.constant 2432 : index
      %get3A_1209 = tpu.vector_load %arg9[%get3A_1208] {strides = array<i32>} : memref<3072xf32, #tpu.memory_space<vmem>>, vector<16xf32>,
      %mul3A_1210 = arith.mulf %gather3A_1191, %get3A_1209 : vector<16xf32>
      %add3A_1211 = arith.addf %add3A_1167, %mul3A_1210 : vector<16xf32>
      %mul3A_1212 = arith.mulf %gather3A_1195, %get3A_1209 : vector<16xf32>
      %add3A_1213 = arith.addf %add3A_1169, %mul3A_1212 : vector<16xf32>
      %get3A_1214 = arith.constant 2448 : index
      %get3A_1215 = tpu.vector_load %arg9[%get3A_1214] {strides = array<i32>} : memref<3072xf32, #tpu.memory_space<vmem>>, vector<16xf32>,
      %mul3A_1216 = arith.mulf %gather3A_1191, %get3A_1215 : vector<16xf32>
      %add3A_1217 = arith.addf %add3A_1173, %mul3A_1216 : vector<16xf32>
      %mul3A_1218 = arith.mulf %gather3A_1195, %get3A_1215 : vector<16xf32>
      %add3A_1219 = arith.addf %add3A_1175, %mul3A_1218 : vector<16xf32>
      %get3A_1220 = arith.constant 2464 : index
      %get3A_1221 = tpu.vector_load %arg9[%get3A_1220] {strides = array<i32>} : memref<3072xf32, #tpu.memory_space<vmem>>, vector<16xf32>,
      %mul3A_1222 = arith.mulf %gather3A_1191, %get3A_1221 : vector<16xf32>
      %add3A_1223 = arith.addf %add3A_1179, %mul3A_1222 : vector<16xf32>
      %mul3A_1224 = arith.mulf %gather3A_1195, %get3A_1221 : vector<16xf32>
      %add3A_1225 = arith.addf %add3A_1181, %mul3A_1224 : vector<16xf32>
      %get3A_1226 = arith.constant 2480 : index
      %get3A_1227 = tpu.vector_load %arg9[%get3A_1226] {strides = array<i32>} : memref<3072xf32, #tpu.memory_space<vmem>>, vector<16xf32>,
      %mul3A_1228 = arith.mulf %gather3A_1191, %get3A_1227 : vector<16xf32>
      %add3A_1229 = arith.addf %add3A_1185, %mul3A_1228 : vector<16xf32>
      %mul3A_1230 = arith.mulf %gather3A_1195, %get3A_1227 : vector<16xf32>
      %add3A_1231 = arith.addf %add3A_1187, %mul3A_1230 : vector<16xf32>
      %add3A_1232 = arith.constant 26 : i32
      %add3A_1233 = vector.broadcast %add3A_1232 : i32 to vector<16xi32>
      %add3A_1234 = arith.addi %broadcast_in_dim3A, %add3A_1233 : vector<16xi32>
      %gather3A_1235 = tpu.vector_load_idx %arg8[%add3A_1234] : memref<4352xf32, #tpu.memory_space<vmem>>[vector<16xi32>], vector<16xf32>,
      %add3A_1236 = arith.constant 26 : i32
      %add3A_1237 = vector.broadcast %add3A_1236 : i32 to vector<16xi32>
      %add3A_1238 = arith.addi %add3A_88, %add3A_1237 : vector<16xi32>
      %gather3A_1239 = tpu.vector_load_idx %arg8[%add3A_1238] : memref<4352xf32, #tpu.memory_space<vmem>>[vector<16xi32>], vector<16xf32>,
      %get3A_1240 = arith.constant 2496 : index
      %get3A_1241 = tpu.vector_load %arg9[%get3A_1240] {strides = array<i32>} : memref<3072xf32, #tpu.memory_space<vmem>>, vector<16xf32>,
      %mul3A_1242 = arith.mulf %gather3A_1235, %get3A_1241 : vector<16xf32>
      %add3A_1243 = arith.addf %add3A_1199, %mul3A_1242 : vector<16xf32>
      %mul3A_1244 = arith.mulf %gather3A_1239, %get3A_1241 : vector<16xf32>
      %add3A_1245 = arith.addf %add3A_1201, %mul3A_1244 : vector<16xf32>
      %get3A_1246 = arith.constant 2512 : index
      %get3A_1247 = tpu.vector_load %arg9[%get3A_1246] {strides = array<i32>} : memref<3072xf32, #tpu.memory_space<vmem>>, vector<16xf32>,
      %mul3A_1248 = arith.mulf %gather3A_1235, %get3A_1247 : vector<16xf32>
      %add3A_1249 = arith.addf %add3A_1205, %mul3A_1248 : vector<16xf32>
      %mul3A_1250 = arith.mulf %gather3A_1239, %get3A_1247 : vector<16xf32>
      %add3A_1251 = arith.addf %add3A_1207, %mul3A_1250 : vector<16xf32>
      %get3A_1252 = arith.constant 2528 : index
      %get3A_1253 = tpu.vector_load %arg9[%get3A_1252] {strides = array<i32>} : memref<3072xf32, #tpu.memory_space<vmem>>, vector<16xf32>,
      %mul3A_1254 = arith.mulf %gather3A_1235, %get3A_1253 : vector<16xf32>
      %add3A_1255 = arith.addf %add3A_1211, %mul3A_1254 : vector<16xf32>
      %mul3A_1256 = arith.mulf %gather3A_1239, %get3A_1253 : vector<16xf32>
      %add3A_1257 = arith.addf %add3A_1213, %mul3A_1256 : vector<16xf32>
      %get3A_1258 = arith.constant 2544 : index
      %get3A_1259 = tpu.vector_load %arg9[%get3A_1258] {strides = array<i32>} : memref<3072xf32, #tpu.memory_space<vmem>>, vector<16xf32>,
      %mul3A_1260 = arith.mulf %gather3A_1235, %get3A_1259 : vector<16xf32>
      %add3A_1261 = arith.addf %add3A_1217, %mul3A_1260 : vector<16xf32>
      %mul3A_1262 = arith.mulf %gather3A_1239, %get3A_1259 : vector<16xf32>
      %add3A_1263 = arith.addf %add3A_1219, %mul3A_1262 : vector<16xf32>
      %get3A_1264 = arith.constant 2560 : index
      %get3A_1265 = tpu.vector_load %arg9[%get3A_1264] {strides = array<i32>} : memref<3072xf32, #tpu.memory_space<vmem>>, vector<16xf32>,
      %mul3A_1266 = arith.mulf %gather3A_1235, %get3A_1265 : vector<16xf32>
      %add3A_1267 = arith.addf %add3A_1223, %mul3A_1266 : vector<16xf32>
      %mul3A_1268 = arith.mulf %gather3A_1239, %get3A_1265 : vector<16xf32>
      %add3A_1269 = arith.addf %add3A_1225, %mul3A_1268 : vector<16xf32>
      %get3A_1270 = arith.constant 2576 : index
      %get3A_1271 = tpu.vector_load %arg9[%get3A_1270] {strides = array<i32>} : memref<3072xf32, #tpu.memory_space<vmem>>, vector<16xf32>,
      %mul3A_1272 = arith.mulf %gather3A_1235, %get3A_1271 : vector<16xf32>
      %add3A_1273 = arith.addf %add3A_1229, %mul3A_1272 : vector<16xf32>
      %mul3A_1274 = arith.mulf %gather3A_1239, %get3A_1271 : vector<16xf32>
      %add3A_1275 = arith.addf %add3A_1231, %mul3A_1274 : vector<16xf32>
      %add3A_1276 = arith.constant 27 : i32
      %add3A_1277 = vector.broadcast %add3A_1276 : i32 to vector<16xi32>
      %add3A_1278 = arith.addi %broadcast_in_dim3A, %add3A_1277 : vector<16xi32>
      %gather3A_1279 = tpu.vector_load_idx %arg8[%add3A_1278] : memref<4352xf32, #tpu.memory_space<vmem>>[vector<16xi32>], vector<16xf32>,
      %add3A_1280 = arith.constant 27 : i32
      %add3A_1281 = vector.broadcast %add3A_1280 : i32 to vector<16xi32>
      %add3A_1282 = arith.addi %add3A_88, %add3A_1281 : vector<16xi32>
      %gather3A_1283 = tpu.vector_load_idx %arg8[%add3A_1282] : memref<4352xf32, #tpu.memory_space<vmem>>[vector<16xi32>], vector<16xf32>,
      %get3A_1284 = arith.constant 2592 : index
      %get3A_1285 = tpu.vector_load %arg9[%get3A_1284] {strides = array<i32>} : memref<3072xf32, #tpu.memory_space<vmem>>, vector<16xf32>,
      %mul3A_1286 = arith.mulf %gather3A_1279, %get3A_1285 : vector<16xf32>
      %add3A_1287 = arith.addf %add3A_1243, %mul3A_1286 : vector<16xf32>
      %mul3A_1288 = arith.mulf %gather3A_1283, %get3A_1285 : vector<16xf32>
      %add3A_1289 = arith.addf %add3A_1245, %mul3A_1288 : vector<16xf32>
      %get3A_1290 = arith.constant 2608 : index
      %get3A_1291 = tpu.vector_load %arg9[%get3A_1290] {strides = array<i32>} : memref<3072xf32, #tpu.memory_space<vmem>>, vector<16xf32>,
      %mul3A_1292 = arith.mulf %gather3A_1279, %get3A_1291 : vector<16xf32>
      %add3A_1293 = arith.addf %add3A_1249, %mul3A_1292 : vector<16xf32>
      %mul3A_1294 = arith.mulf %gather3A_1283, %get3A_1291 : vector<16xf32>
      %add3A_1295 = arith.addf %add3A_1251, %mul3A_1294 : vector<16xf32>
      %get3A_1296 = arith.constant 2624 : index
      %get3A_1297 = tpu.vector_load %arg9[%get3A_1296] {strides = array<i32>} : memref<3072xf32, #tpu.memory_space<vmem>>, vector<16xf32>,
      %mul3A_1298 = arith.mulf %gather3A_1279, %get3A_1297 : vector<16xf32>
      %add3A_1299 = arith.addf %add3A_1255, %mul3A_1298 : vector<16xf32>
      %mul3A_1300 = arith.mulf %gather3A_1283, %get3A_1297 : vector<16xf32>
      %add3A_1301 = arith.addf %add3A_1257, %mul3A_1300 : vector<16xf32>
      %get3A_1302 = arith.constant 2640 : index
      %get3A_1303 = tpu.vector_load %arg9[%get3A_1302] {strides = array<i32>} : memref<3072xf32, #tpu.memory_space<vmem>>, vector<16xf32>,
      %mul3A_1304 = arith.mulf %gather3A_1279, %get3A_1303 : vector<16xf32>
      %add3A_1305 = arith.addf %add3A_1261, %mul3A_1304 : vector<16xf32>
      %mul3A_1306 = arith.mulf %gather3A_1283, %get3A_1303 : vector<16xf32>
      %add3A_1307 = arith.addf %add3A_1263, %mul3A_1306 : vector<16xf32>
      %get3A_1308 = arith.constant 2656 : index
      %get3A_1309 = tpu.vector_load %arg9[%get3A_1308] {strides = array<i32>} : memref<3072xf32, #tpu.memory_space<vmem>>, vector<16xf32>,
      %mul3A_1310 = arith.mulf %gather3A_1279, %get3A_1309 : vector<16xf32>
      %add3A_1311 = arith.addf %add3A_1267, %mul3A_1310 : vector<16xf32>
      %mul3A_1312 = arith.mulf %gather3A_1283, %get3A_1309 : vector<16xf32>
      %add3A_1313 = arith.addf %add3A_1269, %mul3A_1312 : vector<16xf32>
      %get3A_1314 = arith.constant 2672 : index
      %get3A_1315 = tpu.vector_load %arg9[%get3A_1314] {strides = array<i32>} : memref<3072xf32, #tpu.memory_space<vmem>>, vector<16xf32>,
      %mul3A_1316 = arith.mulf %gather3A_1279, %get3A_1315 : vector<16xf32>
      %add3A_1317 = arith.addf %add3A_1273, %mul3A_1316 : vector<16xf32>
      %mul3A_1318 = arith.mulf %gather3A_1283, %get3A_1315 : vector<16xf32>
      %add3A_1319 = arith.addf %add3A_1275, %mul3A_1318 : vector<16xf32>
      %add3A_1320 = arith.constant 28 : i32
      %add3A_1321 = vector.broadcast %add3A_1320 : i32 to vector<16xi32>
      %add3A_1322 = arith.addi %broadcast_in_dim3A, %add3A_1321 : vector<16xi32>
      %gather3A_1323 = tpu.vector_load_idx %arg8[%add3A_1322] : memref<4352xf32, #tpu.memory_space<vmem>>[vector<16xi32>], vector<16xf32>,
      %add3A_1324 = arith.constant 28 : i32
      %add3A_1325 = vector.broadcast %add3A_1324 : i32 to vector<16xi32>
      %add3A_1326 = arith.addi %add3A_88, %add3A_1325 : vector<16xi32>
      %gather3A_1327 = tpu.vector_load_idx %arg8[%add3A_1326] : memref<4352xf32, #tpu.memory_space<vmem>>[vector<16xi32>], vector<16xf32>,
      %get3A_1328 = arith.constant 2688 : index
      %get3A_1329 = tpu.vector_load %arg9[%get3A_1328] {strides = array<i32>} : memref<3072xf32, #tpu.memory_space<vmem>>, vector<16xf32>,
      %mul3A_1330 = arith.mulf %gather3A_1323, %get3A_1329 : vector<16xf32>
      %add3A_1331 = arith.addf %add3A_1287, %mul3A_1330 : vector<16xf32>
      %mul3A_1332 = arith.mulf %gather3A_1327, %get3A_1329 : vector<16xf32>
      %add3A_1333 = arith.addf %add3A_1289, %mul3A_1332 : vector<16xf32>
      %get3A_1334 = arith.constant 2704 : index
      %get3A_1335 = tpu.vector_load %arg9[%get3A_1334] {strides = array<i32>} : memref<3072xf32, #tpu.memory_space<vmem>>, vector<16xf32>,
      %mul3A_1336 = arith.mulf %gather3A_1323, %get3A_1335 : vector<16xf32>
      %add3A_1337 = arith.addf %add3A_1293, %mul3A_1336 : vector<16xf32>
      %mul3A_1338 = arith.mulf %gather3A_1327, %get3A_1335 : vector<16xf32>
      %add3A_1339 = arith.addf %add3A_1295, %mul3A_1338 : vector<16xf32>
      %get3A_1340 = arith.constant 2720 : index
      %get3A_1341 = tpu.vector_load %arg9[%get3A_1340] {strides = array<i32>} : memref<3072xf32, #tpu.memory_space<vmem>>, vector<16xf32>,
      %mul3A_1342 = arith.mulf %gather3A_1323, %get3A_1341 : vector<16xf32>
      %add3A_1343 = arith.addf %add3A_1299, %mul3A_1342 : vector<16xf32>
      %mul3A_1344 = arith.mulf %gather3A_1327, %get3A_1341 : vector<16xf32>
      %add3A_1345 = arith.addf %add3A_1301, %mul3A_1344 : vector<16xf32>
      %get3A_1346 = arith.constant 2736 : index
      %get3A_1347 = tpu.vector_load %arg9[%get3A_1346] {strides = array<i32>} : memref<3072xf32, #tpu.memory_space<vmem>>, vector<16xf32>,
      %mul3A_1348 = arith.mulf %gather3A_1323, %get3A_1347 : vector<16xf32>
      %add3A_1349 = arith.addf %add3A_1305, %mul3A_1348 : vector<16xf32>
      %mul3A_1350 = arith.mulf %gather3A_1327, %get3A_1347 : vector<16xf32>
      %add3A_1351 = arith.addf %add3A_1307, %mul3A_1350 : vector<16xf32>
      %get3A_1352 = arith.constant 2752 : index
      %get3A_1353 = tpu.vector_load %arg9[%get3A_1352] {strides = array<i32>} : memref<3072xf32, #tpu.memory_space<vmem>>, vector<16xf32>,
      %mul3A_1354 = arith.mulf %gather3A_1323, %get3A_1353 : vector<16xf32>
      %add3A_1355 = arith.addf %add3A_1311, %mul3A_1354 : vector<16xf32>
      %mul3A_1356 = arith.mulf %gather3A_1327, %get3A_1353 : vector<16xf32>
      %add3A_1357 = arith.addf %add3A_1313, %mul3A_1356 : vector<16xf32>
      %get3A_1358 = arith.constant 2768 : index
      %get3A_1359 = tpu.vector_load %arg9[%get3A_1358] {strides = array<i32>} : memref<3072xf32, #tpu.memory_space<vmem>>, vector<16xf32>,
      %mul3A_1360 = arith.mulf %gather3A_1323, %get3A_1359 : vector<16xf32>
      %add3A_1361 = arith.addf %add3A_1317, %mul3A_1360 : vector<16xf32>
      %mul3A_1362 = arith.mulf %gather3A_1327, %get3A_1359 : vector<16xf32>
      %add3A_1363 = arith.addf %add3A_1319, %mul3A_1362 : vector<16xf32>
      %add3A_1364 = arith.constant 29 : i32
      %add3A_1365 = vector.broadcast %add3A_1364 : i32 to vector<16xi32>
      %add3A_1366 = arith.addi %broadcast_in_dim3A, %add3A_1365 : vector<16xi32>
      %gather3A_1367 = tpu.vector_load_idx %arg8[%add3A_1366] : memref<4352xf32, #tpu.memory_space<vmem>>[vector<16xi32>], vector<16xf32>,
      %add3A_1368 = arith.constant 29 : i32
      %add3A_1369 = vector.broadcast %add3A_1368 : i32 to vector<16xi32>
      %add3A_1370 = arith.addi %add3A_88, %add3A_1369 : vector<16xi32>
      %gather3A_1371 = tpu.vector_load_idx %arg8[%add3A_1370] : memref<4352xf32, #tpu.memory_space<vmem>>[vector<16xi32>], vector<16xf32>,
      %get3A_1372 = arith.constant 2784 : index
      %get3A_1373 = tpu.vector_load %arg9[%get3A_1372] {strides = array<i32>} : memref<3072xf32, #tpu.memory_space<vmem>>, vector<16xf32>,
      %mul3A_1374 = arith.mulf %gather3A_1367, %get3A_1373 : vector<16xf32>
      %add3A_1375 = arith.addf %add3A_1331, %mul3A_1374 : vector<16xf32>
      %mul3A_1376 = arith.mulf %gather3A_1371, %get3A_1373 : vector<16xf32>
      %add3A_1377 = arith.addf %add3A_1333, %mul3A_1376 : vector<16xf32>
      %get3A_1378 = arith.constant 2800 : index
      %get3A_1379 = tpu.vector_load %arg9[%get3A_1378] {strides = array<i32>} : memref<3072xf32, #tpu.memory_space<vmem>>, vector<16xf32>,
      %mul3A_1380 = arith.mulf %gather3A_1367, %get3A_1379 : vector<16xf32>
      %add3A_1381 = arith.addf %add3A_1337, %mul3A_1380 : vector<16xf32>
      %mul3A_1382 = arith.mulf %gather3A_1371, %get3A_1379 : vector<16xf32>
      %add3A_1383 = arith.addf %add3A_1339, %mul3A_1382 : vector<16xf32>
      %get3A_1384 = arith.constant 2816 : index
      %get3A_1385 = tpu.vector_load %arg9[%get3A_1384] {strides = array<i32>} : memref<3072xf32, #tpu.memory_space<vmem>>, vector<16xf32>,
      %mul3A_1386 = arith.mulf %gather3A_1367, %get3A_1385 : vector<16xf32>
      %add3A_1387 = arith.addf %add3A_1343, %mul3A_1386 : vector<16xf32>
      %mul3A_1388 = arith.mulf %gather3A_1371, %get3A_1385 : vector<16xf32>
      %add3A_1389 = arith.addf %add3A_1345, %mul3A_1388 : vector<16xf32>
      %get3A_1390 = arith.constant 2832 : index
      %get3A_1391 = tpu.vector_load %arg9[%get3A_1390] {strides = array<i32>} : memref<3072xf32, #tpu.memory_space<vmem>>, vector<16xf32>,
      %mul3A_1392 = arith.mulf %gather3A_1367, %get3A_1391 : vector<16xf32>
      %add3A_1393 = arith.addf %add3A_1349, %mul3A_1392 : vector<16xf32>
      %mul3A_1394 = arith.mulf %gather3A_1371, %get3A_1391 : vector<16xf32>
      %add3A_1395 = arith.addf %add3A_1351, %mul3A_1394 : vector<16xf32>
      %get3A_1396 = arith.constant 2848 : index
      %get3A_1397 = tpu.vector_load %arg9[%get3A_1396] {strides = array<i32>} : memref<3072xf32, #tpu.memory_space<vmem>>, vector<16xf32>,
      %mul3A_1398 = arith.mulf %gather3A_1367, %get3A_1397 : vector<16xf32>
      %add3A_1399 = arith.addf %add3A_1355, %mul3A_1398 : vector<16xf32>
      %mul3A_1400 = arith.mulf %gather3A_1371, %get3A_1397 : vector<16xf32>
      %add3A_1401 = arith.addf %add3A_1357, %mul3A_1400 : vector<16xf32>
      %get3A_1402 = arith.constant 2864 : index
      %get3A_1403 = tpu.vector_load %arg9[%get3A_1402] {strides = array<i32>} : memref<3072xf32, #tpu.memory_space<vmem>>, vector<16xf32>,
      %mul3A_1404 = arith.mulf %gather3A_1367, %get3A_1403 : vector<16xf32>
      %add3A_1405 = arith.addf %add3A_1361, %mul3A_1404 : vector<16xf32>
      %mul3A_1406 = arith.mulf %gather3A_1371, %get3A_1403 : vector<16xf32>
      %add3A_1407 = arith.addf %add3A_1363, %mul3A_1406 : vector<16xf32>
      %add3A_1408 = arith.constant 30 : i32
      %add3A_1409 = vector.broadcast %add3A_1408 : i32 to vector<16xi32>
      %add3A_1410 = arith.addi %broadcast_in_dim3A, %add3A_1409 : vector<16xi32>
      %gather3A_1411 = tpu.vector_load_idx %arg8[%add3A_1410] : memref<4352xf32, #tpu.memory_space<vmem>>[vector<16xi32>], vector<16xf32>,
      %add3A_1412 = arith.constant 30 : i32
      %add3A_1413 = vector.broadcast %add3A_1412 : i32 to vector<16xi32>
      %add3A_1414 = arith.addi %add3A_88, %add3A_1413 : vector<16xi32>
      %gather3A_1415 = tpu.vector_load_idx %arg8[%add3A_1414] : memref<4352xf32, #tpu.memory_space<vmem>>[vector<16xi32>], vector<16xf32>,
      %get3A_1416 = arith.constant 2880 : index
      %get3A_1417 = tpu.vector_load %arg9[%get3A_1416] {strides = array<i32>} : memref<3072xf32, #tpu.memory_space<vmem>>, vector<16xf32>,
      %mul3A_1418 = arith.mulf %gather3A_1411, %get3A_1417 : vector<16xf32>
      %add3A_1419 = arith.addf %add3A_1375, %mul3A_1418 : vector<16xf32>
      %mul3A_1420 = arith.mulf %gather3A_1415, %get3A_1417 : vector<16xf32>
      %add3A_1421 = arith.addf %add3A_1377, %mul3A_1420 : vector<16xf32>
      %get3A_1422 = arith.constant 2896 : index
      %get3A_1423 = tpu.vector_load %arg9[%get3A_1422] {strides = array<i32>} : memref<3072xf32, #tpu.memory_space<vmem>>, vector<16xf32>,
      %mul3A_1424 = arith.mulf %gather3A_1411, %get3A_1423 : vector<16xf32>
      %add3A_1425 = arith.addf %add3A_1381, %mul3A_1424 : vector<16xf32>
      %mul3A_1426 = arith.mulf %gather3A_1415, %get3A_1423 : vector<16xf32>
      %add3A_1427 = arith.addf %add3A_1383, %mul3A_1426 : vector<16xf32>
      %get3A_1428 = arith.constant 2912 : index
      %get3A_1429 = tpu.vector_load %arg9[%get3A_1428] {strides = array<i32>} : memref<3072xf32, #tpu.memory_space<vmem>>, vector<16xf32>,
      %mul3A_1430 = arith.mulf %gather3A_1411, %get3A_1429 : vector<16xf32>
      %add3A_1431 = arith.addf %add3A_1387, %mul3A_1430 : vector<16xf32>
      %mul3A_1432 = arith.mulf %gather3A_1415, %get3A_1429 : vector<16xf32>
      %add3A_1433 = arith.addf %add3A_1389, %mul3A_1432 : vector<16xf32>
      %get3A_1434 = arith.constant 2928 : index
      %get3A_1435 = tpu.vector_load %arg9[%get3A_1434] {strides = array<i32>} : memref<3072xf32, #tpu.memory_space<vmem>>, vector<16xf32>,
      %mul3A_1436 = arith.mulf %gather3A_1411, %get3A_1435 : vector<16xf32>
      %add3A_1437 = arith.addf %add3A_1393, %mul3A_1436 : vector<16xf32>
      %mul3A_1438 = arith.mulf %gather3A_1415, %get3A_1435 : vector<16xf32>
      %add3A_1439 = arith.addf %add3A_1395, %mul3A_1438 : vector<16xf32>
      %get3A_1440 = arith.constant 2944 : index
      %get3A_1441 = tpu.vector_load %arg9[%get3A_1440] {strides = array<i32>} : memref<3072xf32, #tpu.memory_space<vmem>>, vector<16xf32>,
      %mul3A_1442 = arith.mulf %gather3A_1411, %get3A_1441 : vector<16xf32>
      %add3A_1443 = arith.addf %add3A_1399, %mul3A_1442 : vector<16xf32>
      %mul3A_1444 = arith.mulf %gather3A_1415, %get3A_1441 : vector<16xf32>
      %add3A_1445 = arith.addf %add3A_1401, %mul3A_1444 : vector<16xf32>
      %get3A_1446 = arith.constant 2960 : index
      %get3A_1447 = tpu.vector_load %arg9[%get3A_1446] {strides = array<i32>} : memref<3072xf32, #tpu.memory_space<vmem>>, vector<16xf32>,
      %mul3A_1448 = arith.mulf %gather3A_1411, %get3A_1447 : vector<16xf32>
      %add3A_1449 = arith.addf %add3A_1405, %mul3A_1448 : vector<16xf32>
      %mul3A_1450 = arith.mulf %gather3A_1415, %get3A_1447 : vector<16xf32>
      %add3A_1451 = arith.addf %add3A_1407, %mul3A_1450 : vector<16xf32>
      %add3A_1452 = arith.constant 31 : i32
      %add3A_1453 = vector.broadcast %add3A_1452 : i32 to vector<16xi32>
      %add3A_1454 = arith.addi %broadcast_in_dim3A, %add3A_1453 : vector<16xi32>
      %gather3A_1455 = tpu.vector_load_idx %arg8[%add3A_1454] : memref<4352xf32, #tpu.memory_space<vmem>>[vector<16xi32>], vector<16xf32>,
      %add3A_1456 = arith.constant 31 : i32
      %add3A_1457 = vector.broadcast %add3A_1456 : i32 to vector<16xi32>
      %add3A_1458 = arith.addi %add3A_88, %add3A_1457 : vector<16xi32>
      %gather3A_1459 = tpu.vector_load_idx %arg8[%add3A_1458] : memref<4352xf32, #tpu.memory_space<vmem>>[vector<16xi32>], vector<16xf32>,
      %get3A_1460 = arith.constant 2976 : index
      %get3A_1461 = tpu.vector_load %arg9[%get3A_1460] {strides = array<i32>} : memref<3072xf32, #tpu.memory_space<vmem>>, vector<16xf32>,
      %mul3A_1462 = arith.mulf %gather3A_1455, %get3A_1461 : vector<16xf32>
      %add3A_1463 = arith.addf %add3A_1419, %mul3A_1462 : vector<16xf32>
      %mul3A_1464 = arith.mulf %gather3A_1459, %get3A_1461 : vector<16xf32>
      %add3A_1465 = arith.addf %add3A_1421, %mul3A_1464 : vector<16xf32>
      %get3A_1466 = arith.constant 2992 : index
      %get3A_1467 = tpu.vector_load %arg9[%get3A_1466] {strides = array<i32>} : memref<3072xf32, #tpu.memory_space<vmem>>, vector<16xf32>,
      %mul3A_1468 = arith.mulf %gather3A_1455, %get3A_1467 : vector<16xf32>
      %add3A_1469 = arith.addf %add3A_1425, %mul3A_1468 : vector<16xf32>
      %mul3A_1470 = arith.mulf %gather3A_1459, %get3A_1467 : vector<16xf32>
      %add3A_1471 = arith.addf %add3A_1427, %mul3A_1470 : vector<16xf32>
      %get3A_1472 = arith.constant 3008 : index
      %get3A_1473 = tpu.vector_load %arg9[%get3A_1472] {strides = array<i32>} : memref<3072xf32, #tpu.memory_space<vmem>>, vector<16xf32>,
      %mul3A_1474 = arith.mulf %gather3A_1455, %get3A_1473 : vector<16xf32>
      %add3A_1475 = arith.addf %add3A_1431, %mul3A_1474 : vector<16xf32>
      %mul3A_1476 = arith.mulf %gather3A_1459, %get3A_1473 : vector<16xf32>
      %add3A_1477 = arith.addf %add3A_1433, %mul3A_1476 : vector<16xf32>
      %get3A_1478 = arith.constant 3024 : index
      %get3A_1479 = tpu.vector_load %arg9[%get3A_1478] {strides = array<i32>} : memref<3072xf32, #tpu.memory_space<vmem>>, vector<16xf32>,
      %mul3A_1480 = arith.mulf %gather3A_1455, %get3A_1479 : vector<16xf32>
      %add3A_1481 = arith.addf %add3A_1437, %mul3A_1480 : vector<16xf32>
      %mul3A_1482 = arith.mulf %gather3A_1459, %get3A_1479 : vector<16xf32>
      %add3A_1483 = arith.addf %add3A_1439, %mul3A_1482 : vector<16xf32>
      %get3A_1484 = arith.constant 3040 : index
      %get3A_1485 = tpu.vector_load %arg9[%get3A_1484] {strides = array<i32>} : memref<3072xf32, #tpu.memory_space<vmem>>, vector<16xf32>,
      %mul3A_1486 = arith.mulf %gather3A_1455, %get3A_1485 : vector<16xf32>
      %add3A_1487 = arith.addf %add3A_1443, %mul3A_1486 : vector<16xf32>
      %mul3A_1488 = arith.mulf %gather3A_1459, %get3A_1485 : vector<16xf32>
      %add3A_1489 = arith.addf %add3A_1445, %mul3A_1488 : vector<16xf32>
      %get3A_1490 = arith.constant 3056 : index
      %get3A_1491 = tpu.vector_load %arg9[%get3A_1490] {strides = array<i32>} : memref<3072xf32, #tpu.memory_space<vmem>>, vector<16xf32>,
      %mul3A_1492 = arith.mulf %gather3A_1455, %get3A_1491 : vector<16xf32>
      %add3A_1493 = arith.addf %add3A_1449, %mul3A_1492 : vector<16xf32>
      %mul3A_1494 = arith.mulf %gather3A_1459, %get3A_1491 : vector<16xf32>
      %add3A_1495 = arith.addf %add3A_1451, %mul3A_1494 : vector<16xf32>
      %swap3A = arith.index_cast %shift_right_arithmetic3A_78 : i32 to index
      %swap3A_1496 = arith.index_cast %and3A_79 : i32 to index
      %swap3A_1497 = arith.constant 0 : index
      %swap3A_1498 = tpu.vector_load %arg12[%swap3A, %swap3A_1496, %swap3A_1497] {strides = array<i32>} : memref<8x16x128xf32, #tpu.memory_space<vmem>>, vector<16xf32>,
      tpu.vector_store %arg12[%swap3A, %swap3A_1496, %swap3A_1497], %add3A_1463 {strides = array<i32>} : memref<8x16x128xf32, #tpu.memory_space<vmem>>, vector<16xf32>,
      %add3A_1499 = arith.constant 8 : i32
      %add3A_1500 = arith.addi %and3A_79, %add3A_1499 : i32
      %swap3A_1501 = arith.index_cast %shift_right_arithmetic3A_78 : i32 to index
      %swap3A_1502 = arith.index_cast %add3A_1500 : i32 to index
      %swap3A_1503 = arith.constant 0 : index
      %swap3A_1504 = tpu.vector_load %arg12[%swap3A_1501, %swap3A_1502, %swap3A_1503] {strides = array<i32>} : memref<8x16x128xf32, #tpu.memory_space<vmem>>, vector<16xf32>,
      tpu.vector_store %arg12[%swap3A_1501, %swap3A_1502, %swap3A_1503], %add3A_1465 {strides = array<i32>} : memref<8x16x128xf32, #tpu.memory_space<vmem>>, vector<16xf32>,
      %swap3A_1505 = arith.index_cast %shift_right_arithmetic3A_78 : i32 to index
      %swap3A_1506 = arith.index_cast %and3A_79 : i32 to index
      %swap3A_1507 = arith.constant 16 : index
      %swap3A_1508 = tpu.vector_load %arg12[%swap3A_1505, %swap3A_1506, %swap3A_1507] {strides = array<i32>} : memref<8x16x128xf32, #tpu.memory_space<vmem>>, vector<16xf32>,
      tpu.vector_store %arg12[%swap3A_1505, %swap3A_1506, %swap3A_1507], %add3A_1469 {strides = array<i32>} : memref<8x16x128xf32, #tpu.memory_space<vmem>>, vector<16xf32>,
      %add3A_1509 = arith.constant 8 : i32
      %add3A_1510 = arith.addi %and3A_79, %add3A_1509 : i32
      %swap3A_1511 = arith.index_cast %shift_right_arithmetic3A_78 : i32 to index
      %swap3A_1512 = arith.index_cast %add3A_1510 : i32 to index
      %swap3A_1513 = arith.constant 16 : index
      %swap3A_1514 = tpu.vector_load %arg12[%swap3A_1511, %swap3A_1512, %swap3A_1513] {strides = array<i32>} : memref<8x16x128xf32, #tpu.memory_space<vmem>>, vector<16xf32>,
      tpu.vector_store %arg12[%swap3A_1511, %swap3A_1512, %swap3A_1513], %add3A_1471 {strides = array<i32>} : memref<8x16x128xf32, #tpu.memory_space<vmem>>, vector<16xf32>,
      %swap3A_1515 = arith.index_cast %shift_right_arithmetic3A_78 : i32 to index
      %swap3A_1516 = arith.index_cast %and3A_79 : i32 to index
      %swap3A_1517 = arith.constant 32 : index
      %swap3A_1518 = tpu.vector_load %arg12[%swap3A_1515, %swap3A_1516, %swap3A_1517] {strides = array<i32>} : memref<8x16x128xf32, #tpu.memory_space<vmem>>, vector<16xf32>,
      tpu.vector_store %arg12[%swap3A_1515, %swap3A_1516, %swap3A_1517], %add3A_1475 {strides = array<i32>} : memref<8x16x128xf32, #tpu.memory_space<vmem>>, vector<16xf32>,
      %add3A_1519 = arith.constant 8 : i32
      %add3A_1520 = arith.addi %and3A_79, %add3A_1519 : i32
      %swap3A_1521 = arith.index_cast %shift_right_arithmetic3A_78 : i32 to index
      %swap3A_1522 = arith.index_cast %add3A_1520 : i32 to index
      %swap3A_1523 = arith.constant 32 : index
      %swap3A_1524 = tpu.vector_load %arg12[%swap3A_1521, %swap3A_1522, %swap3A_1523] {strides = array<i32>} : memref<8x16x128xf32, #tpu.memory_space<vmem>>, vector<16xf32>,
      tpu.vector_store %arg12[%swap3A_1521, %swap3A_1522, %swap3A_1523], %add3A_1477 {strides = array<i32>} : memref<8x16x128xf32, #tpu.memory_space<vmem>>, vector<16xf32>,
      %swap3A_1525 = arith.index_cast %shift_right_arithmetic3A_78 : i32 to index
      %swap3A_1526 = arith.index_cast %and3A_79 : i32 to index
      %swap3A_1527 = arith.constant 48 : index
      %swap3A_1528 = tpu.vector_load %arg12[%swap3A_1525, %swap3A_1526, %swap3A_1527] {strides = array<i32>} : memref<8x16x128xf32, #tpu.memory_space<vmem>>, vector<16xf32>,
      tpu.vector_store %arg12[%swap3A_1525, %swap3A_1526, %swap3A_1527], %add3A_1481 {strides = array<i32>} : memref<8x16x128xf32, #tpu.memory_space<vmem>>, vector<16xf32>,
      %add3A_1529 = arith.constant 8 : i32
      %add3A_1530 = arith.addi %and3A_79, %add3A_1529 : i32
      %swap3A_1531 = arith.index_cast %shift_right_arithmetic3A_78 : i32 to index
      %swap3A_1532 = arith.index_cast %add3A_1530 : i32 to index
      %swap3A_1533 = arith.constant 48 : index
      %swap3A_1534 = tpu.vector_load %arg12[%swap3A_1531, %swap3A_1532, %swap3A_1533] {strides = array<i32>} : memref<8x16x128xf32, #tpu.memory_space<vmem>>, vector<16xf32>,
      tpu.vector_store %arg12[%swap3A_1531, %swap3A_1532, %swap3A_1533], %add3A_1483 {strides = array<i32>} : memref<8x16x128xf32, #tpu.memory_space<vmem>>, vector<16xf32>,
      %swap3A_1535 = arith.index_cast %shift_right_arithmetic3A_78 : i32 to index
      %swap3A_1536 = arith.index_cast %and3A_79 : i32 to index
      %swap3A_1537 = arith.constant 64 : index
      %swap3A_1538 = tpu.vector_load %arg12[%swap3A_1535, %swap3A_1536, %swap3A_1537] {strides = array<i32>} : memref<8x16x128xf32, #tpu.memory_space<vmem>>, vector<16xf32>,
      tpu.vector_store %arg12[%swap3A_1535, %swap3A_1536, %swap3A_1537], %add3A_1487 {strides = array<i32>} : memref<8x16x128xf32, #tpu.memory_space<vmem>>, vector<16xf32>,
      %add3A_1539 = arith.constant 8 : i32
      %add3A_1540 = arith.addi %and3A_79, %add3A_1539 : i32
      %swap3A_1541 = arith.index_cast %shift_right_arithmetic3A_78 : i32 to index
      %swap3A_1542 = arith.index_cast %add3A_1540 : i32 to index
      %swap3A_1543 = arith.constant 64 : index
      %swap3A_1544 = tpu.vector_load %arg12[%swap3A_1541, %swap3A_1542, %swap3A_1543] {strides = array<i32>} : memref<8x16x128xf32, #tpu.memory_space<vmem>>, vector<16xf32>,
      tpu.vector_store %arg12[%swap3A_1541, %swap3A_1542, %swap3A_1543], %add3A_1489 {strides = array<i32>} : memref<8x16x128xf32, #tpu.memory_space<vmem>>, vector<16xf32>,
      %swap3A_1545 = arith.index_cast %shift_right_arithmetic3A_78 : i32 to index
      %swap3A_1546 = arith.index_cast %and3A_79 : i32 to index
      %swap3A_1547 = arith.constant 80 : index
      %swap3A_1548 = tpu.vector_load %arg12[%swap3A_1545, %swap3A_1546, %swap3A_1547] {strides = array<i32>} : memref<8x16x128xf32, #tpu.memory_space<vmem>>, vector<16xf32>,
      tpu.vector_store %arg12[%swap3A_1545, %swap3A_1546, %swap3A_1547], %add3A_1493 {strides = array<i32>} : memref<8x16x128xf32, #tpu.memory_space<vmem>>, vector<16xf32>,
      %add3A_1549 = arith.constant 8 : i32
      %add3A_1550 = arith.addi %and3A_79, %add3A_1549 : i32
      %swap3A_1551 = arith.index_cast %shift_right_arithmetic3A_78 : i32 to index
      %swap3A_1552 = arith.index_cast %add3A_1550 : i32 to index
      %swap3A_1553 = arith.constant 80 : index
      %swap3A_1554 = tpu.vector_load %arg12[%swap3A_1551, %swap3A_1552, %swap3A_1553] {strides = array<i32>} : memref<8x16x128xf32, #tpu.memory_space<vmem>>, vector<16xf32>,
      tpu.vector_store %arg12[%swap3A_1551, %swap3A_1552, %swap3A_1553], %add3A_1495 {strides = array<i32>} : memref<8x16x128xf32, #tpu.memory_space<vmem>>, vector<16xf32>,
      %swap3A_1555 = arith.index_cast %shift_right_arithmetic3A_78 : i32 to index
      %swap3A_1556 = arith.index_cast %and3A_79 : i32 to index
      %swap3A_1557 = arith.constant 96 : index
      %swap3A_1558 = tpu.vector_load %arg12[%swap3A_1555, %swap3A_1556, %swap3A_1557] {strides = array<i32>} : memref<8x16x128xf32, #tpu.memory_space<vmem>>, vector<16xf32>,
      tpu.vector_store %arg12[%swap3A_1555, %swap3A_1556, %swap3A_1557], %add3A_35 {strides = array<i32>} : memref<8x16x128xf32, #tpu.memory_space<vmem>>, vector<16xf32>,
      %swap3A_1559 = arith.index_cast %shift_right_arithmetic3A_78 : i32 to index
      %swap3A_1560 = arith.index_cast %and3A_79 : i32 to index
      %swap3A_1561 = arith.constant 112 : index
      %swap3A_1562 = tpu.vector_load %arg12[%swap3A_1559, %swap3A_1560, %swap3A_1561] {strides = array<i32>} : memref<8x16x128xf32, #tpu.memory_space<vmem>>, vector<16xf32>,
      tpu.vector_store %arg12[%swap3A_1559, %swap3A_1560, %swap3A_1561], %add3A_49 {strides = array<i32>} : memref<8x16x128xf32, #tpu.memory_space<vmem>>, vector<16xf32>,
      %add3A_1563 = arith.constant 8 : i32
      %add3A_1564 = arith.addi %and3A_79, %add3A_1563 : i32
      %swap3A_1565 = arith.index_cast %shift_right_arithmetic3A_78 : i32 to index
      %swap3A_1566 = arith.index_cast %add3A_1564 : i32 to index
      %swap3A_1567 = arith.constant 96 : index
      %swap3A_1568 = tpu.vector_load %arg12[%swap3A_1565, %swap3A_1566, %swap3A_1567] {strides = array<i32>} : memref<8x16x128xf32, #tpu.memory_space<vmem>>, vector<16xf32>,
      tpu.vector_store %arg12[%swap3A_1565, %swap3A_1566, %swap3A_1567], %add3A_35 {strides = array<i32>} : memref<8x16x128xf32, #tpu.memory_space<vmem>>, vector<16xf32>,
      %add3A_1569 = arith.constant 8 : i32
      %add3A_1570 = arith.addi %and3A_79, %add3A_1569 : i32
      %swap3A_1571 = arith.index_cast %shift_right_arithmetic3A_78 : i32 to index
      %swap3A_1572 = arith.index_cast %add3A_1570 : i32 to index
      %swap3A_1573 = arith.constant 112 : index
      %swap3A_1574 = tpu.vector_load %arg12[%swap3A_1571, %swap3A_1572, %swap3A_1573] {strides = array<i32>} : memref<8x16x128xf32, #tpu.memory_space<vmem>>, vector<16xf32>,
      tpu.vector_store %arg12[%swap3A_1571, %swap3A_1572, %swap3A_1573], %add3A_49 {strides = array<i32>} : memref<8x16x128xf32, #tpu.memory_space<vmem>>, vector<16xf32>,
    }
    %scan3A_69 = arith.constant 64 : i32
    %lt3A = arith.constant 31 : i32
    %lt3A_70 = arith.cmpi slt, %add3A, %lt3A : i32
    %convert_element_type3A = arith.extui %lt3A_70 : i1 to i32
    %cond3A = arith.constant 0 : i32
    %cond3A_71 = arith.cmpi ne, %convert_element_type3A, %cond3A : i32
    scf.if %cond3A_71 {
      "tpu.region"() ({
        %run_scoped3A = tpu.sem_alloc : memref<!tpu.dma_semaphore, #tpu.memory_space<semaphore_mem>>
        %dma_start3A_77 = arith.constant 0 : i32
        %dma_start3A_78 = arith.constant 0 : i32
        %dma_start3A_79 = tpu.memref_slice %arg6[%mul3A_63, %dma_start3A_77, %dma_start3A_78] : memref<255x16x128xf32, #tpu.memory_space<hbm>> -> memref<8x16x128xf32, #tpu.memory_space<hbm>>
        %dma_start3A_80 = arith.constant 0 : i32
        %dma_start3A_81 = arith.constant 0 : i32
        %dma_start3A_82 = tpu.memref_slice %arg6[%mul3A_63, %dma_start3A_80, %dma_start3A_81] : memref<255x16x128xf32, #tpu.memory_space<hbm>> -> memref<8x16x128xf32, #tpu.memory_space<hbm>>
        tpu.enqueue_dma source(%arg12 : memref<8x16x128xf32, #tpu.memory_space<vmem>>) target(%dma_start3A_82 : memref<8x16x128xf32, #tpu.memory_space<hbm>>) target_semaphore(%run_scoped3A : memref<!tpu.dma_semaphore, #tpu.memory_space<semaphore_mem>>)
        %dma_wait3A_83 = arith.constant 0 : i32
        %dma_wait3A_84 = arith.constant 0 : i32
        %dma_wait3A_85 = tpu.memref_slice %arg6[%mul3A_63, %dma_wait3A_83, %dma_wait3A_84] : memref<255x16x128xf32, #tpu.memory_space<hbm>> -> memref<8x16x128xf32, #tpu.memory_space<hbm>>
        %dma_wait3A_86 = arith.constant 0 : i32
        %dma_wait3A_87 = arith.constant 0 : i32
        %dma_wait3A_88 = tpu.memref_slice %arg6[%mul3A_63, %dma_wait3A_86, %dma_wait3A_87] : memref<255x16x128xf32, #tpu.memory_space<hbm>> -> memref<8x16x128xf32, #tpu.memory_space<hbm>>
        tpu.wait_dma2 semaphore(%run_scoped3A : memref<!tpu.dma_semaphore, #tpu.memory_space<semaphore_mem>>) src(%arg12 : memref<8x16x128xf32, #tpu.memory_space<vmem>>) dst(%dma_wait3A_88 : memref<8x16x128xf32, #tpu.memory_space<hbm>>)
        tpu.yield
      }) : () -> ()
    } else {
    }
    %eq3A_72 = arith.constant 31 : i32
    %eq3A_73 = arith.cmpi eq, %add3A, %eq3A_72 : i32
    %convert_element_type3A_74 = arith.extui %eq3A_73 : i1 to i32
    %cond3A_75 = arith.constant 0 : i32
    %cond3A_76 = arith.cmpi ne, %convert_element_type3A_74, %cond3A_75 : i32
    scf.if %cond3A_76 {
      "tpu.region"() ({
        %run_scoped3A = tpu.sem_alloc : memref<!tpu.dma_semaphore, #tpu.memory_space<semaphore_mem>>
        %dma_start3A_77 = arith.constant 0 : i32
        %dma_start3A_78 = arith.constant 0 : i32
        %dma_start3A_79 = arith.constant 0 : i32
        %dma_start3A_80 = tpu.memref_slice %arg12[%dma_start3A_77, %dma_start3A_78, %dma_start3A_79] : memref<8x16x128xf32, #tpu.memory_space<vmem>> -> memref<7x16x128xf32, #tpu.memory_space<vmem>>
        %dma_start3A_81 = arith.constant 0 : i32
        %dma_start3A_82 = arith.constant 0 : i32
        %dma_start3A_83 = tpu.memref_slice %arg6[%mul3A_63, %dma_start3A_81, %dma_start3A_82] : memref<255x16x128xf32, #tpu.memory_space<hbm>> -> memref<7x16x128xf32, #tpu.memory_space<hbm>>
        %dma_start3A_84 = arith.constant 0 : i32
        %dma_start3A_85 = arith.constant 0 : i32
        %dma_start3A_86 = tpu.memref_slice %arg6[%mul3A_63, %dma_start3A_84, %dma_start3A_85] : memref<255x16x128xf32, #tpu.memory_space<hbm>> -> memref<7x16x128xf32, #tpu.memory_space<hbm>>
        %dma_start3A_87 = arith.constant 0 : i32
        %dma_start3A_88 = arith.constant 0 : i32
        %dma_start3A_89 = arith.constant 0 : i32
        %dma_start3A_90 = tpu.memref_slice %arg12[%dma_start3A_87, %dma_start3A_88, %dma_start3A_89] : memref<8x16x128xf32, #tpu.memory_space<vmem>> -> memref<7x16x128xf32, #tpu.memory_space<vmem>>
        tpu.enqueue_dma source(%dma_start3A_90 : memref<7x16x128xf32, #tpu.memory_space<vmem>>) target(%dma_start3A_86 : memref<7x16x128xf32, #tpu.memory_space<hbm>>) target_semaphore(%run_scoped3A : memref<!tpu.dma_semaphore, #tpu.memory_space<semaphore_mem>>)
        %dma_wait3A_91 = arith.constant 0 : i32
        %dma_wait3A_92 = arith.constant 0 : i32
        %dma_wait3A_93 = arith.constant 0 : i32
        %dma_wait3A_94 = tpu.memref_slice %arg12[%dma_wait3A_91, %dma_wait3A_92, %dma_wait3A_93] : memref<8x16x128xf32, #tpu.memory_space<vmem>> -> memref<7x16x128xf32, #tpu.memory_space<vmem>>
        %dma_wait3A_95 = arith.constant 0 : i32
        %dma_wait3A_96 = arith.constant 0 : i32
        %dma_wait3A_97 = tpu.memref_slice %arg6[%mul3A_63, %dma_wait3A_95, %dma_wait3A_96] : memref<255x16x128xf32, #tpu.memory_space<hbm>> -> memref<7x16x128xf32, #tpu.memory_space<hbm>>
        %dma_wait3A_98 = arith.constant 0 : i32
        %dma_wait3A_99 = arith.constant 0 : i32
        %dma_wait3A_100 = tpu.memref_slice %arg6[%mul3A_63, %dma_wait3A_98, %dma_wait3A_99] : memref<255x16x128xf32, #tpu.memory_space<hbm>> -> memref<7x16x128xf32, #tpu.memory_space<hbm>>
        %dma_wait3A_101 = arith.constant 0 : i32
        %dma_wait3A_102 = arith.constant 0 : i32
        %dma_wait3A_103 = arith.constant 0 : i32
        %dma_wait3A_104 = tpu.memref_slice %arg12[%dma_wait3A_101, %dma_wait3A_102, %dma_wait3A_103] : memref<8x16x128xf32, #tpu.memory_space<vmem>> -> memref<7x16x128xf32, #tpu.memory_space<vmem>>
        tpu.wait_dma2 semaphore(%run_scoped3A : memref<!tpu.dma_semaphore, #tpu.memory_space<semaphore_mem>>) src(%dma_wait3A_104 : memref<7x16x128xf32, #tpu.memory_space<vmem>>) dst(%dma_wait3A_100 : memref<7x16x128xf32, #tpu.memory_space<hbm>>)
        tpu.yield
      }) : () -> ()
    } else {
    }
    return
  }
}

</mosaic_0001>

<sc_bundles>
// kernel: kernel.3.cloned.1.call-start
scs
__scs_entry_jumppad:
0x0: {  	(pc) =	sbr.rel $0x88, $3  }
0x1: {  	(tag) =	ssettag $0x0;
	lr =	simm.s32 $0x1  }
0x2: {  	[smem:$0x3F9C] =	sst lr;
	_ =	strace $0xD0000000  }
0x3: {  	_ = 	snop  }
0x4: {  	_ = 	snop  }
0x5: {  	_ = 	snop  }
0x6: {  	_ = 	snop  }
0x7: {  	_ = 	snop  }
__scs_overlays_trampoline_lowered:
0x8: {  	[smem:$0x3FAB] =	sst s0  }
0x9: {  	[smem:$0x3FAC] =	sst s1  }
0xa: {  	[smem:$0x3FAD] =	sst s2  }
0xb: {  	[smem:$0x3FAE] =	sst s3  }
0xc: {  	[smem:$0x3FAF] =	sst s4  }
0xd: {  	[smem:$0x3FB0] =	sst s5  }
0xe: {  	[smem:$0x3FB1] =	sst s6  }
0xf: {  	[smem:$0x3FB2] =	sst s7  }
0x10: {  	[smem:$0x3FB3] =	sst s8  }
0x11: {  	[smem:$0x3FB4] =	sst s9;
	s0 =	simm.s32 @!p0 $0x0  }
0x12: {  	s1 =	sld [smem:$0x3F9A];
	s0 =	simm.s32 @p0 $0x1  }
0x13: {  	[smem:$0x3FB5] =	sst s0;
	s0 =	simm.s32 @!p1 $0x0  }
0x14: {  	s2 =	sld [smem:$0x3F99];
	s0 =	simm.s32 @p1 $0x1  }
0x15: {  	[smem:$0x3FB6] =	sst s0;
	s0 =	simm.s32 @!p2 $0x0  }
0x16: {  	s3 =	sld [smem:$0x3FDB];
	s0 =	simm.s32 @p2 $0x1  }
0x17: {  	s4 =	simm.s32 $0x1BF5;
	[smem:$0x3FB8] =	sst s0  }
0x18: {  	s0 =	sld [smem:$0x3F9B];
	_ =	swait.ge [sflag:s4], $0x0  }
0x19: {  	s7 =	sld [smem:$0x3F9C]  }
0x1a: {  	s8 =	sadd.s32 $0xFFFFE003, lr  }
0x1b: {  	s9 =	sadd.s32 $0xFFFFFEF7, lr;
	s5 =	simm.s32 $0xFFFFFFFF;
	p2 =	slt.u32 s8, $0xFFFFF086  }
0x1c: {  	p1 =	slt.u32 s9, $0xF7A;
	s5 =	simm.s32 @!p2 $0x0  }
0x1d: {  	s5 =	simm.s32 @p1 $0x1;
	p0 =	seq.s32 s7, s2  }
0x1e: {  	s7 =	smul.u32 @!p0 $0xF7A, s2;
	p2 =	seq.s32 @!p0 s5, $0x0  }
0x1f: {  	s9 =	smul.u32 $0xF7A, s1;
	s8 =	simm.s32 @!p0 $0x1BF5;
	p2 =	por !p2, p0  }
0x20: {  	[sflag:s8] =	ssyncset.s32 @!p0 $0xFFFFF086;
	s6 =	sadd.s32 @!p0 s3, s7;
	s7 =	simm.s32 @!p0 $0x108  }
0x21: {  	s3 =	sadd.s32 s3, s9;
	s6 =	sadd.s32 @!p0 $0x88, s6;
	s7 =	simm.s32 @p2 $0x1082  }
0x22: {  	[simem:s7], [sflag:s8] =	dma.local @!p0 [hbm:s6], $0xF7A  }
0x23: {  	s9 =	sor.u32 $0xD0000000, s2;
	s6 =	simm.s32 $0x108;
	_ =	swait.ge @!p0 [sflag:s8], $0x0  }
0x24: {  	s3 =	sadd.s32 $0x88, s3;
	s6 =	simm.s32 @!p1 $0x1082;
	[sflag:s4] =	ssyncset.s32 $0xFFFFF086  }
0x25: {  	[simem:s6], [sflag:s4] =	dma.local [hbm:s3], $0xF7A  }
0x26: {  	[smem:$0x3F9C] =	sst s1;
	(tag) =	ssettag s2;
	_ =	strace s9  }
0x27: {  	s1 =	sld [smem:$0x3FAC]  }
0x28: {  	s2 =	sld [smem:$0x3FAD]  }
0x29: {  	s4 =	sld [smem:$0x3FAF]  }
0x2a: {  	p0 =	seq.s32 s5, $0x0;
	s5 =	sld [smem:$0x3FB0]  }
0x2b: {  	s6 =	sld [smem:$0x3FB1]  }
0x2c: {  	s7 =	sld [smem:$0x3FB2]  }
0x2d: {  	s3 =	simm.s32 $0x108;
	s8 =	sld [smem:$0x3FB3]  }
0x2e: {  	s3 =	simm.s32 @!p0 $0x1082;
	s9 =	sld [smem:$0x3FB4]  }
0x2f: {  	lr =	sadd.s32 s0, s3;
	s0 =	sld [smem:$0x3FAB]  }
0x30: {  	s3 =	sld [smem:$0x3FAE]  }
0x31: {  	[smem:$0x3FB7] =	sst s10  }
0x32: {  	s10 =	sld [smem:$0x3FB5];
	_ =	sdelay $0x3  }
0x33: {  	p0 =	seq.s32 s10, $0x1;
	s10 =	sld [smem:$0x3FB7];
	_ =	sdelay $0x3  }
0x34: {  	[smem:$0x3FB7] =	sst s10  }
0x35: {  	s10 =	sld [smem:$0x3FB6];
	_ =	sdelay $0x3  }
0x36: {  	p1 =	seq.s32 s10, $0x1;
	s10 =	sld [smem:$0x3FB7];
	_ =	sdelay $0x3  }
0x37: {  	[smem:$0x3FB7] =	sst s10  }
0x38: {  	s10 =	sld [smem:$0x3FB8]  }
0x39: {  	_ = 	snop;
	(pc) =	sbr.ind lr, $3  }
0x3a: {  	_ = 	snop  }
0x3b: {  	_ = 	snop  }
0x3c: {  	p2 =	seq.s32 s10, $0x1;
	s10 =	sld [smem:$0x3FB7]  }
0x3d: {  	_ =	shalt  }
0x3e: {  	_ =	shalt  }
0x3f: {  	_ =	shalt  }
0x40: {  	_ =	shalt  }
0x41: {  	_ =	shalt  }
0x42: {  	_ =	shalt  }
0x43: {  	_ =	shalt  }
0x44: {  	_ =	shalt  }
0x45: {  	_ =	shalt  }
0x46: {  	_ =	shalt  }
0x47: {  	_ =	shalt  }
0x48: {  	_ =	shalt  }
0x49: {  	_ =	shalt  }
0x4a: {  	_ =	shalt  }
0x4b: {  	_ =	shalt  }
0x4c: {  	_ =	shalt  }
0x4d: {  	_ =	shalt  }
0x4e: {  	_ =	shalt  }
0x4f: {  	_ =	shalt  }
0x50: {  	_ =	shalt  }
0x51: {  	_ =	shalt  }
0x52: {  	_ =	shalt  }
0x53: {  	_ =	shalt  }
0x54: {  	_ =	shalt  }
0x55: {  	_ =	shalt  }
0x56: {  	_ =	shalt  }
0x57: {  	_ =	shalt  }
0x58: {  	_ =	shalt  }
0x59: {  	_ =	shalt  }
0x5a: {  	_ =	shalt  }
0x5b: {  	_ =	shalt  }
0x5c: {  	_ =	shalt  }
0x5d: {  	_ =	shalt  }
0x5e: {  	_ =	shalt  }
0x5f: {  	_ =	shalt  }
0x60: {  	_ =	shalt  }
0x61: {  	_ =	shalt  }
0x62: {  	_ =	shalt  }
0x63: {  	_ =	shalt  }
0x64: {  	_ =	shalt  }
0x65: {  	_ =	shalt  }
0x66: {  	_ =	shalt  }
0x67: {  	_ =	shalt  }
0x68: {  	_ =	shalt  }
0x69: {  	_ =	shalt  }
0x6a: {  	_ =	shalt  }
0x6b: {  	_ =	shalt  }
0x6c: {  	_ =	shalt  }
0x6d: {  	_ =	shalt  }
0x6e: {  	_ =	shalt  }
0x6f: {  	_ =	shalt  }
0x70: {  	_ =	shalt  }
0x71: {  	_ =	shalt  }
0x72: {  	_ =	shalt  }
0x73: {  	_ =	shalt  }
0x74: {  	_ =	shalt  }
0x75: {  	_ =	shalt  }
0x76: {  	_ =	shalt  }
0x77: {  	_ =	shalt  }
0x78: {  	_ =	shalt  }
0x79: {  	_ =	shalt  }
0x7a: {  	_ =	shalt  }
0x7b: {  	_ =	shalt  }
0x7c: {  	_ =	shalt  }
0x7d: {  	_ =	shalt  }
0x7e: {  	_ =	shalt  }
0x7f: {  	_ =	shalt  }
0x80: {  	_ =	shalt  }
0x81: {  	_ =	shalt  }
0x82: {  	_ =	shalt  }
0x83: {  	_ =	shalt  }
0x84: {  	_ =	shalt  }
0x85: {  	_ =	shalt  }
0x86: {  	_ =	shalt  }
0x87: {  	_ =	shalt  }
.Lfunc_end0:
.L_simem_size_0:
called_computation_lowered:
.L_overlay_start_0:
0x88: {  	s2 =	sld [smem:$0x3FD9]  }
0x89: {  	s3 =	sld [smem:$0x3FFE];
	_ =	sdelay $0x1  }
0x8a: {  	s1 =	srdreg.scid  }
0x8b: {  	s0 =	sand.u32 $0x1, s1  }
0x8c: {  	s15 =	sshll.u32 s0, $0xA;
	s2 =	sadd.s32 s3, s2  }
0x8d: {  	s2 =	sadd.s32 s2, s15  }
0x8e: {  	[smem:$0x3FC3] =	sst s2  }
0x8f: {  	_ = 	snop  }
0x90: {  	s2 =	sld [smem:$0x3FD0];
	_ =	sdelay $0x1  }
0x91: {  	s16 =	sld [smem:$0x3FC9]  }
0x92: {  	s5 =	simm.s32 $0xA;
	s6 =	simm.s32 $0x10;
	s4 =	sld [smem:$0x3FC7]  }
0x93: {  	[smem:s6], [sflag:s5] =	dma.local [hbm:s2], $0x1  }
0x94: {  	_ =	swait.eq [sflag:s5], $0x1  }
0x95: {  	s17 =	sld [smem:$0x10];
	[sflag:s5] =	ssyncset.done $0x0  }
0x96: {  	s18 =	sld [smem:$0x11];
	[sflag:s5] =	ssyncadd.s32 $0xFFFFFFFF  }
0x97: {  	s19 =	sld [smem:$0x12];
	(tm) =	ssettm $0x1  }
0x98: {  	s7 =	sld [smem:$0x3FFB];
	_ =	sdelay $0x3  }
0x99: {  	_ =	strace s7  }
0x9a: {  	s7 =	sld [smem:$0x3FFC];
	_ =	sdelay $0x3  }
0x9b: {  	_ =	strace s7  }
0x9c: {  	s7 =	sld [smem:$0x3FFD];
	_ =	sdelay $0x3  }
0x9d: {  	_ =	strace s7  }
0x9e: {  	_ =	strace $0x8FFFFFFF  }
0x9f: {  	s20 =	sld [smem:$0x3FDB];
	_ =	sdelay $0x1  }
0xa0: {  	s8 =	simm.s32 $_scs_section_size  }
0xa1: {  	s9 =	simm.s32 $_size__tile_overlayer_lowered;
	s10 =	simm.s32 $_tile_overlayer_lowered  }
0xa2: {  	s23 =	simm.s32 $0x1BFF;
	s22 =	sshll.u32 s10, $0x1;
	s7 =	sadd.s32 s8, s20  }
0xa3: {  	s11 =	simm.s32 $0x0;
	s21 =	sshll.u32 s9, $0x1;
	s9 =	sadd.s32 s22, s7  }
0xa4: {  	[timem:s11], [sflag:s23] =	dma.local [hbm:s9], s21  }
0xa5: {  	_ =	swait.ge [sflag:s23], s21  }
0xa6: {  	s8 =	ssub.s32 $0x0, s21;
	[sflag:s23] =	ssyncset.done $0x0  }
0xa7: {  	[sflag:s23] =	ssyncadd.s32 s8;
	_ =	sdelay $0x1  }
0xa8: {  	s24 =	simm.s32 $0x1B8B  }
0xa9: {  	_ =	swait.ge [sflag:s24], $0x1  }
0xaa: {  	[sflag:s24] =	ssyncset.done $0x0  }
0xab: {  	s25 =	simm.s32 $0x1B8E;
	[sflag:s24] =	ssyncadd.s32 $0xFFFFFFFF  }
0xac: {  	s26 =	simm.s32 $execute0_lowered;
	[smem:$0x3FD2] =	sst s25  }
0xad: {  	s8 =	sshll.u32 s26, $0x1;
	_ =	strace $0x80000046;
	[dreg:$0x1] =	wrdreg $0xFFFFFFFF  }
0xae: {  	s28 =	simm.s32 $_size_execute0_lowered;
	s7 =	sadd.s32 s7, s8;
	[dreg:$0x0] =	wrdreg $0x0  }
0xaf: {  	s8 =	sshll.u32 s28, $0x1;
	[dreg:$0x2] =	wrdreg s7  }
0xb0: {  	[dreg:$0x3] =	wrdreg s8  }
0xb1: {  	[dreg:$0x4] =	wrdreg $0xC0  }
0xb2: {  	_ =	task [dreg:s11], $0x5FFFF  }
0xb3: {  	[dreg:$0x1] =	wrdreg $0xFFFFFFFF  }
0xb4: {  	[dreg:$0x0] =	wrdreg $0x60  }
0xb5: {  	[dreg:$0x2] =	wrdreg s16  }
0xb6: {  	[dreg:$0x3] =	wrdreg s19  }
0xb7: {  	[dreg:$0x4] =	wrdreg s4  }
0xb8: {  	[dreg:$0x5] =	wrdreg s18  }
0xb9: {  	[dreg:$0x6] =	wrdreg s17  }
0xba: {  	[dreg:$0x7] =	wrdreg $0x9  }
0xbb: {  	_ =	task.clear_ibuf [dreg:s11], $0x8FFFF;
	_ =	strace $0x90000046  }
0xbc: {  	s29 =	simm.s32 $0x9;
	_ =	strace $0x80000048  }
0xbd: {  	_ =	swait.ge [sflag:s29], $0x1  }
0xbe: {  	[sflag:s29] =	ssyncadd.s32 $0xFFFFFFFF  }
0xbf: {  	_ =	strace $0x90000048  }
0xc0: {  	_ =	sfence  }
0xc1: {  	s30 =	sld [smem:$0x0];
	_ =	sdelay $0x2  }
0xc2: {  	s31 =	sshll.u32 s1, $0xD;
	s1 =	sshrl.u32 s1, $0x2  }
0xc3: {  	s3 =	sand.u32 $0x4000, s31;
	s1 =	sadd.s32 s1, s30  }
0xc4: {  	s0 =	sor.u32 s3, s0;
	s1 =	sshll.u32 s1, $0x11  }
0xc5: {  	s0 =	sor.u32 s1, s0  }
0xc6: {  	s0 =	sadd.s32 $0x8F2B, s0  }
0xc7: {  	[sflag:s0] =	ssyncadd.remote.s32 $0x1  }
0xc8: {  	_ =	sfence.sel $0xFFFF  }
0xc9: {  	[dreg:$0x0] =	wrdreg $0xFFFFFFFF;
	(pc) =	sbr.abs _section_cstart, $3  }
0xca: {  	[dreg:$0x1] =	wrdreg $0xFFFFFFFF  }
0xcb: {  	_ =	task.clear_ibuf [dreg:s11], $0x2FFFF;
	_ =	strace $0x9FFFFFFF  }
0xcc: {  	(tm) =	ssettm $0x7FFFFFFF  }
0xcd: {  	_ =	shalt  }
tec
execute0_lowered:
.L_overlay_start_1:
0x0: {  	(tag) =	ssettag $0x1  }
0x1: {  	s0 =	rddreg [dreg:$0x0]  }
0x2: {  	s2 =	rddreg [dreg:$0x2]  }
0x3: {  	s3 =	rddreg [dreg:$0x3]  }
0x4: {  	s12 =	rddreg [dreg:$0x4];
	s6 =	srdreg.scid  }
0x5: {  	s5 =	simm.s32 $0x0;
	s1 =	stileid.u32;
	s16 =	simm.s32 $0x800  }
0x6: {  	s17 =	simm.s32 $0x8000;
	s18 =	simm.s32 $0xD100;
	s19 =	simm.s32 $0xDD00  }
0x7: {  	s20 =	simm.s32 $0xDD80;
	s21 =	simm.s32 $0x1;
	s22 =	simm.s32 $0xC000  }
0x8: {  	s23 =	simm.s32 $0x0;
	s6 =	sand.u32 $0x1, s6;
	[smem:$0x7FF] =	sst s5  }
0x9: {  	s8 =	sshll.u32 s1, $0x1;
	s7 =	ssub.s32 $0x2, s6;
	_ =	strace $0x80000047  }
0xa: {  	s10 =	sor.u32 s6, s8;
	s6 =	simm.s32 $0x80;
	s9 =	sshrl.u32 s7, $0x1  }
0xb: {  	s11 =	sshll.u32 s10, $0x7;
	p0 =	seq.s32 s10, $0x1F;
	s31 =	sshll.u32 s10, $0xB  }
0xc: {  	s13 =	ssub.s32 s7, s9;
	s14 =	smin.u32 s11, $0xF00;
	s6 =	simm.s32 @!p0 $0x0  }
0xd: {  	s7 =	sadd.s32 s0, s14;
	s8 =	sshll.u32 s6, $0x3;
	s9 =	smin.u32 s6, $0x70  }
0xe: {  	s10 =	ssub.s32 s11, s14;
	s11 =	sadd.s32 s12, s31;
	s12 =	sadd.s32 $0xF800, s12  }
0xf: {  	s13 =	smax.u32 s13, $0x1;
	s15 =	sor.u32 $0xC040, s6;
	s14 =	sor.u32 $0xC080, s9;
	v0 =	vmov s8  }
.LBB2_1:
0x10: {  	[tilespmem:s5], [sflag:$0x1] =	stream.strided.gather [hbm4b:s7+s16], $0xC000, s17, s16, $0x38;
	[tilespmem:$0x11E00] =	vst v63  }
0x11: {  	s0 =	rddreg [dreg:$0x1]  }
0x12: {  	[tilespmem:s18], [sflag:$0x1] =	stream.linear.gather [hbm4b:s0+s5], $0xC00, $0x38;
	[tilespmem:$0x11E00] =	vst v63  }
0x13: {  	_ = 	snop  }
0x14: {  	[tilespmem:s19], [sflag:$0x1] =	stream.linear.gather [hbm4b:s2+s5], $0x80, $0x38;
	[tilespmem:$0x11E00] =	vst v63  }
0x15: {  	_ = 	snop  }
0x16: {  	[tilespmem:s20], [sflag:$0x1] =	stream.linear.gather [hbm4b:s3+s5], $0x80, $0x38;
	[tilespmem:$0x11E00] =	vst v63  }
0x17: {  	_ =	swait.ge [sflag:s21], $0xC000  }
0x18: {  	[sflag:s21] =	ssyncset.done $0x0  }
0x19: {  	[sflag:s21] =	ssyncadd.s32 $0xFFFF4000  }
0x1a: {  	_ =	swait.ge [sflag:s21], $0xC00  }
0x1b: {  	[sflag:s21] =	ssyncset.done $0x0  }
0x1c: {  	[sflag:s21] =	ssyncadd.s32 $0xFFFFF400  }
0x1d: {  	_ =	swait.ge [sflag:s21], $0x80  }
0x1e: {  	[sflag:s21] =	ssyncset.done $0x0  }
0x1f: {  	[sflag:s21] =	ssyncadd.s32 $0xFFFFFF80  }
0x20: {  	s24 =	sand.u32 $0x800, s5;
	_ =	swait.ge [sflag:s21], $0x80  }
0x21: {  	s25 =	sand.u32 $0x380, s5;
	s4 =	sor.u32 s8, s24;
	[sflag:s21] =	ssyncset.done $0x0  }
0x22: {  	s0 =	sadd.s32 s25, s4;
	[sflag:s21] =	ssyncadd.s32 $0xFFFFFF80  }
0x23: {  	v1 =	vld [tilespmem:s0+$0x0]  }
0x24: {  	v2 =	vld [tilespmem:s0+$0x1000];
	_ =	sdelay $0x1  }
0x25: {  	v3 =	vld [tilespmem:s0+$0x2000];
	_ =	sdelay $0x1  }
0x26: {  	v4 =	vld [tilespmem:s0+$0x3000]  }
0x27: {  	v1 =	vadd.f32 v2, v1  }
0x28: {  	v2 =	vld [tilespmem:s0+$0x4000]  }
0x29: {  	v1 =	vadd.f32 v3, v1  }
0x2a: {  	v3 =	vld [tilespmem:s0+$0x5000]  }
0x2b: {  	v1 =	vadd.f32 v4, v1  }
0x2c: {  	v4 =	vld [tilespmem:s0+$0x6000]  }
0x2d: {  	v1 =	vadd.f32 v2, v1  }
0x2e: {  	v2 =	vld [tilespmem:s0+$0x7000]  }
0x2f: {  	v1 =	vadd.f32 v3, v1  }
0x30: {  	v3 =	vld [tilespmem:s0+$0x8000]  }
0x31: {  	v1 =	vadd.f32 v4, v1  }
0x32: {  	v4 =	vld [tilespmem:s0+$0x9000]  }
0x33: {  	v1 =	vadd.f32 v2, v1  }
0x34: {  	v2 =	vld [tilespmem:s0+$0xA000]  }
0x35: {  	s24 =	sor.u32 s25, s24;
	v1 =	vadd.f32 v3, v1  }
0x36: {  	v3 =	vld.idx.msk [tilespmem:v0+s24+$0xB000 ss:$0x1], $0xffff  }
0x37: {  	v1 =	vadd.f32 v4, v1;
	_ =	sdelay $0x1  }
0x38: {  	v1 =	vadd.f32 v2, v1;
	_ =	sdelay $0x1  }
0x39: {  	v1 =	vadd.f32 v3, v1  }
0x3a: {  	s26 =	sadd.s32 $0x0, s6  }
0x3b: {  	s25 =	sand.u32 $0x1F80, s26;
	s26 =	sand.u32 $0x70, s5;
	v1 =	vmul.f32 $8.333333580e-02, v1  }
0x3c: {  	s25 =	sor.u32 s26, s25  }
0x3d: {  	[tilespmem:s25+$0xC000] =	vst v1  }
0x3e: {  	v1 =	vld [tilespmem:s0+$0x10]  }
0x3f: {  	v2 =	vld [tilespmem:s0+$0x1010];
	_ =	sdelay $0x1  }
0x40: {  	v3 =	vld [tilespmem:s0+$0x2010];
	_ =	sdelay $0x1  }
0x41: {  	v4 =	vld [tilespmem:s0+$0x3010]  }
0x42: {  	v1 =	vadd.f32 v2, v1  }
0x43: {  	v2 =	vld [tilespmem:s0+$0x4010]  }
0x44: {  	v1 =	vadd.f32 v3, v1  }
0x45: {  	v3 =	vld [tilespmem:s0+$0x5010]  }
0x46: {  	v1 =	vadd.f32 v4, v1  }
0x47: {  	v4 =	vld [tilespmem:s0+$0x6010]  }
0x48: {  	v1 =	vadd.f32 v2, v1  }
0x49: {  	v2 =	vld [tilespmem:s0+$0x7010]  }
0x4a: {  	v1 =	vadd.f32 v3, v1  }
0x4b: {  	v3 =	vld [tilespmem:s0+$0x8010]  }
0x4c: {  	v1 =	vadd.f32 v4, v1  }
0x4d: {  	v4 =	vld [tilespmem:s0+$0x9010]  }
0x4e: {  	v1 =	vadd.f32 v2, v1  }
0x4f: {  	v2 =	vld [tilespmem:s0+$0xA010]  }
0x50: {  	v1 =	vadd.f32 v3, v1  }
0x51: {  	v3 =	vld.idx.msk [tilespmem:v0+s24+$0xB010 ss:$0x1], $0xffff  }
0x52: {  	v1 =	vadd.f32 v4, v1;
	_ =	sdelay $0x1  }
0x53: {  	v1 =	vadd.f32 v2, v1;
	_ =	sdelay $0x1  }
0x54: {  	v1 =	vadd.f32 v3, v1;
	_ =	sdelay $0x1  }
0x55: {  	v1 =	vmul.f32 $8.333333580e-02, v1;
	_ =	sdelay $0x1  }
0x56: {  	[tilespmem:s15+$0xFFFFFFD0] =	vst v1  }
0x57: {  	v1 =	vld [tilespmem:s0+$0x20]  }
0x58: {  	v2 =	vld [tilespmem:s0+$0x1020];
	_ =	sdelay $0x1  }
0x59: {  	v3 =	vld [tilespmem:s0+$0x2020];
	_ =	sdelay $0x1  }
0x5a: {  	v4 =	vld [tilespmem:s0+$0x3020]  }
0x5b: {  	v1 =	vadd.f32 v2, v1  }
0x5c: {  	v2 =	vld [tilespmem:s0+$0x4020]  }
0x5d: {  	v1 =	vadd.f32 v3, v1  }
0x5e: {  	v3 =	vld [tilespmem:s0+$0x5020]  }
0x5f: {  	v1 =	vadd.f32 v4, v1  }
0x60: {  	v4 =	vld [tilespmem:s0+$0x6020]  }
0x61: {  	v1 =	vadd.f32 v2, v1  }
0x62: {  	v2 =	vld [tilespmem:s0+$0x7020]  }
0x63: {  	v1 =	vadd.f32 v3, v1  }
0x64: {  	v3 =	vld [tilespmem:s0+$0x8020]  }
0x65: {  	v1 =	vadd.f32 v4, v1  }
0x66: {  	v4 =	vld [tilespmem:s0+$0x9020]  }
0x67: {  	v1 =	vadd.f32 v2, v1  }
0x68: {  	v2 =	vld [tilespmem:s0+$0xA020]  }
0x69: {  	v1 =	vadd.f32 v3, v1  }
0x6a: {  	v3 =	vld.idx.msk [tilespmem:v0+s24+$0xB020 ss:$0x1], $0xffff  }
0x6b: {  	v1 =	vadd.f32 v4, v1;
	_ =	sdelay $0x1  }
0x6c: {  	v1 =	vadd.f32 v2, v1;
	_ =	sdelay $0x1  }
0x6d: {  	v1 =	vadd.f32 v3, v1;
	_ =	sdelay $0x1  }
0x6e: {  	v1 =	vmul.f32 $8.333333580e-02, v1;
	_ =	sdelay $0x1  }
0x6f: {  	[tilespmem:s15+$0xFFFFFFE0] =	vst v1  }
0x70: {  	v1 =	vld [tilespmem:s0+$0x30]  }
0x71: {  	v2 =	vld [tilespmem:s0+$0x1030];
	_ =	sdelay $0x1  }
0x72: {  	v3 =	vld [tilespmem:s0+$0x2030];
	_ =	sdelay $0x1  }
0x73: {  	v4 =	vld [tilespmem:s0+$0x3030]  }
0x74: {  	v1 =	vadd.f32 v2, v1  }
0x75: {  	v2 =	vld [tilespmem:s0+$0x4030]  }
0x76: {  	v1 =	vadd.f32 v3, v1  }
0x77: {  	v3 =	vld [tilespmem:s0+$0x5030]  }
0x78: {  	v1 =	vadd.f32 v4, v1  }
0x79: {  	v4 =	vld [tilespmem:s0+$0x6030]  }
0x7a: {  	v1 =	vadd.f32 v2, v1  }
0x7b: {  	v2 =	vld [tilespmem:s0+$0x7030]  }
0x7c: {  	v1 =	vadd.f32 v3, v1  }
0x7d: {  	v3 =	vld [tilespmem:s0+$0x8030]  }
0x7e: {  	v1 =	vadd.f32 v4, v1  }
0x7f: {  	v4 =	vld [tilespmem:s0+$0x9030]  }
0x80: {  	v1 =	vadd.f32 v2, v1  }
0x81: {  	v2 =	vld [tilespmem:s0+$0xA030]  }
0x82: {  	v1 =	vadd.f32 v3, v1  }
0x83: {  	v3 =	vld.idx.msk [tilespmem:v0+s24+$0xB030 ss:$0x1], $0xffff  }
0x84: {  	v1 =	vadd.f32 v4, v1;
	_ =	sdelay $0x1  }
0x85: {  	v1 =	vadd.f32 v2, v1;
	_ =	sdelay $0x1  }
0x86: {  	v1 =	vadd.f32 v3, v1;
	_ =	sdelay $0x1  }
0x87: {  	v1 =	vmul.f32 $8.333333580e-02, v1;
	_ =	sdelay $0x1  }
0x88: {  	[tilespmem:s15+$0xFFFFFFF0] =	vst v1  }
0x89: {  	v1 =	vld [tilespmem:s0+$0x40]  }
0x8a: {  	v2 =	vld [tilespmem:s0+$0x1040];
	_ =	sdelay $0x1  }
0x8b: {  	v3 =	vld [tilespmem:s0+$0x2040];
	_ =	sdelay $0x1  }
0x8c: {  	v4 =	vld [tilespmem:s0+$0x3040]  }
0x8d: {  	v1 =	vadd.f32 v2, v1  }
0x8e: {  	v2 =	vld [tilespmem:s0+$0x4040]  }
0x8f: {  	v1 =	vadd.f32 v3, v1  }
0x90: {  	v3 =	vld [tilespmem:s0+$0x5040]  }
0x91: {  	v1 =	vadd.f32 v4, v1  }
0x92: {  	v4 =	vld [tilespmem:s0+$0x6040]  }
0x93: {  	v1 =	vadd.f32 v2, v1  }
0x94: {  	v2 =	vld [tilespmem:s0+$0x7040]  }
0x95: {  	v1 =	vadd.f32 v3, v1  }
0x96: {  	v3 =	vld [tilespmem:s0+$0x8040]  }
0x97: {  	v1 =	vadd.f32 v4, v1  }
0x98: {  	v4 =	vld [tilespmem:s0+$0x9040]  }
0x99: {  	v1 =	vadd.f32 v2, v1  }
0x9a: {  	v2 =	vld [tilespmem:s0+$0xA040]  }
0x9b: {  	v1 =	vadd.f32 v3, v1  }
0x9c: {  	v3 =	vld.idx.msk [tilespmem:v0+s24+$0xB040 ss:$0x1], $0xffff  }
0x9d: {  	v1 =	vadd.f32 v4, v1;
	_ =	sdelay $0x1  }
0x9e: {  	v1 =	vadd.f32 v2, v1;
	_ =	sdelay $0x1  }
0x9f: {  	v1 =	vadd.f32 v3, v1;
	_ =	sdelay $0x1  }
0xa0: {  	v1 =	vmul.f32 $8.333333580e-02, v1;
	_ =	sdelay $0x1  }
0xa1: {  	[tilespmem:s15+$0x0] =	vst v1  }
0xa2: {  	v1 =	vld [tilespmem:s0+$0x50]  }
0xa3: {  	v2 =	vld [tilespmem:s0+$0x1050];
	_ =	sdelay $0x1  }
0xa4: {  	v3 =	vld [tilespmem:s0+$0x2050];
	_ =	sdelay $0x1  }
0xa5: {  	v4 =	vld [tilespmem:s0+$0x3050]  }
0xa6: {  	v1 =	vadd.f32 v2, v1  }
0xa7: {  	v2 =	vld [tilespmem:s0+$0x4050]  }
0xa8: {  	v1 =	vadd.f32 v3, v1  }
0xa9: {  	v3 =	vld [tilespmem:s0+$0x5050]  }
0xaa: {  	v1 =	vadd.f32 v4, v1  }
0xab: {  	v4 =	vld [tilespmem:s0+$0x6050]  }
0xac: {  	v1 =	vadd.f32 v2, v1  }
0xad: {  	v2 =	vld [tilespmem:s0+$0x7050]  }
0xae: {  	v1 =	vadd.f32 v3, v1  }
0xaf: {  	v3 =	vld [tilespmem:s0+$0x8050]  }
0xb0: {  	v1 =	vadd.f32 v4, v1  }
0xb1: {  	v4 =	vld [tilespmem:s0+$0x9050]  }
0xb2: {  	v1 =	vadd.f32 v2, v1  }
0xb3: {  	v2 =	vld [tilespmem:s0+$0xA050]  }
0xb4: {  	v1 =	vadd.f32 v3, v1  }
0xb5: {  	v3 =	vld.idx.msk [tilespmem:v0+s24+$0xB050 ss:$0x1], $0xffff  }
0xb6: {  	v1 =	vadd.f32 v4, v1;
	_ =	sdelay $0x1  }
0xb7: {  	v1 =	vadd.f32 v2, v1;
	_ =	sdelay $0x1  }
0xb8: {  	v1 =	vadd.f32 v3, v1;
	_ =	sdelay $0x1  }
0xb9: {  	v1 =	vmul.f32 $8.333333580e-02, v1;
	_ =	sdelay $0x1  }
0xba: {  	[tilespmem:s15+$0x10] =	vst v1  }
0xbb: {  	v1 =	vld [tilespmem:s0+$0x60]  }
0xbc: {  	v2 =	vld [tilespmem:s0+$0x1060];
	_ =	sdelay $0x1  }
0xbd: {  	v3 =	vld [tilespmem:s0+$0x2060];
	_ =	sdelay $0x1  }
0xbe: {  	v4 =	vld [tilespmem:s0+$0x3060]  }
0xbf: {  	v1 =	vadd.f32 v2, v1  }
0xc0: {  	v2 =	vld [tilespmem:s0+$0x4060]  }
0xc1: {  	v1 =	vadd.f32 v3, v1  }
0xc2: {  	v3 =	vld [tilespmem:s0+$0x5060]  }
0xc3: {  	v1 =	vadd.f32 v4, v1  }
0xc4: {  	v4 =	vld [tilespmem:s0+$0x6060]  }
0xc5: {  	v1 =	vadd.f32 v2, v1  }
0xc6: {  	v2 =	vld [tilespmem:s0+$0x7060]  }
0xc7: {  	v1 =	vadd.f32 v3, v1  }
0xc8: {  	v3 =	vld [tilespmem:s0+$0x8060]  }
0xc9: {  	v1 =	vadd.f32 v4, v1  }
0xca: {  	v4 =	vld [tilespmem:s0+$0x9060]  }
0xcb: {  	v1 =	vadd.f32 v2, v1  }
0xcc: {  	v2 =	vld [tilespmem:s0+$0xA060]  }
0xcd: {  	v1 =	vadd.f32 v3, v1  }
0xce: {  	v3 =	vld.idx.msk [tilespmem:v0+s24+$0xB060 ss:$0x1], $0xffff  }
0xcf: {  	v1 =	vadd.f32 v4, v1;
	_ =	sdelay $0x1  }
0xd0: {  	v1 =	vadd.f32 v2, v1;
	_ =	sdelay $0x1  }
0xd1: {  	v1 =	vadd.f32 v3, v1;
	_ =	sdelay $0x1  }
0xd2: {  	v1 =	vmul.f32 $8.333333580e-02, v1;
	_ =	sdelay $0x1  }
0xd3: {  	[tilespmem:s15+$0x20] =	vst v1  }
0xd4: {  	v1 =	vld [tilespmem:s0+$0x70]  }
0xd5: {  	v2 =	vld [tilespmem:s0+$0x1070];
	_ =	sdelay $0x1  }
0xd6: {  	v3 =	vld [tilespmem:s0+$0x2070];
	_ =	sdelay $0x1  }
0xd7: {  	v4 =	vld [tilespmem:s0+$0x3070]  }
0xd8: {  	v1 =	vadd.f32 v2, v1  }
0xd9: {  	v2 =	vld [tilespmem:s0+$0x4070]  }
0xda: {  	v1 =	vadd.f32 v3, v1  }
0xdb: {  	v3 =	vld [tilespmem:s0+$0x5070]  }
0xdc: {  	v1 =	vadd.f32 v4, v1  }
0xdd: {  	v4 =	vld [tilespmem:s0+$0x6070]  }
0xde: {  	v1 =	vadd.f32 v2, v1  }
0xdf: {  	v2 =	vld [tilespmem:s0+$0x7070]  }
0xe0: {  	v1 =	vadd.f32 v3, v1  }
0xe1: {  	v3 =	vld [tilespmem:s0+$0x8070]  }
0xe2: {  	v1 =	vadd.f32 v4, v1  }
0xe3: {  	v4 =	vld [tilespmem:s0+$0x9070]  }
0xe4: {  	v1 =	vadd.f32 v2, v1  }
0xe5: {  	v2 =	vld [tilespmem:s0+$0xA070]  }
0xe6: {  	v1 =	vadd.f32 v3, v1  }
0xe7: {  	v3 =	vld.idx.msk [tilespmem:v0+s24+$0xB070 ss:$0x1], $0xffff  }
0xe8: {  	v1 =	vadd.f32 v4, v1;
	_ =	sdelay $0x1  }
0xe9: {  	v1 =	vadd.f32 v2, v1;
	_ =	sdelay $0x1  }
0xea: {  	v1 =	vadd.f32 v3, v1;
	_ =	sdelay $0x1  }
0xeb: {  	v1 =	vmul.f32 $8.333333580e-02, v1;
	_ =	sdelay $0x1  }
0xec: {  	s31 =	sor.u32 s9, s24;
	[tilespmem:s15+$0x30] =	vst v1  }
0xed: {  	v1 =	vld [tilespmem:s31+$0x400]  }
0xee: {  	v2 =	vld [tilespmem:s31+$0x1400];
	_ =	sdelay $0x1  }
0xef: {  	v3 =	vld [tilespmem:s31+$0x2400];
	_ =	sdelay $0x1  }
0xf0: {  	v4 =	vld [tilespmem:s31+$0x3400]  }
0xf1: {  	v1 =	vadd.f32 v2, v1  }
0xf2: {  	v2 =	vld [tilespmem:s31+$0x4400]  }
0xf3: {  	v1 =	vadd.f32 v3, v1  }
0xf4: {  	v3 =	vld [tilespmem:s31+$0x5400]  }
0xf5: {  	v1 =	vadd.f32 v4, v1  }
0xf6: {  	v5 =	vld [tilespmem:s31+$0x6400]  }
0xf7: {  	v1 =	vadd.f32 v2, v1  }
0xf8: {  	v6 =	vld [tilespmem:s31+$0x7400]  }
0xf9: {  	v2 =	vadd.f32 v3, v1  }
0xfa: {  	v4 =	vld [tilespmem:s31+$0x8400]  }
0xfb: {  	v5 =	vadd.f32 v5, v2  }
0xfc: {  	v1 =	vld [tilespmem:s31+$0x9400]  }
0xfd: {  	s28 =	smov.u32 s14;
	s29 =	simm.s32 $0x0;
	s30 =	simm.s32 $0x0;
	v3 =	vld [tilespmem:s31+$0xA400];
	v5 =	vadd.f32 v6, v5  }
0xfe: {  	s26 =	sadd.s32 $0x110, s15;
	s25 =	smov.u32 s14;
	s24 =	simm.s32 $0x100;
	v2 =	vld [tilespmem:s31+$0xB400]  }
.LBB2_2:
0xff: {  	v4 =	vadd.f32 v4, v5;
	s28 =	sadd.s32 $0x110, s28;
	s29 =	sadd.s32 $0x80, s29;
	s30 =	sadd.s32 $0x110, s30  }
0x100: {  	p1 =	sne.s32 s24, $0xF00;
	s0 =	smov.u32 s24;
	s24 =	sadd.s32 $0x100, s24  }
0x101: {  	v1 =	vadd.f32 v1, v4;
	_ =	sdelay $0x1  }
0x102: {  	v1 =	vadd.f32 v3, v1;
	_ =	sdelay $0x1  }
0x103: {  	v1 =	vadd.f32 v2, v1  }
0x104: {  	s0 =	sand.u32 $0x800, s0  }
0x105: {  	s4 =	sand.u32 $0x380, s29;
	s31 =	sor.u32 s8, s0;
	v1 =	vmul.f32 $8.333333580e-02, v1  }
0x106: {  	s31 =	sadd.s32 s4, s31  }
0x107: {  	[tilespmem:s25+$0x0] =	vst v1;
	s25 =	smov.u32 s28  }
0x108: {  	v1 =	vld [tilespmem:s31+$0x0]  }
0x109: {  	v2 =	vld [tilespmem:s31+$0x1000]  }
0x10a: {  	v3 =	vld [tilespmem:s31+$0x2000];
	_ =	sdelay $0x1  }
0x10b: {  	v4 =	vld [tilespmem:s31+$0x3000];
	_ =	sdelay $0x1  }
0x10c: {  	v1 =	vadd.f32 v2, v1  }
0x10d: {  	v2 =	vld [tilespmem:s31+$0x4000]  }
0x10e: {  	v1 =	vadd.f32 v3, v1  }
0x10f: {  	v3 =	vld [tilespmem:s31+$0x5000]  }
0x110: {  	v1 =	vadd.f32 v4, v1  }
0x111: {  	v4 =	vld [tilespmem:s31+$0x6000]  }
0x112: {  	v1 =	vadd.f32 v2, v1  }
0x113: {  	v2 =	vld [tilespmem:s31+$0x7000]  }
0x114: {  	v1 =	vadd.f32 v3, v1  }
0x115: {  	v3 =	vld [tilespmem:s31+$0x8000]  }
0x116: {  	v1 =	vadd.f32 v4, v1  }
0x117: {  	v4 =	vld [tilespmem:s31+$0x9000]  }
0x118: {  	v1 =	vadd.f32 v2, v1  }
0x119: {  	s0 =	sor.u32 s4, s0;
	v2 =	vld [tilespmem:s31+$0xA000]  }
0x11a: {  	v1 =	vadd.f32 v3, v1;
	v3 =	vld.idx.msk [tilespmem:v0+s0+$0xB000 ss:$0x1], $0xffff;
	_ =	sdelay $0x1  }
0x11b: {  	v1 =	vadd.f32 v4, v1;
	_ =	sdelay $0x1  }
0x11c: {  	v1 =	vadd.f32 v2, v1;
	_ =	sdelay $0x1  }
0x11d: {  	v1 =	vadd.f32 v3, v1  }
0x11e: {  	s4 =	sadd.s32 s30, s6  }
0x11f: {  	s1 =	sand.u32 $0x70, s30;
	s4 =	sand.u32 $0x1F80, s4;
	v1 =	vmul.f32 $8.333333580e-02, v1  }
0x120: {  	s1 =	sor.u32 s1, s4  }
0x121: {  	[tilespmem:s1+$0xC000] =	vst v1  }
0x122: {  	v1 =	vld [tilespmem:s31+$0x10]  }
0x123: {  	v2 =	vld [tilespmem:s31+$0x1010];
	_ =	sdelay $0x1  }
0x124: {  	v3 =	vld [tilespmem:s31+$0x2010];
	_ =	sdelay $0x1  }
0x125: {  	v4 =	vld [tilespmem:s31+$0x3010]  }
0x126: {  	v1 =	vadd.f32 v2, v1  }
0x127: {  	v2 =	vld [tilespmem:s31+$0x4010]  }
0x128: {  	v1 =	vadd.f32 v3, v1  }
0x129: {  	v3 =	vld [tilespmem:s31+$0x5010]  }
0x12a: {  	v1 =	vadd.f32 v4, v1  }
0x12b: {  	v4 =	vld [tilespmem:s31+$0x6010]  }
0x12c: {  	v1 =	vadd.f32 v2, v1  }
0x12d: {  	v2 =	vld [tilespmem:s31+$0x7010]  }
0x12e: {  	v1 =	vadd.f32 v3, v1  }
0x12f: {  	v3 =	vld [tilespmem:s31+$0x8010]  }
0x130: {  	v1 =	vadd.f32 v4, v1  }
0x131: {  	v4 =	vld [tilespmem:s31+$0x9010]  }
0x132: {  	v1 =	vadd.f32 v2, v1  }
0x133: {  	v2 =	vld [tilespmem:s31+$0xA010]  }
0x134: {  	v1 =	vadd.f32 v3, v1;
	v3 =	vld.idx.msk [tilespmem:v0+s0+$0xB010 ss:$0x1], $0xffff;
	_ =	sdelay $0x1  }
0x135: {  	v1 =	vadd.f32 v4, v1;
	_ =	sdelay $0x1  }
0x136: {  	v1 =	vadd.f32 v2, v1;
	_ =	sdelay $0x1  }
0x137: {  	v1 =	vadd.f32 v3, v1;
	_ =	sdelay $0x1  }
0x138: {  	v1 =	vmul.f32 $8.333333580e-02, v1;
	_ =	sdelay $0x1  }
0x139: {  	[tilespmem:s26+$0xFFFFFFD0] =	vst v1  }
0x13a: {  	v1 =	vld [tilespmem:s31+$0x20]  }
0x13b: {  	v2 =	vld [tilespmem:s31+$0x1020];
	_ =	sdelay $0x1  }
0x13c: {  	v3 =	vld [tilespmem:s31+$0x2020];
	_ =	sdelay $0x1  }
0x13d: {  	v4 =	vld [tilespmem:s31+$0x3020]  }
0x13e: {  	v1 =	vadd.f32 v2, v1  }
0x13f: {  	v2 =	vld [tilespmem:s31+$0x4020]  }
0x140: {  	v1 =	vadd.f32 v3, v1  }
0x141: {  	v3 =	vld [tilespmem:s31+$0x5020]  }
0x142: {  	v1 =	vadd.f32 v4, v1  }
0x143: {  	v4 =	vld [tilespmem:s31+$0x6020]  }
0x144: {  	v1 =	vadd.f32 v2, v1  }
0x145: {  	v2 =	vld [tilespmem:s31+$0x7020]  }
0x146: {  	v1 =	vadd.f32 v3, v1  }
0x147: {  	v3 =	vld [tilespmem:s31+$0x8020]  }
0x148: {  	v1 =	vadd.f32 v4, v1  }
0x149: {  	v4 =	vld [tilespmem:s31+$0x9020]  }
0x14a: {  	v1 =	vadd.f32 v2, v1  }
0x14b: {  	v2 =	vld [tilespmem:s31+$0xA020]  }
0x14c: {  	v1 =	vadd.f32 v3, v1;
	v3 =	vld.idx.msk [tilespmem:v0+s0+$0xB020 ss:$0x1], $0xffff;
	_ =	sdelay $0x1  }
0x14d: {  	v1 =	vadd.f32 v4, v1;
	_ =	sdelay $0x1  }
0x14e: {  	v1 =	vadd.f32 v2, v1;
	_ =	sdelay $0x1  }
0x14f: {  	v1 =	vadd.f32 v3, v1;
	_ =	sdelay $0x1  }
0x150: {  	v1 =	vmul.f32 $8.333333580e-02, v1;
	_ =	sdelay $0x1  }
0x151: {  	[tilespmem:s26+$0xFFFFFFE0] =	vst v1  }
0x152: {  	v1 =	vld [tilespmem:s31+$0x30]  }
0x153: {  	v2 =	vld [tilespmem:s31+$0x1030];
	_ =	sdelay $0x1  }
0x154: {  	v3 =	vld [tilespmem:s31+$0x2030];
	_ =	sdelay $0x1  }
0x155: {  	v4 =	vld [tilespmem:s31+$0x3030]  }
0x156: {  	v1 =	vadd.f32 v2, v1  }
0x157: {  	v2 =	vld [tilespmem:s31+$0x4030]  }
0x158: {  	v1 =	vadd.f32 v3, v1  }
0x159: {  	v3 =	vld [tilespmem:s31+$0x5030]  }
0x15a: {  	v1 =	vadd.f32 v4, v1  }
0x15b: {  	v4 =	vld [tilespmem:s31+$0x6030]  }
0x15c: {  	v1 =	vadd.f32 v2, v1  }
0x15d: {  	v2 =	vld [tilespmem:s31+$0x7030]  }
0x15e: {  	v1 =	vadd.f32 v3, v1  }
0x15f: {  	v3 =	vld [tilespmem:s31+$0x8030]  }
0x160: {  	v1 =	vadd.f32 v4, v1  }
0x161: {  	v4 =	vld [tilespmem:s31+$0x9030]  }
0x162: {  	v1 =	vadd.f32 v2, v1  }
0x163: {  	v2 =	vld [tilespmem:s31+$0xA030]  }
0x164: {  	v1 =	vadd.f32 v3, v1;
	v3 =	vld.idx.msk [tilespmem:v0+s0+$0xB030 ss:$0x1], $0xffff;
	_ =	sdelay $0x1  }
0x165: {  	v1 =	vadd.f32 v4, v1;
	_ =	sdelay $0x1  }
0x166: {  	v1 =	vadd.f32 v2, v1;
	_ =	sdelay $0x1  }
0x167: {  	v1 =	vadd.f32 v3, v1;
	_ =	sdelay $0x1  }
0x168: {  	v1 =	vmul.f32 $8.333333580e-02, v1;
	_ =	sdelay $0x1  }
0x169: {  	[tilespmem:s26+$0xFFFFFFF0] =	vst v1  }
0x16a: {  	v1 =	vld [tilespmem:s31+$0x40]  }
0x16b: {  	v2 =	vld [tilespmem:s31+$0x1040];
	_ =	sdelay $0x1  }
0x16c: {  	v3 =	vld [tilespmem:s31+$0x2040];
	_ =	sdelay $0x1  }
0x16d: {  	v4 =	vld [tilespmem:s31+$0x3040]  }
0x16e: {  	v1 =	vadd.f32 v2, v1  }
0x16f: {  	v2 =	vld [tilespmem:s31+$0x4040]  }
0x170: {  	v1 =	vadd.f32 v3, v1  }
0x171: {  	v3 =	vld [tilespmem:s31+$0x5040]  }
0x172: {  	v1 =	vadd.f32 v4, v1  }
0x173: {  	v4 =	vld [tilespmem:s31+$0x6040]  }
0x174: {  	v1 =	vadd.f32 v2, v1  }
0x175: {  	v2 =	vld [tilespmem:s31+$0x7040]  }
0x176: {  	v1 =	vadd.f32 v3, v1  }
0x177: {  	v3 =	vld [tilespmem:s31+$0x8040]  }
0x178: {  	v1 =	vadd.f32 v4, v1  }
0x179: {  	v4 =	vld [tilespmem:s31+$0x9040]  }
0x17a: {  	v1 =	vadd.f32 v2, v1  }
0x17b: {  	v2 =	vld [tilespmem:s31+$0xA040]  }
0x17c: {  	v1 =	vadd.f32 v3, v1;
	v3 =	vld.idx.msk [tilespmem:v0+s0+$0xB040 ss:$0x1], $0xffff;
	_ =	sdelay $0x1  }
0x17d: {  	v1 =	vadd.f32 v4, v1;
	_ =	sdelay $0x1  }
0x17e: {  	v1 =	vadd.f32 v2, v1;
	_ =	sdelay $0x1  }
0x17f: {  	v1 =	vadd.f32 v3, v1;
	_ =	sdelay $0x1  }
0x180: {  	v1 =	vmul.f32 $8.333333580e-02, v1;
	_ =	sdelay $0x1  }
0x181: {  	[tilespmem:s26+$0x0] =	vst v1  }
0x182: {  	v1 =	vld [tilespmem:s31+$0x50]  }
0x183: {  	v2 =	vld [tilespmem:s31+$0x1050]  }
0x184: {  	v3 =	vld [tilespmem:s31+$0x2050]  }
0x185: {  	v4 =	vld [tilespmem:s31+$0x3050]  }
0x186: {  	v5 =	vld [tilespmem:s31+$0x4050]  }
0x187: {  	v6 =	vld [tilespmem:s31+$0x5050]  }
0x188: {  	v1 =	vadd.f32 v2, v1;
	v2 =	vld [tilespmem:s31+$0x6050]  }
0x189: {  	v7 =	vld [tilespmem:s31+$0x7050]  }
0x18a: {  	v1 =	vadd.f32 v3, v1;
	v3 =	vld [tilespmem:s31+$0x8050]  }
0x18b: {  	v8 =	vld [tilespmem:s31+$0x9050]  }
0x18c: {  	v1 =	vadd.f32 v4, v1;
	v4 =	vld [tilespmem:s31+$0xA050];
	_ =	sdelay $0x1  }
0x18d: {  	v1 =	vadd.f32 v5, v1;
	_ =	sdelay $0x1  }
0x18e: {  	v1 =	vadd.f32 v6, v1;
	_ =	sdelay $0x1  }
0x18f: {  	v1 =	vadd.f32 v2, v1;
	_ =	sdelay $0x1  }
0x190: {  	v1 =	vadd.f32 v7, v1;
	_ =	sdelay $0x1  }
0x191: {  	v1 =	vadd.f32 v3, v1;
	v2 =	vld.idx.msk [tilespmem:v0+s0+$0xB050 ss:$0x1], $0xffff;
	_ =	sdelay $0x1  }
0x192: {  	v1 =	vadd.f32 v8, v1;
	_ =	sdelay $0x1  }
0x193: {  	v1 =	vadd.f32 v4, v1;
	_ =	sdelay $0x1  }
0x194: {  	v1 =	vadd.f32 v2, v1;
	_ =	sdelay $0x1  }
0x195: {  	v1 =	vmul.f32 $8.333333580e-02, v1;
	_ =	sdelay $0x1  }
0x196: {  	[tilespmem:s26+$0x10] =	vst v1  }
0x197: {  	v1 =	vld [tilespmem:s31+$0x60]  }
0x198: {  	v2 =	vld [tilespmem:s31+$0x1060]  }
0x199: {  	v3 =	vld [tilespmem:s31+$0x2060]  }
0x19a: {  	v4 =	vld [tilespmem:s31+$0x3060]  }
0x19b: {  	v5 =	vld [tilespmem:s31+$0x4060]  }
0x19c: {  	v6 =	vld [tilespmem:s31+$0x5060]  }
0x19d: {  	v1 =	vadd.f32 v2, v1;
	v2 =	vld [tilespmem:s31+$0x6060]  }
0x19e: {  	v7 =	vld [tilespmem:s31+$0x7060]  }
0x19f: {  	v1 =	vadd.f32 v3, v1;
	v3 =	vld [tilespmem:s31+$0x8060]  }
0x1a0: {  	v8 =	vld [tilespmem:s31+$0x9060]  }
0x1a1: {  	v1 =	vadd.f32 v4, v1;
	v4 =	vld [tilespmem:s31+$0xA060]  }
0x1a2: {  	v9 =	vld.idx.msk [tilespmem:v0+s0+$0xB060 ss:$0x1], $0xffff  }
0x1a3: {  	v1 =	vadd.f32 v5, v1;
	_ =	sdelay $0x1  }
0x1a4: {  	v1 =	vadd.f32 v6, v1;
	_ =	sdelay $0x1  }
0x1a5: {  	v1 =	vadd.f32 v2, v1;
	_ =	sdelay $0x1  }
0x1a6: {  	v1 =	vadd.f32 v7, v1;
	_ =	sdelay $0x1  }
0x1a7: {  	v1 =	vadd.f32 v3, v1;
	_ =	sdelay $0x1  }
0x1a8: {  	v1 =	vadd.f32 v8, v1;
	_ =	sdelay $0x1  }
0x1a9: {  	v1 =	vadd.f32 v4, v1;
	_ =	sdelay $0x1  }
0x1aa: {  	v1 =	vadd.f32 v9, v1;
	_ =	sdelay $0x1  }
0x1ab: {  	v1 =	vmul.f32 $8.333333580e-02, v1;
	_ =	sdelay $0x1  }
0x1ac: {  	[tilespmem:s26+$0x20] =	vst v1  }
0x1ad: {  	v1 =	vld [tilespmem:s31+$0x70]  }
0x1ae: {  	v2 =	vld [tilespmem:s31+$0x1070]  }
0x1af: {  	v3 =	vld [tilespmem:s31+$0x2070]  }
0x1b0: {  	v4 =	vld [tilespmem:s31+$0x3070]  }
0x1b1: {  	v5 =	vld [tilespmem:s31+$0x4070]  }
0x1b2: {  	v6 =	vld [tilespmem:s31+$0x5070]  }
0x1b3: {  	v1 =	vadd.f32 v2, v1;
	v2 =	vld [tilespmem:s31+$0x6070]  }
0x1b4: {  	v7 =	vld [tilespmem:s31+$0x7070]  }
0x1b5: {  	v1 =	vadd.f32 v3, v1;
	v3 =	vld [tilespmem:s31+$0x8070]  }
0x1b6: {  	v8 =	vld [tilespmem:s31+$0x9070]  }
0x1b7: {  	v1 =	vadd.f32 v4, v1;
	v4 =	vld [tilespmem:s31+$0xA070]  }
0x1b8: {  	v9 =	vld.idx.msk [tilespmem:v0+s0+$0xB070 ss:$0x1], $0xffff  }
0x1b9: {  	v1 =	vadd.f32 v5, v1;
	_ =	sdelay $0x1  }
0x1ba: {  	v1 =	vadd.f32 v6, v1;
	_ =	sdelay $0x1  }
0x1bb: {  	v1 =	vadd.f32 v2, v1;
	_ =	sdelay $0x1  }
0x1bc: {  	v1 =	vadd.f32 v7, v1;
	_ =	sdelay $0x1  }
0x1bd: {  	v1 =	vadd.f32 v3, v1;
	_ =	sdelay $0x1  }
0x1be: {  	v1 =	vadd.f32 v8, v1;
	_ =	sdelay $0x1  }
0x1bf: {  	v1 =	vadd.f32 v4, v1;
	_ =	sdelay $0x1  }
0x1c0: {  	v1 =	vadd.f32 v9, v1;
	_ =	sdelay $0x1  }
0x1c1: {  	v1 =	vmul.f32 $8.333333580e-02, v1;
	_ =	sdelay $0x1  }
0x1c2: {  	s0 =	sor.u32 s9, s0;
	[tilespmem:s26+$0x30] =	vst v1  }
0x1c3: {  	v1 =	vld [tilespmem:s0+$0x400]  }
0x1c4: {  	v2 =	vld [tilespmem:s0+$0x1400]  }
0x1c5: {  	v3 =	vld [tilespmem:s0+$0x2400]  }
0x1c6: {  	v5 =	vld [tilespmem:s0+$0x3400]  }
0x1c7: {  	v6 =	vld [tilespmem:s0+$0x4400]  }
0x1c8: {  	v7 =	vld [tilespmem:s0+$0x5400]  }
0x1c9: {  	v1 =	vadd.f32 v2, v1;
	v8 =	vld [tilespmem:s0+$0x6400]  }
0x1ca: {  	v9 =	vld [tilespmem:s0+$0x7400]  }
0x1cb: {  	v2 =	vadd.f32 v3, v1;
	v4 =	vld [tilespmem:s0+$0x8400]  }
0x1cc: {  	v1 =	vld [tilespmem:s0+$0x9400]  }
0x1cd: {  	v5 =	vadd.f32 v5, v2;
	v3 =	vld [tilespmem:s0+$0xA400]  }
0x1ce: {  	v2 =	vld [tilespmem:s0+$0xB400]  }
0x1cf: {  	v5 =	vadd.f32 v6, v5;
	_ =	sdelay $0x1  }
0x1d0: {  	v5 =	vadd.f32 v7, v5  }
.Ltmp0:
0x1d1: {  	(pc) =	sbr.rel @p1 .LBB2_2-.Ltmp0, $3  }
0x1d2: {  	v5 =	vadd.f32 v8, v5;
	_ =	sdelay $0x1  }
0x1d3: {  	v5 =	vadd.f32 v9, v5  }
0x1d4: {  	s26 =	sadd.s32 $0x110, s26  }
0x1d5: {  	v4 =	vadd.f32 v4, v5;
	_ =	sdelay $0x1  }
0x1d6: {  	v1 =	vadd.f32 v1, v4;
	_ =	sdelay $0x1  }
0x1d7: {  	v1 =	vadd.f32 v3, v1;
	_ =	sdelay $0x1  }
0x1d8: {  	v1 =	vadd.f32 v2, v1;
	_ =	sdelay $0x1  }
0x1d9: {  	v1 =	vmul.f32 $8.333333580e-02, v1;
	_ =	sdelay $0x1  }
0x1da: {  	[tilespmem:s25+$0x0] =	vst v1  }
0x1db: {  	v2 =	vld [tilespmem:$0xDD80]  }
0x1dc: {  	v4 =	vld [tilespmem:$0xDDA0]  }
0x1dd: {  	v3 =	vld [tilespmem:$0xDD90]  }
0x1de: {  	v6 =	vld [tilespmem:$0xDDC0]  }
0x1df: {  	v5 =	vld [tilespmem:$0xDDB0]  }
0x1e0: {  	v7 =	vld [tilespmem:$0xDDD0]  }
0x1e1: {  	v1 =	vld [tilespmem:$0xDD00]  }
0x1e2: {  	v8 =	vmul.f32 $1.224646850e-16, v2;
	v9 =	vmul.f32 $1.224646850e-16, v3;
	v2 =	vld [tilespmem:$0xDD10]  }
0x1e3: {  	v3 =	vld [tilespmem:$0xDD20]  }
0x1e4: {  	v8 =	vsub.f32 v8, v4;
	v9 =	vsub.f32 v9, v5;
	v4 =	vld [tilespmem:$0xDD30]  }
0x1e5: {  	v5 =	vld [tilespmem:$0xDD40]  }
0x1e6: {  	s24 =	simm.s32 $0x0;
	v6 =	vadd.f32 v6, v8;
	v7 =	vadd.f32 v7, v9;
	v8 =	vld [tilespmem:$0xDD50]  }
.LBB2_4:
0x1e7: {  	s26 =	sshrl.u32 s24, $0x3;
	s25 =	sand.u32 $0x7, s24  }
0x1e8: {  	v12 =	vld [tilespmem:$0xD100];
	s0 =	sshll.u32 s26, $0x4;
	s1 =	smul.u32 $0x110, s25  }
0x1e9: {  	v13 =	vld [tilespmem:$0xD110];
	s0 =	sadd.s32 s0, s10  }
0x1ea: {  	v15 =	vld [tilespmem:$0xD120];
	s0 =	sadd.s32 s1, s0  }
0x1eb: {  	v16 =	vld [tilespmem:$0xD130];
	v9 =	vmov s0  }
0x1ec: {  	v19 =	vld [tilespmem:$0xD140]  }
0x1ed: {  	v21 =	vld [tilespmem:$0xD150];
	v14 =	vor.u32 $0x1, v9  }
0x1ee: {  	v23 =	vld [tilespmem:$0xD160];
	v17 =	vadd.s32 $0x881, v9  }
0x1ef: {  	v26 =	vld [tilespmem:$0xD170]  }
0x1f0: {  	v11 =	vld.idx.msk [tilespmem:v9+s22+$0x0], $0xffff  }
0x1f1: {  	v27 =	vld [tilespmem:$0xD180]  }
0x1f2: {  	v14 =	vld.idx.msk [tilespmem:v14+s22+$0x0], $0xffff  }
0x1f3: {  	v28 =	vor.u32 $0x2, v9;
	v17 =	vld.idx.msk [tilespmem:v17+s22+$0x0], $0xffff  }
0x1f4: {  	v29 =	vld [tilespmem:$0xD190];
	v10 =	vand.u32 $0xFFFFFFF0, v9;
	v30 =	vadd.s32 $0x882, v9  }
0x1f5: {  	v31 =	vld [tilespmem:$0xD1A0];
	v10 =	vadd.s32 $0x880, v10;
	v18 =	vmul.f32 v12, v11;
	v20 =	vmul.f32 v13, v11  }
0x1f6: {  	v32 =	vld [tilespmem:$0xD1B0];
	v22 =	vmul.f32 v15, v11;
	v24 =	vmul.f32 v16, v11  }
0x1f7: {  	v33 =	vld [tilespmem:$0xD1C0];
	v25 =	vmul.f32 v19, v11;
	v11 =	vmul.f32 v21, v11  }
0x1f8: {  	v28 =	vld.idx.msk [tilespmem:v28+s22+$0x0], $0xffff;
	v58 =	vmul.f32 v23, v14;
	v23 =	vmul.f32 v23, v17  }
0x1f9: {  	v46 =	vadd.s32 $0x883, v9;
	v37 =	vld.idx.msk [tilespmem:v30+s22+$0x0], $0xffff;
	v59 =	vmul.f32 v26, v14;
	v60 =	vmul.f32 v26, v17  }
0x1fa: {  	v10 =	vld.idx.msk [tilespmem:v10+s22+$0x0], $0xffff;
	v61 =	vmul.f32 v27, v14;
	v62 =	vmul.f32 v27, v17  }
0x1fb: {  	v43 =	vor.u32 $0x3, v9;
	v63 =	vmul.f32 v29, v14;
	v36 =	vmul.f32 v29, v17  }
0x1fc: {  	v57 =	vor.u32 $0x4, v9;
	v39 =	vmul.f32 v31, v14;
	v41 =	vmul.f32 v31, v17  }
0x1fd: {  	v34 =	vadd.s32 $0x884, v9;
	v14 =	vmul.f32 v32, v14;
	v17 =	vmul.f32 v32, v17  }
0x1fe: {  	v54 =	vld.idx.msk [tilespmem:v46+s22+$0x0], $0xffff;
	v46 =	vor.u32 $0x5, v9;
	v45 =	vmul.f32 v33, v28;
	v47 =	vmul.f32 v33, v37  }
0x1ff: {  	v40 =	vld [tilespmem:$0xD1D0];
	v12 =	vmul.f32 v12, v10;
	v18 =	vadd.f32 v18, v1;
	v13 =	vmul.f32 v13, v10  }
0x200: {  	v20 =	vadd.f32 v20, v2;
	v15 =	vmul.f32 v15, v10;
	v22 =	vadd.f32 v22, v3  }
0x201: {  	v42 =	vld [tilespmem:$0xD1E0];
	v16 =	vmul.f32 v16, v10;
	v24 =	vadd.f32 v24, v4;
	v25 =	vadd.f32 v25, v5  }
0x202: {  	v19 =	vmul.f32 v19, v10;
	v11 =	vadd.f32 v11, v8;
	v12 =	vadd.f32 v12, v1  }
0x203: {  	v44 =	vld [tilespmem:$0xD1F0];
	v10 =	vmul.f32 v21, v10;
	v13 =	vadd.f32 v13, v2;
	v15 =	vadd.f32 v15, v3  }
0x204: {  	v49 =	vmul.f32 v40, v28;
	v16 =	vadd.f32 v16, v4;
	v19 =	vadd.f32 v19, v5  }
0x205: {  	v50 =	vld [tilespmem:$0xD210];
	v27 =	vmul.f32 v40, v37;
	v10 =	vadd.f32 v10, v8;
	v18 =	vadd.f32 v58, v18  }
0x206: {  	v48 =	vld [tilespmem:$0xD200];
	v51 =	vmul.f32 v42, v28;
	v20 =	vadd.f32 v59, v20;
	v22 =	vadd.f32 v61, v22  }
0x207: {  	v56 =	vld [tilespmem:$0xD230];
	v29 =	vmul.f32 v42, v37;
	v38 =	vadd.f32 v63, v24;
	v24 =	vadd.f32 v39, v25  }
0x208: {  	v53 =	vld [tilespmem:$0xD220];
	v52 =	vmul.f32 v44, v28;
	v11 =	vadd.f32 v14, v11;
	v12 =	vadd.f32 v23, v12  }
0x209: {  	v30 =	vld.idx.msk [tilespmem:v43+s22+$0x0], $0xffff;
	v55 =	vmul.f32 v44, v37;
	v13 =	vadd.f32 v60, v13;
	v15 =	vadd.f32 v62, v15  }
0x20a: {  	v26 =	vmul.f32 v50, v37;
	v16 =	vadd.f32 v36, v16;
	v19 =	vadd.f32 v41, v19  }
0x20b: {  	v42 =	vld [tilespmem:$0xD280];
	v58 =	vmul.f32 v48, v28;
	v10 =	vadd.f32 v17, v10;
	v18 =	vadd.f32 v45, v18  }
0x20c: {  	v44 =	vld [tilespmem:$0xD290];
	v25 =	vmul.f32 v56, v54;
	v20 =	vadd.f32 v49, v20;
	v14 =	vadd.f32 v51, v22  }
0x20d: {  	v59 =	vld [tilespmem:$0xD240];
	v21 =	vadd.f32 v52, v38;
	v17 =	vmul.f32 v48, v37;
	v60 =	vmul.f32 v50, v28  }
0x20e: {  	v61 =	vld [tilespmem:$0xD250];
	v24 =	vadd.f32 v58, v24;
	v62 =	vmul.f32 v53, v30;
	v12 =	vadd.f32 v47, v12  }
0x20f: {  	v63 =	vld [tilespmem:$0xD260];
	v36 =	vmul.f32 v53, v54;
	v13 =	vadd.f32 v27, v13;
	v15 =	vadd.f32 v29, v15  }
0x210: {  	v37 =	vld [tilespmem:$0xD270];
	v38 =	vmul.f32 v56, v30;
	v16 =	vadd.f32 v55, v16;
	v17 =	vadd.f32 v17, v19  }
0x211: {  	v41 =	vld.idx.msk [tilespmem:v34+s22+$0x0], $0xffff;
	v49 =	vadd.s32 $0x885, v9;
	v11 =	vadd.f32 v60, v11;
	v10 =	vadd.f32 v26, v10  }
0x212: {  	v48 =	vld [tilespmem:$0xD2A0];
	v18 =	vadd.f32 v62, v18;
	v39 =	vmul.f32 v59, v30;
	v40 =	vmul.f32 v59, v54  }
0x213: {  	v51 =	vld [tilespmem:$0xD2B0];
	v19 =	vadd.f32 v38, v20;
	v43 =	vmul.f32 v61, v30;
	v28 =	vmul.f32 v61, v54  }
0x214: {  	v53 =	vld [tilespmem:$0xD2C0];
	v45 =	vmul.f32 v63, v30;
	v12 =	vadd.f32 v36, v12;
	v13 =	vadd.f32 v25, v13  }
0x215: {  	v27 =	vld.idx.msk [tilespmem:v57+s22+$0x0], $0xffff;
	v47 =	vmul.f32 v63, v54;
	v14 =	vadd.f32 v39, v14;
	v15 =	vadd.f32 v40, v15  }
0x216: {  	v21 =	vadd.f32 v43, v21;
	v16 =	vadd.f32 v28, v16;
	v50 =	vmul.f32 v37, v30  }
0x217: {  	v24 =	vadd.f32 v45, v24;
	v22 =	vmul.f32 v37, v54;
	v20 =	vmul.f32 v42, v41  }
0x218: {  	v23 =	vld.idx.msk [tilespmem:v46+s22+$0x0], $0xffff;
	v17 =	vadd.f32 v47, v17;
	v56 =	vmul.f32 v44, v41;
	v59 =	vmul.f32 v48, v41  }
0x219: {  	v55 =	vld [tilespmem:$0xD2D0];
	v62 =	vmul.f32 v51, v41;
	v37 =	vor.u32 $0x6, v9;
	v39 =	vmul.f32 v53, v41  }
0x21a: {  	v61 =	vld [tilespmem:$0xD2E0];
	v43 =	vadd.s32 $0x886, v9;
	v52 =	vmul.f32 v42, v27;
	v11 =	vadd.f32 v50, v11  }
0x21b: {  	v36 =	vld [tilespmem:$0xD2F0];
	v54 =	vmul.f32 v44, v27;
	v10 =	vadd.f32 v22, v10;
	v12 =	vadd.f32 v20, v12  }
0x21c: {  	v58 =	vld.idx.msk [tilespmem:v49+s22+$0x0], $0xffff;
	v57 =	vmul.f32 v48, v27;
	v13 =	vadd.f32 v56, v13;
	v60 =	vmul.f32 v51, v27  }
0x21d: {  	v40 =	vld [tilespmem:$0xD300];
	v63 =	vmul.f32 v53, v27;
	v15 =	vadd.f32 v59, v15;
	v16 =	vadd.f32 v62, v16  }
0x21e: {  	v45 =	vld [tilespmem:$0xD320];
	v27 =	vmul.f32 v55, v27;
	v41 =	vmul.f32 v55, v41;
	v17 =	vadd.f32 v39, v17  }
0x21f: {  	v47 =	vld [tilespmem:$0xD330];
	v55 =	vor.u32 $0x7, v9;
	v59 =	vadd.s32 $0x887, v9;
	v18 =	vadd.f32 v52, v18  }
0x220: {  	v44 =	vmul.f32 v61, v23;
	v19 =	vadd.f32 v54, v19;
	v14 =	vadd.f32 v57, v14  }
0x221: {  	v42 =	vld [tilespmem:$0xD310];
	v21 =	vadd.f32 v60, v21;
	v46 =	vmul.f32 v36, v23;
	v31 =	vmul.f32 v61, v58  }
0x222: {  	v50 =	vld [tilespmem:$0xD340];
	v38 =	vadd.f32 v63, v24;
	v48 =	vmul.f32 v36, v58;
	v49 =	vmul.f32 v40, v23  }
0x223: {  	v53 =	vld [tilespmem:$0xD350];
	v11 =	vadd.f32 v27, v11;
	v26 =	vmul.f32 v40, v58;
	v52 =	vmul.f32 v45, v23  }
0x224: {  	v10 =	vadd.f32 v41, v10;
	v22 =	vld.idx.msk [tilespmem:v37+s22+$0x0], $0xffff;
	v56 =	vmul.f32 v45, v58;
	v25 =	vmul.f32 v47, v58  }
0x225: {  	v30 =	vld.idx.msk [tilespmem:v43+s22+$0x0], $0xffff;
	v45 =	vor.u32 $0x8, v9;
	v18 =	vadd.f32 v44, v18;
	v19 =	vadd.f32 v46, v19  }
0x226: {  	v54 =	vld [tilespmem:$0xD360];
	v12 =	vadd.f32 v31, v12;
	v13 =	vadd.f32 v48, v13;
	v51 =	vmul.f32 v42, v23  }
0x227: {  	v57 =	vld [tilespmem:$0xD370];
	v29 =	vmul.f32 v42, v58;
	v14 =	vadd.f32 v49, v14;
	v15 =	vadd.f32 v26, v15  }
0x228: {  	v61 =	vld [tilespmem:$0xD380];
	v20 =	vadd.f32 v52, v38;
	v23 =	vmul.f32 v47, v23;
	v17 =	vadd.f32 v56, v17  }
0x229: {  	v63 =	vld [tilespmem:$0xD390];
	v10 =	vadd.f32 v25, v10;
	v49 =	vadd.s32 $0x888, v9;
	v58 =	vmul.f32 v50, v22  }
0x22a: {  	v44 =	vld [tilespmem:$0xD3C0];
	v21 =	vadd.f32 v51, v21;
	v60 =	vmul.f32 v50, v30;
	v62 =	vmul.f32 v53, v22  }
0x22b: {  	v38 =	vld [tilespmem:$0xD3A0];
	v16 =	vadd.f32 v29, v16;
	v35 =	vmul.f32 v53, v30;
	v36 =	vmul.f32 v54, v22  }
0x22c: {  	v40 =	vld.idx.msk [tilespmem:v59+s22+$0x0], $0xffff;
	v11 =	vadd.f32 v23, v11;
	v24 =	vmul.f32 v54, v30;
	v37 =	vmul.f32 v57, v22  }
0x22d: {  	v42 =	vld [tilespmem:$0xD3B0];
	v39 =	vmul.f32 v57, v30;
	v41 =	vmul.f32 v61, v22;
	v18 =	vadd.f32 v58, v18  }
0x22e: {  	v47 =	vld [tilespmem:$0xD3D0];
	v43 =	vmul.f32 v61, v30;
	v12 =	vadd.f32 v60, v12;
	v19 =	vadd.f32 v62, v19  }
0x22f: {  	v29 =	vld.idx.msk [tilespmem:v55+s22+$0x0], $0xffff;
	v22 =	vmul.f32 v63, v22;
	v13 =	vadd.f32 v35, v13;
	v14 =	vadd.f32 v36, v14  }
0x230: {  	v56 =	vld [tilespmem:$0xD400];
	v46 =	vmul.f32 v63, v30;
	v15 =	vadd.f32 v24, v15;
	v21 =	vadd.f32 v37, v21  }
0x231: {  	v59 =	vld [tilespmem:$0xD410];
	v63 =	vadd.s32 $0x889, v9;
	v16 =	vadd.f32 v39, v16;
	v20 =	vadd.f32 v41, v20  }
0x232: {  	v51 =	vld [tilespmem:$0xD3E0];
	v17 =	vadd.f32 v43, v17;
	v11 =	vadd.f32 v22, v11;
	v50 =	vmul.f32 v38, v40  }
0x233: {  	v53 =	vld [tilespmem:$0xD3F0];
	v10 =	vadd.f32 v46, v10;
	v25 =	vmul.f32 v42, v40;
	v26 =	vmul.f32 v44, v40  }
0x234: {  	v32 =	vld.idx.msk [tilespmem:v45+s22+$0x0], $0xffff;
	v58 =	vmul.f32 v47, v40;
	v60 =	vor.u32 $0x9, v9;
	v48 =	vmul.f32 v38, v29  }
0x235: {  	v45 =	vld [tilespmem:$0xD460];
	v52 =	vmul.f32 v42, v29;
	v12 =	vadd.f32 v50, v12;
	v54 =	vmul.f32 v44, v29  }
0x236: {  	v57 =	vld.idx.msk [tilespmem:v49+s22+$0x0], $0xffff;
	v13 =	vadd.f32 v25, v13;
	v55 =	vmul.f32 v47, v29;
	v15 =	vadd.f32 v26, v15  }
0x237: {  	v62 =	vld [tilespmem:$0xD420];
	v61 =	vmul.f32 v51, v29;
	v24 =	vmul.f32 v51, v40;
	v16 =	vadd.f32 v58, v16  }
0x238: {  	v37 =	vld [tilespmem:$0xD430];
	v50 =	vor.u32 $0xA, v9;
	v36 =	vmul.f32 v53, v29;
	v27 =	vmul.f32 v53, v40  }
0x239: {  	v39 =	vld [tilespmem:$0xD440];
	v38 =	vmul.f32 v56, v32;
	v42 =	vmul.f32 v59, v32;
	v18 =	vadd.f32 v48, v18  }
0x23a: {  	v41 =	vld [tilespmem:$0xD450];
	v53 =	vadd.s32 $0x88A, v9;
	v19 =	vadd.f32 v52, v19;
	v14 =	vadd.f32 v54, v14  }
0x23b: {  	v47 =	vld [tilespmem:$0xD470];
	v21 =	vadd.f32 v55, v21;
	v20 =	vadd.f32 v61, v20;
	v40 =	vmul.f32 v56, v57  }
0x23c: {  	v31 =	vld.idx.msk [tilespmem:v63+s22+$0x0], $0xffff;
	v17 =	vadd.f32 v24, v17;
	v26 =	vmul.f32 v59, v57;
	v43 =	vmul.f32 v62, v32  }
0x23d: {  	v52 =	vld [tilespmem:$0xD480];
	v11 =	vadd.f32 v36, v11;
	v44 =	vmul.f32 v62, v57;
	v46 =	vmul.f32 v37, v32  }
0x23e: {  	v55 =	vld [tilespmem:$0xD490];
	v10 =	vadd.f32 v27, v10;
	v48 =	vmul.f32 v37, v57;
	v49 =	vmul.f32 v39, v32  }
0x23f: {  	v27 =	vld.idx.msk [tilespmem:v60+s22+$0x0], $0xffff;
	v51 =	vmul.f32 v39, v57;
	v18 =	vadd.f32 v38, v18;
	v19 =	vadd.f32 v42, v19  }
0x240: {  	v22 =	vmul.f32 v41, v57;
	v57 =	vld [tilespmem:$0xD4A0];
	v12 =	vadd.f32 v40, v12;
	v13 =	vadd.f32 v26, v13  }
0x241: {  	v54 =	vmul.f32 v41, v32;
	v59 =	vld [tilespmem:$0xD4B0];
	v14 =	vadd.f32 v43, v14;
	v15 =	vadd.f32 v44, v15  }
0x242: {  	v41 =	vld [tilespmem:$0xD4D0];
	v42 =	vor.u32 $0xB, v9;
	v21 =	vadd.f32 v46, v21;
	v16 =	vadd.f32 v48, v16  }
0x243: {  	v38 =	vld [tilespmem:$0xD4C0];
	v20 =	vadd.f32 v49, v20;
	v24 =	vmul.f32 v45, v31;
	v60 =	vmul.f32 v47, v31  }
0x244: {  	v17 =	vadd.f32 v51, v17;
	v61 =	vld.idx.msk [tilespmem:v50+s22+$0x0], $0xffff;
	v36 =	vmul.f32 v52, v31;
	v39 =	vmul.f32 v55, v31  }
0x245: {  	v11 =	vadd.f32 v54, v11;
	v44 =	vld [tilespmem:$0xD4E0];
	v56 =	vmul.f32 v45, v27;
	v58 =	vmul.f32 v47, v27  }
0x246: {  	v10 =	vadd.f32 v22, v10;
	v46 =	vld [tilespmem:$0xD4F0];
	v62 =	vmul.f32 v52, v27;
	v37 =	vmul.f32 v55, v27  }
0x247: {  	v49 =	vld [tilespmem:$0xD500];
	v12 =	vadd.f32 v24, v12;
	v40 =	vmul.f32 v57, v27;
	v43 =	vmul.f32 v57, v31  }
0x248: {  	v51 =	vld [tilespmem:$0xD510];
	v13 =	vadd.f32 v60, v13;
	v27 =	vmul.f32 v59, v27;
	v45 =	vmul.f32 v59, v31  }
0x249: {  	v63 =	vld.idx.msk [tilespmem:v53+s22+$0x0], $0xffff;
	v47 =	vadd.s32 $0x88B, v9;
	v15 =	vadd.f32 v36, v15;
	v16 =	vadd.f32 v39, v16  }
0x24a: {  	v59 =	vor.u32 $0xC, v9;
	v18 =	vadd.f32 v56, v18;
	v19 =	vadd.f32 v58, v19  }
0x24b: {  	v14 =	vadd.f32 v62, v14;
	v21 =	vadd.f32 v37, v21;
	v48 =	vmul.f32 v38, v61  }
0x24c: {  	v54 =	vld [tilespmem:$0xD520];
	v20 =	vadd.f32 v40, v20;
	v50 =	vmul.f32 v41, v61;
	v53 =	vmul.f32 v44, v61  }
0x24d: {  	v57 =	vld [tilespmem:$0xD530];
	v17 =	vadd.f32 v43, v17;
	v55 =	vmul.f32 v46, v61;
	v56 =	vmul.f32 v49, v61  }
0x24e: {  	v22 =	vld.idx.msk [tilespmem:v42+s22+$0x0], $0xffff;
	v11 =	vadd.f32 v27, v11;
	v23 =	vmul.f32 v51, v61;
	v30 =	vmul.f32 v38, v63  }
0x24f: {  	v36 =	vld [tilespmem:$0xD560];
	v10 =	vadd.f32 v45, v10;
	v52 =	vmul.f32 v41, v63;
	v25 =	vmul.f32 v44, v63  }
0x250: {  	v58 =	vld [tilespmem:$0xD540];
	v29 =	vmul.f32 v46, v63;
	v60 =	vmul.f32 v49, v63;
	v18 =	vadd.f32 v48, v18  }
0x251: {  	v61 =	vld [tilespmem:$0xD550];
	v26 =	vmul.f32 v51, v63;
	v19 =	vadd.f32 v50, v19;
	v14 =	vadd.f32 v53, v14  }
0x252: {  	v63 =	vadd.s32 $0x88C, v9;
	v38 =	vld [tilespmem:$0xD570];
	v21 =	vadd.f32 v55, v21;
	v20 =	vadd.f32 v56, v20  }
0x253: {  	v49 =	vor.u32 $0xD, v9;
	v11 =	vadd.f32 v23, v11;
	v12 =	vadd.f32 v30, v12;
	v31 =	vld.idx.msk [tilespmem:v47+s22+$0x0], $0xffff  }
0x254: {  	v53 =	vadd.s32 $0x88D, v9;
	v13 =	vadd.f32 v52, v13;
	v15 =	vadd.f32 v25, v15  }
0x255: {  	v42 =	vld [tilespmem:$0xD580];
	v16 =	vadd.f32 v29, v16;
	v17 =	vadd.f32 v60, v17;
	v62 =	vmul.f32 v54, v22  }
0x256: {  	v10 =	vadd.f32 v26, v10;
	v29 =	vld.idx.msk [tilespmem:v59+s22+$0x0], $0xffff;
	v37 =	vmul.f32 v57, v22;
	v45 =	vmul.f32 v36, v22  }
0x257: {  	v46 =	vld [tilespmem:$0xD590];
	v40 =	vmul.f32 v58, v22;
	v41 =	vmul.f32 v61, v22;
	v18 =	vadd.f32 v62, v18  }
0x258: {  	v48 =	vld [tilespmem:$0xD5A0];
	v19 =	vadd.f32 v37, v19;
	v22 =	vmul.f32 v38, v22;
	v35 =	vmul.f32 v54, v31  }
0x259: {  	v51 =	vld [tilespmem:$0xD5B0];
	v20 =	vadd.f32 v45, v20;
	v39 =	vmul.f32 v57, v31;
	v24 =	vmul.f32 v58, v31  }
0x25a: {  	v55 =	vld [tilespmem:$0xD5C0];
	v14 =	vadd.f32 v40, v14;
	v43 =	vmul.f32 v61, v31;
	v47 =	vmul.f32 v36, v31  }
0x25b: {  	v60 =	vld [tilespmem:$0xD5E0];
	v21 =	vadd.f32 v41, v21;
	v50 =	vmul.f32 v38, v31;
	v52 =	vmul.f32 v42, v29  }
0x25c: {  	v44 =	vld.idx.msk [tilespmem:v63+s22+$0x0], $0xffff;
	v11 =	vadd.f32 v22, v11;
	v56 =	vmul.f32 v46, v29;
	v12 =	vadd.f32 v35, v12  }
0x25d: {  	v32 =	vld.idx.msk [tilespmem:v49+s22+$0x0], $0xffff;
	v58 =	vmul.f32 v48, v29;
	v13 =	vadd.f32 v39, v13;
	v15 =	vadd.f32 v24, v15  }
0x25e: {  	v63 =	vld [tilespmem:$0xD5F0];
	v59 =	vmul.f32 v51, v29;
	v16 =	vadd.f32 v43, v16;
	v17 =	vadd.f32 v47, v17  }
0x25f: {  	v45 =	vld [tilespmem:$0xD630];
	v36 =	vor.u32 $0xE, v9;
	v10 =	vadd.f32 v50, v10;
	v18 =	vadd.f32 v52, v18  }
0x260: {  	v41 =	vld [tilespmem:$0xD610];
	v37 =	vmul.f32 v55, v29;
	v19 =	vadd.f32 v56, v19;
	v14 =	vadd.f32 v58, v14  }
0x261: {  	v57 =	vld [tilespmem:$0xD5D0];
	v21 =	vadd.f32 v59, v21;
	v54 =	vmul.f32 v42, v44;
	v26 =	vmul.f32 v46, v44  }
0x262: {  	v61 =	vld.idx.msk [tilespmem:v53+s22+$0x0], $0xffff;
	v39 =	vadd.s32 $0x88E, v9;
	v25 =	vmul.f32 v48, v44;
	v62 =	vmul.f32 v51, v44  }
0x263: {  	v38 =	vld [tilespmem:$0xD600];
	v20 =	vadd.f32 v37, v20;
	v24 =	vmul.f32 v55, v44;
	v42 =	vmul.f32 v60, v32  }
0x264: {  	v46 =	vmul.f32 v63, v32;
	v58 =	vmul.f32 v45, v32;
	v12 =	vadd.f32 v54, v12  }
0x265: {  	v50 =	vmul.f32 v41, v32;
	v13 =	vadd.f32 v26, v13;
	v15 =	vadd.f32 v25, v15  }
0x266: {  	v49 =	vld [tilespmem:$0xD640];
	v16 =	vadd.f32 v62, v16;
	v40 =	vmul.f32 v57, v29;
	v27 =	vmul.f32 v57, v44  }
0x267: {  	v43 =	vld [tilespmem:$0xD620];
	v17 =	vadd.f32 v24, v17;
	v44 =	vmul.f32 v60, v61;
	v18 =	vadd.f32 v42, v18  }
0x268: {  	v25 =	vmul.f32 v63, v61;
	v47 =	vmul.f32 v38, v32;
	v10 =	vadd.f32 v27, v10;
	v27 =	vld.idx.msk [tilespmem:v36+s22+$0x0], $0xffff  }
0x269: {  	v48 =	vmul.f32 v38, v61;
	v19 =	vadd.f32 v46, v19;
	v52 =	vmul.f32 v41, v61;
	v31 =	vld.idx.msk [tilespmem:v39+s22+$0x0], $0xffff  }
0x26a: {  	v51 =	vld [tilespmem:$0xD650];
	v54 =	vor.u32 $0xF, v9;
	v57 =	vadd.s32 $0x88F, v9;
	v21 =	vadd.f32 v50, v21  }
0x26b: {  	v56 =	vld [tilespmem:$0xD660];
	v22 =	vmul.f32 v45, v61;
	v11 =	vadd.f32 v40, v11;
	v12 =	vadd.f32 v44, v12  }
0x26c: {  	v59 =	vld [tilespmem:$0xD670];
	v46 =	vadd.s32 $0x10, v9;
	v13 =	vadd.f32 v25, v13;
	v14 =	vadd.f32 v47, v14  }
0x26d: {  	v15 =	vadd.f32 v48, v15;
	v53 =	vmul.f32 v43, v32;
	v55 =	vmul.f32 v43, v61;
	v61 =	vld [tilespmem:$0xD680]  }
0x26e: {  	v63 =	vld [tilespmem:$0xD690];
	v16 =	vadd.f32 v52, v16;
	v60 =	vmul.f32 v49, v27;
	v24 =	vmul.f32 v49, v31  }
0x26f: {  	v42 =	vld [tilespmem:$0xD6A0];
	v20 =	vadd.f32 v53, v20;
	v62 =	vmul.f32 v51, v27;
	v36 =	vmul.f32 v51, v31  }
0x270: {  	v45 =	vld [tilespmem:$0xD6B0];
	v17 =	vadd.f32 v55, v17;
	v38 =	vmul.f32 v56, v27;
	v40 =	vmul.f32 v56, v31  }
0x271: {  	v11 =	vadd.f32 v58, v11;
	v37 =	vld.idx.msk [tilespmem:v54+s22+$0x0], $0xffff;
	v41 =	vmul.f32 v59, v27;
	v43 =	vmul.f32 v59, v31  }
0x272: {  	v10 =	vadd.f32 v22, v10;
	v39 =	vld.idx.msk [tilespmem:v57+s22+$0x0], $0xffff;
	v44 =	vmul.f32 v61, v27;
	v47 =	vmul.f32 v61, v31  }
0x273: {  	v50 =	vld [tilespmem:$0xD6D0];
	v27 =	vmul.f32 v63, v27;
	v18 =	vadd.f32 v60, v18;
	v12 =	vadd.f32 v24, v12  }
0x274: {  	v48 =	vld [tilespmem:$0xD6C0];
	v49 =	vmul.f32 v63, v31;
	v19 =	vadd.f32 v62, v19;
	v13 =	vadd.f32 v36, v13  }
0x275: {  	v53 =	vld [tilespmem:$0xD6E0];
	v51 =	vadd.s32 $0x890, v9;
	v14 =	vadd.f32 v38, v14;
	v15 =	vadd.f32 v40, v15  }
0x276: {  	v55 =	vld [tilespmem:$0xD6F0];
	v63 =	vadd.s32 $0x11, v9;
	v21 =	vadd.f32 v41, v21;
	v16 =	vadd.f32 v43, v16  }
0x277: {  	v58 =	vld [tilespmem:$0xD700];
	v20 =	vadd.f32 v44, v20;
	v52 =	vmul.f32 v42, v37;
	v30 =	vmul.f32 v42, v39  }
0x278: {  	v22 =	vld.idx.msk [tilespmem:v46+s22+$0x0], $0xffff;
	v17 =	vadd.f32 v47, v17;
	v54 =	vmul.f32 v45, v37;
	v56 =	vmul.f32 v45, v39  }
0x279: {  	v61 =	vld [tilespmem:$0xD710];
	v11 =	vadd.f32 v27, v11;
	v57 =	vmul.f32 v48, v37;
	v26 =	vmul.f32 v48, v39  }
0x27a: {  	v10 =	vadd.f32 v49, v10;
	v62 =	vld [tilespmem:$0xD720];
	v59 =	vmul.f32 v50, v37;
	v29 =	vmul.f32 v50, v39  }
0x27b: {  	v41 =	vld [tilespmem:$0xD740];
	v60 =	vmul.f32 v53, v37;
	v18 =	vadd.f32 v52, v18;
	v12 =	vadd.f32 v30, v12  }
0x27c: {  	v43 =	vld [tilespmem:$0xD750];
	v36 =	vmul.f32 v53, v39;
	v19 =	vadd.f32 v54, v19;
	v13 =	vadd.f32 v56, v13  }
0x27d: {  	v23 =	vmul.f32 v55, v37;
	v37 =	vld [tilespmem:$0xD730];
	v14 =	vadd.f32 v57, v14;
	v15 =	vadd.f32 v26, v15  }
0x27e: {  	v25 =	vmul.f32 v55, v39;
	v31 =	vld.idx.msk [tilespmem:v51+s22+$0x0], $0xffff;
	v21 =	vadd.f32 v59, v21;
	v16 =	vadd.f32 v29, v16  }
0x27f: {  	v38 =	vmul.f32 v58, v22;
	v20 =	vadd.f32 v60, v20;
	v17 =	vadd.f32 v36, v17  }
0x280: {  	v47 =	vld [tilespmem:$0xD760];
	v39 =	vadd.s32 $0x891, v9;
	v11 =	vadd.f32 v23, v11;
	v10 =	vadd.f32 v25, v10  }
0x281: {  	v42 =	vmul.f32 v61, v22;
	v29 =	vld.idx.msk [tilespmem:v63+s22+$0x0], $0xffff;
	v54 =	vadd.s32 $0x12, v9;
	v45 =	vmul.f32 v62, v22  }
0x282: {  	v51 =	vld [tilespmem:$0xD770];
	v18 =	vadd.f32 v38, v18;
	v50 =	vmul.f32 v41, v22;
	v46 =	vmul.f32 v37, v22  }
0x283: {  	v53 =	vld [tilespmem:$0xD780];
	v19 =	vadd.f32 v42, v19;
	v22 =	vmul.f32 v43, v22;
	v40 =	vmul.f32 v58, v31  }
0x284: {  	v56 =	vld [tilespmem:$0xD790];
	v14 =	vadd.f32 v45, v14;
	v44 =	vmul.f32 v61, v31;
	v24 =	vmul.f32 v62, v31  }
0x285: {  	v20 =	vadd.f32 v50, v20;
	v48 =	vmul.f32 v37, v31;
	v52 =	vmul.f32 v41, v31  }
0x286: {  	v60 =	vld [tilespmem:$0xD7A0];
	v21 =	vadd.f32 v46, v21;
	v55 =	vmul.f32 v43, v31;
	v57 =	vmul.f32 v47, v29  }
0x287: {  	v49 =	vld.idx.msk [tilespmem:v39+s22+$0x0], $0xffff;
	v58 =	vadd.s32 $0x892, v9;
	v11 =	vadd.f32 v22, v11;
	v61 =	vmul.f32 v51, v29  }
0x288: {  	v50 =	vld [tilespmem:$0xD810];
	v63 =	vmul.f32 v53, v29;
	v12 =	vadd.f32 v40, v12;
	v13 =	vadd.f32 v44, v13  }
0x289: {  	v62 =	vld [tilespmem:$0xD7B0];
	v36 =	vmul.f32 v56, v29;
	v15 =	vadd.f32 v24, v15;
	v16 =	vadd.f32 v48, v16  }
0x28a: {  	v32 =	vld.idx.msk [tilespmem:v54+s22+$0x0], $0xffff;
	v41 =	vadd.s32 $0x13, v9;
	v17 =	vadd.f32 v52, v17;
	v10 =	vadd.f32 v55, v10  }
0x28b: {  	v37 =	vld [tilespmem:$0xD7C0];
	v42 =	vmul.f32 v60, v29;
	v18 =	vadd.f32 v57, v18;
	v19 =	vadd.f32 v61, v19  }
0x28c: {  	v43 =	vld [tilespmem:$0xD7E0];
	v14 =	vadd.f32 v63, v14;
	v21 =	vadd.f32 v36, v21;
	v44 =	vadd.s32 $0x893, v9  }
0x28d: {  	v46 =	vld [tilespmem:$0xD7F0];
	v20 =	vadd.f32 v42, v20;
	v59 =	vmul.f32 v47, v49;
	v25 =	vmul.f32 v51, v49  }
0x28e: {  	v40 =	vld [tilespmem:$0xD7D0];
	v63 =	vadd.s32 $0x894, v9;
	v26 =	vmul.f32 v53, v49;
	v39 =	vmul.f32 v56, v49  }
0x28f: {  	v48 =	vld [tilespmem:$0xD800];
	v24 =	vmul.f32 v60, v49;
	v60 =	vadd.s32 $0x14, v9;
	v12 =	vadd.f32 v59, v12  }
0x290: {  	v55 =	vld [tilespmem:$0xD820];
	v13 =	vadd.f32 v25, v13;
	v15 =	vadd.f32 v26, v15;
	v45 =	vmul.f32 v62, v29  }
0x291: {  	v38 =	vld.idx.msk [tilespmem:v58+s22+$0x0], $0xffff;
	v16 =	vadd.f32 v39, v16;
	v27 =	vmul.f32 v62, v49;
	v47 =	vmul.f32 v37, v32  }
0x292: {  	v57 =	vld [tilespmem:$0xD830];
	v17 =	vadd.f32 v24, v17;
	v52 =	vmul.f32 v43, v32;
	v56 =	vmul.f32 v46, v32  }
0x293: {  	v36 =	vld [tilespmem:$0xD850];
	v35 =	vmul.f32 v50, v32;
	v11 =	vadd.f32 v45, v11;
	v10 =	vadd.f32 v27, v10  }
0x294: {  	v18 =	vadd.f32 v47, v18;
	v51 =	vmul.f32 v40, v32;
	v27 =	vld.idx.msk [tilespmem:v41+s22+$0x0], $0xffff;
	v59 =	vmul.f32 v48, v32  }
0x295: {  	v54 =	vld.idx.msk [tilespmem:v44+s22+$0x0], $0xffff;
	v14 =	vadd.f32 v52, v14;
	v21 =	vadd.f32 v56, v21;
	v56 =	vadd.s32 $0x895, v9  }
0x296: {  	v62 =	vld [tilespmem:$0xD840];
	v19 =	vadd.f32 v51, v19;
	v20 =	vadd.f32 v59, v20;
	v49 =	vmul.f32 v37, v38  }
0x297: {  	v44 =	vld.idx.msk [tilespmem:v63+s22+$0x0], $0xffff;
	v11 =	vadd.f32 v35, v11;
	v26 =	vmul.f32 v40, v38;
	v53 =	vmul.f32 v43, v38  }
0x298: {  	v47 =	vld [tilespmem:$0xD880];
	v51 =	vadd.s32 $0x15, v9;
	v58 =	vmul.f32 v46, v38;
	v61 =	vmul.f32 v48, v38  }
0x299: {  	v42 =	vld.idx.msk [tilespmem:v60+s22+$0x0], $0xffff;
	v22 =	vmul.f32 v50, v38;
	v12 =	vadd.f32 v49, v12;
	v13 =	vadd.f32 v26, v13  }
0x29a: {  	v60 =	vld [tilespmem:$0xD8D0];
	v15 =	vadd.f32 v53, v15;
	v37 =	vmul.f32 v55, v27;
	v24 =	vmul.f32 v55, v54  }
0x29b: {  	v16 =	vadd.f32 v58, v16;
	v39 =	vmul.f32 v57, v27;
	v41 =	vmul.f32 v57, v54  }
0x29c: {  	v38 =	vld [tilespmem:$0xD860];
	v17 =	vadd.f32 v61, v17;
	v43 =	vmul.f32 v62, v27;
	v45 =	vmul.f32 v62, v54  }
0x29d: {  	v40 =	vld [tilespmem:$0xD870];
	v10 =	vadd.f32 v22, v10;
	v46 =	vmul.f32 v36, v27;
	v48 =	vmul.f32 v36, v54  }
0x29e: {  	v50 =	vld [tilespmem:$0xD890];
	v30 =	vmul.f32 v47, v44;
	v57 =	vmul.f32 v47, v42;
	v18 =	vadd.f32 v37, v18  }
0x29f: {  	v23 =	vmul.f32 v60, v42;
	v12 =	vadd.f32 v24, v12;
	v19 =	vadd.f32 v39, v19  }
0x2a0: {  	v63 =	vld [tilespmem:$0xD8E0];
	v26 =	vmul.f32 v60, v44;
	v13 =	vadd.f32 v41, v13;
	v14 =	vadd.f32 v43, v14  }
0x2a1: {  	v53 =	vld [tilespmem:$0xD8A0];
	v15 =	vadd.f32 v45, v15;
	v21 =	vadd.f32 v46, v21;
	v49 =	vmul.f32 v38, v27  }
0x2a2: {  	v55 =	vld [tilespmem:$0xD8B0];
	v16 =	vadd.f32 v48, v16;
	v52 =	vmul.f32 v38, v54;
	v27 =	vmul.f32 v40, v27  }
0x2a3: {  	v58 =	vld [tilespmem:$0xD8C0];
	v54 =	vmul.f32 v40, v54;
	v59 =	vmul.f32 v50, v42;
	v18 =	vadd.f32 v57, v18  }
0x2a4: {  	v31 =	vld.idx.msk [tilespmem:v56+s22+$0x0], $0xffff;
	v61 =	vmul.f32 v50, v44;
	v12 =	vadd.f32 v30, v12;
	v20 =	vadd.f32 v49, v20  }
0x2a5: {  	v56 =	vld [tilespmem:$0xD950];
	v40 =	vadd.s32 $0x16, v9;
	v17 =	vadd.f32 v52, v17;
	v11 =	vadd.f32 v27, v11  }
0x2a6: {  	v22 =	vld.idx.msk [tilespmem:v51+s22+$0x0], $0xffff;
	v10 =	vadd.f32 v54, v10;
	v62 =	vmul.f32 v53, v42;
	v25 =	vmul.f32 v53, v44  }
0x2a7: {  	v39 =	vld [tilespmem:$0xD900];
	v19 =	vadd.f32 v59, v19;
	v36 =	vmul.f32 v55, v42;
	v29 =	vmul.f32 v55, v44  }
0x2a8: {  	v46 =	vld [tilespmem:$0xD920];
	v13 =	vadd.f32 v61, v13;
	v37 =	vmul.f32 v58, v42;
	v41 =	vmul.f32 v58, v44  }
0x2a9: {  	v48 =	vld [tilespmem:$0xD930];
	v44 =	vadd.s32 $0x896, v9;
	v45 =	vmul.f32 v63, v31;
	v14 =	vadd.f32 v62, v14  }
0x2aa: {  	v38 =	vld [tilespmem:$0xD8F0];
	v59 =	vadd.s32 $0x17, v9;
	v15 =	vadd.f32 v25, v15;
	v21 =	vadd.f32 v36, v21  }
0x2ab: {  	v42 =	vld [tilespmem:$0xD910];
	v16 =	vadd.f32 v29, v16;
	v20 =	vadd.f32 v37, v20;
	v43 =	vmul.f32 v63, v22  }
0x2ac: {  	v52 =	vld [tilespmem:$0xD940];
	v17 =	vadd.f32 v41, v17;
	v11 =	vadd.f32 v23, v11;
	v50 =	vmul.f32 v39, v22  }
0x2ad: {  	v58 =	vld [tilespmem:$0xD960];
	v10 =	vadd.f32 v26, v10;
	v24 =	vmul.f32 v39, v31;
	v55 =	vmul.f32 v46, v22  }
0x2ae: {  	v61 =	vld [tilespmem:$0xD970];
	v12 =	vadd.f32 v45, v12;
	v57 =	vmul.f32 v46, v31;
	v60 =	vmul.f32 v48, v31  }
0x2af: {  	v63 =	vadd.s32 $0x897, v9;
	v46 =	vadd.s32 $0x18, v9;
	v29 =	vld.idx.msk [tilespmem:v40+s22+$0x0], $0xffff;
	v18 =	vadd.f32 v43, v18  }
0x2b0: {  	v37 =	vld [tilespmem:$0xD980];
	v47 =	vmul.f32 v38, v22;
	v14 =	vadd.f32 v50, v14;
	v15 =	vadd.f32 v24, v15  }
0x2b1: {  	v39 =	vld [tilespmem:$0xD990];
	v49 =	vmul.f32 v38, v31;
	v20 =	vadd.f32 v55, v20;
	v17 =	vadd.f32 v57, v17  }
0x2b2: {  	v10 =	vadd.f32 v60, v10;
	v19 =	vadd.f32 v47, v19;
	v51 =	vmul.f32 v42, v22;
	v54 =	vld.idx.msk [tilespmem:v44+s22+$0x0], $0xffff  }
0x2b3: {  	v13 =	vadd.f32 v49, v13;
	v53 =	vmul.f32 v42, v31;
	v22 =	vmul.f32 v48, v22  }
0x2b4: {  	v45 =	vld [tilespmem:$0xD9B0];
	v49 =	vadd.s32 $0x898, v9;
	v21 =	vadd.f32 v51, v21;
	v62 =	vmul.f32 v52, v29  }
0x2b5: {  	v32 =	vld.idx.msk [tilespmem:v59+s22+$0x0], $0xffff;
	v16 =	vadd.f32 v53, v16;
	v38 =	vmul.f32 v56, v29;
	v40 =	vmul.f32 v58, v29  }
0x2b6: {  	v42 =	vld [tilespmem:$0xD9A0];
	v11 =	vadd.f32 v22, v11;
	v41 =	vmul.f32 v61, v29;
	v47 =	vmul.f32 v37, v29  }
0x2b7: {  	v48 =	vld [tilespmem:$0xD9C0];
	v50 =	vmul.f32 v39, v29;
	v36 =	vmul.f32 v52, v54;
	v18 =	vadd.f32 v62, v18  }
0x2b8: {  	v26 =	vmul.f32 v56, v54;
	v25 =	vmul.f32 v58, v54;
	v19 =	vadd.f32 v38, v19  }
0x2b9: {  	v55 =	vld [tilespmem:$0xD9F0];
	v14 =	vadd.f32 v40, v14;
	v21 =	vadd.f32 v41, v21;
	v44 =	vmul.f32 v61, v54  }
0x2ba: {  	v43 =	vld.idx.msk [tilespmem:v63+s22+$0x0], $0xffff;
	v24 =	vmul.f32 v37, v54;
	v27 =	vmul.f32 v39, v54;
	v20 =	vadd.f32 v47, v20  }
0x2bb: {  	v51 =	vld [tilespmem:$0xD9D0];
	v52 =	vmul.f32 v42, v32;
	v11 =	vadd.f32 v50, v11;
	v56 =	vmul.f32 v45, v32  }
0x2bc: {  	v53 =	vld [tilespmem:$0xD9E0];
	v57 =	vmul.f32 v48, v32;
	v12 =	vadd.f32 v36, v12;
	v13 =	vadd.f32 v26, v13  }
0x2bd: {  	v59 =	vld [tilespmem:$0xDA00];
	v39 =	vadd.s32 $0x899, v9;
	v15 =	vadd.f32 v25, v15;
	v16 =	vadd.f32 v44, v16  }
0x2be: {  	v31 =	vld.idx.msk [tilespmem:v49+s22+$0x0], $0xffff;
	v40 =	vmul.f32 v55, v32;
	v17 =	vadd.f32 v24, v17;
	v10 =	vadd.f32 v27, v10  }
0x2bf: {  	v61 =	vld [tilespmem:$0xDA10];
	v54 =	vmul.f32 v42, v43;
	v18 =	vadd.f32 v52, v18;
	v25 =	vmul.f32 v45, v43  }
0x2c0: {  	v38 =	vld [tilespmem:$0xDA20];
	v58 =	vmul.f32 v48, v43;
	v19 =	vadd.f32 v56, v19;
	v60 =	vmul.f32 v51, v32  }
0x2c1: {  	v41 =	vld [tilespmem:$0xDA30];
	v14 =	vadd.f32 v57, v14;
	v62 =	vmul.f32 v51, v43;
	v63 =	vmul.f32 v53, v32  }
0x2c2: {  	v27 =	vld.idx.msk [tilespmem:v46+s22+$0x0], $0xffff;
	v36 =	vadd.s32 $0x19, v9;
	v37 =	vmul.f32 v53, v43;
	v11 =	vadd.f32 v40, v11  }
0x2c3: {  	v22 =	vmul.f32 v55, v43;
	v12 =	vadd.f32 v54, v12;
	v13 =	vadd.f32 v25, v13  }
0x2c4: {  	v43 =	vld [tilespmem:$0xDA40];
	v56 =	vadd.s32 $0x1A, v9;
	v15 =	vadd.f32 v58, v15;
	v21 =	vadd.f32 v60, v21  }
0x2c5: {  	v45 =	vld [tilespmem:$0xDA50];
	v16 =	vadd.f32 v62, v16;
	v20 =	vadd.f32 v63, v20;
	v24 =	vmul.f32 v59, v31  }
0x2c6: {  	v52 =	vld [tilespmem:$0xDA60];
	v17 =	vadd.f32 v37, v17;
	v46 =	vmul.f32 v61, v31;
	v50 =	vmul.f32 v38, v31  }
0x2c7: {  	v55 =	vld [tilespmem:$0xDA70];
	v10 =	vadd.f32 v22, v10;
	v53 =	vmul.f32 v41, v31;
	v42 =	vmul.f32 v59, v27  }
0x2c8: {  	v58 =	vld [tilespmem:$0xDA80];
	v44 =	vmul.f32 v61, v27;
	v12 =	vadd.f32 v24, v12;
	v48 =	vmul.f32 v38, v27  }
0x2c9: {  	v49 =	vld.idx.msk [tilespmem:v39+s22+$0x0], $0xffff;
	v13 =	vadd.f32 v46, v13;
	v51 =	vmul.f32 v41, v27;
	v54 =	vmul.f32 v43, v27  }
0x2ca: {  	v60 =	vld [tilespmem:$0xDA90];
	v15 =	vadd.f32 v50, v15;
	v16 =	vadd.f32 v53, v16;
	v57 =	vmul.f32 v43, v31  }
0x2cb: {  	v63 =	vld [tilespmem:$0xDAA0];
	v27 =	vmul.f32 v45, v27;
	v18 =	vadd.f32 v42, v18;
	v19 =	vadd.f32 v44, v19  }
0x2cc: {  	v47 =	vld.idx.msk [tilespmem:v36+s22+$0x0], $0xffff;
	v59 =	vmul.f32 v45, v31;
	v14 =	vadd.f32 v48, v14;
	v21 =	vadd.f32 v51, v21  }
0x2cd: {  	v39 =	vld [tilespmem:$0xDAC0];
	v61 =	vadd.s32 $0x89A, v9;
	v20 =	vadd.f32 v54, v20;
	v17 =	vadd.f32 v57, v17  }
0x2ce: {  	v36 =	vld [tilespmem:$0xDAB0];
	v11 =	vadd.f32 v27, v11;
	v10 =	vadd.f32 v59, v10;
	v30 =	vmul.f32 v52, v49  }
0x2cf: {  	v22 =	vld.idx.msk [tilespmem:v56+s22+$0x0], $0xffff;
	v44 =	vadd.s32 $0x1B, v9;
	v37 =	vmul.f32 v55, v49;
	v26 =	vmul.f32 v58, v49  }
0x2d0: {  	v43 =	vld [tilespmem:$0xDAE0];
	v48 =	vadd.s32 $0x89B, v9;
	v29 =	vmul.f32 v60, v49;
	v45 =	vmul.f32 v63, v49  }
0x2d1: {  	v46 =	vld [tilespmem:$0xDAF0];
	v62 =	vmul.f32 v52, v47;
	v35 =	vmul.f32 v55, v47;
	v12 =	vadd.f32 v30, v12  }
0x2d2: {  	v42 =	vld [tilespmem:$0xDAD0];
	v38 =	vmul.f32 v58, v47;
	v13 =	vadd.f32 v37, v13;
	v40 =	vmul.f32 v60, v47  }
0x2d3: {  	v50 =	vld [tilespmem:$0xDB00];
	v15 =	vadd.f32 v26, v15;
	v41 =	vmul.f32 v63, v47;
	v23 =	vmul.f32 v36, v47  }
0x2d4: {  	v56 =	vld [tilespmem:$0xDB20];
	v16 =	vadd.f32 v29, v16;
	v25 =	vmul.f32 v36, v49;
	v47 =	vmul.f32 v39, v22  }
0x2d5: {  	v59 =	vld [tilespmem:$0xDB30];
	v17 =	vadd.f32 v45, v17;
	v54 =	vmul.f32 v43, v22;
	v18 =	vadd.f32 v62, v18  }
0x2d6: {  	v31 =	vld.idx.msk [tilespmem:v61+s22+$0x0], $0xffff;
	v55 =	vmul.f32 v46, v22;
	v19 =	vadd.f32 v35, v19;
	v14 =	vadd.f32 v38, v14  }
0x2d7: {  	v52 =	vld [tilespmem:$0xDB10];
	v21 =	vadd.f32 v40, v21;
	v20 =	vadd.f32 v41, v20;
	v51 =	vmul.f32 v42, v22  }
0x2d8: {  	v60 =	vmul.f32 v50, v22;
	v61 =	vld [tilespmem:$0xDB40];
	v11 =	vadd.f32 v23, v11;
	v10 =	vadd.f32 v25, v10  }
0x2d9: {  	v63 =	vld [tilespmem:$0xDB50];
	v36 =	vadd.s32 $0x89C, v9;
	v18 =	vadd.f32 v47, v18;
	v19 =	vadd.f32 v51, v19  }
0x2da: {  	v29 =	vld.idx.msk [tilespmem:v44+s22+$0x0], $0xffff;
	v62 =	vadd.s32 $0x1C, v9;
	v14 =	vadd.f32 v54, v14;
	v21 =	vadd.f32 v55, v21  }
0x2db: {  	v58 =	vld.idx.msk [tilespmem:v48+s22+$0x0], $0xffff;
	v20 =	vadd.f32 v60, v20;
	v49 =	vmul.f32 v39, v31;
	v53 =	vmul.f32 v42, v31  }
0x2dc: {  	v40 =	vld [tilespmem:$0xDB60];
	v54 =	vadd.s32 $0x1D, v9;
	v24 =	vmul.f32 v43, v31;
	v57 =	vmul.f32 v46, v31  }
0x2dd: {  	v55 =	vadd.s32 $0x89D, v9;
	v26 =	vmul.f32 v50, v31;
	v22 =	vmul.f32 v52, v22;
	v42 =	vld [tilespmem:$0xDB70]  }
0x2de: {  	v37 =	vmul.f32 v52, v31;
	v48 =	vld.idx.msk [tilespmem:v36+s22+$0x0], $0xffff;
	v12 =	vadd.f32 v49, v12;
	v13 =	vadd.f32 v53, v13  }
0x2df: {  	v50 =	vld [tilespmem:$0xDB90];
	v15 =	vadd.f32 v24, v15;
	v16 =	vadd.f32 v57, v16;
	v38 =	vmul.f32 v56, v29  }
0x2e0: {  	v17 =	vadd.f32 v26, v17;
	v39 =	vmul.f32 v56, v58;
	v41 =	vmul.f32 v59, v29;
	v45 =	vld.idx.msk [tilespmem:v62+s22+$0x0], $0xffff  }
0x2e1: {  	v11 =	vadd.f32 v22, v11;
	v43 =	vmul.f32 v59, v58;
	v44 =	vmul.f32 v61, v29;
	v49 =	vld [tilespmem:$0xDB80]  }
0x2e2: {  	v10 =	vadd.f32 v37, v10;
	v46 =	vmul.f32 v61, v58;
	v47 =	vmul.f32 v63, v29;
	v53 =	vld [tilespmem:$0xDBA0]  }
0x2e3: {  	v51 =	vmul.f32 v63, v58;
	v57 =	vld [tilespmem:$0xDBB0];
	v18 =	vadd.f32 v38, v18;
	v12 =	vadd.f32 v39, v12  }
0x2e4: {  	v52 =	vmul.f32 v40, v29;
	v59 =	vld [tilespmem:$0xDBC0];
	v19 =	vadd.f32 v41, v19;
	v13 =	vadd.f32 v43, v13  }
0x2e5: {  	v26 =	vmul.f32 v40, v58;
	v61 =	vld [tilespmem:$0xDBD0];
	v14 =	vadd.f32 v44, v14;
	v15 =	vadd.f32 v46, v15  }
0x2e6: {  	v37 =	vld [tilespmem:$0xDBE0];
	v40 =	vadd.s32 $0x1E, v9;
	v21 =	vadd.f32 v47, v21;
	v16 =	vadd.f32 v51, v16  }
0x2e7: {  	v20 =	vadd.f32 v52, v20;
	v17 =	vadd.f32 v26, v17;
	v63 =	vld.idx.msk [tilespmem:v54+s22+$0x0], $0xffff;
	v29 =	vmul.f32 v42, v29  }
0x2e8: {  	v36 =	vld.idx.msk [tilespmem:v55+s22+$0x0], $0xffff;
	v52 =	vadd.s32 $0x1F, v9;
	v56 =	vmul.f32 v42, v58;
	v23 =	vmul.f32 v50, v48  }
0x2e9: {  	v39 =	vld [tilespmem:$0xDBF0];
	v11 =	vadd.f32 v29, v11;
	v58 =	vmul.f32 v49, v45;
	v22 =	vmul.f32 v49, v48  }
0x2ea: {  	v47 =	vld [tilespmem:$0xDC20];
	v10 =	vadd.f32 v56, v10;
	v60 =	vmul.f32 v50, v45;
	v62 =	vmul.f32 v53, v45  }
0x2eb: {  	v54 =	vld [tilespmem:$0xDC40];
	v35 =	vmul.f32 v53, v48;
	v13 =	vadd.f32 v23, v13;
	v38 =	vmul.f32 v57, v45  }
0x2ec: {  	v42 =	vld [tilespmem:$0xDC00];
	v25 =	vmul.f32 v57, v48;
	v41 =	vmul.f32 v59, v45;
	v18 =	vadd.f32 v58, v18  }
0x2ed: {  	v44 =	vmul.f32 v61, v45;
	v45 =	vld [tilespmem:$0xDC10];
	v12 =	vadd.f32 v22, v12;
	v19 =	vadd.f32 v60, v19  }
0x2ee: {  	v43 =	vmul.f32 v59, v48;
	v49 =	vld [tilespmem:$0xDC30];
	v14 =	vadd.f32 v62, v14;
	v15 =	vadd.f32 v35, v15  }
0x2ef: {  	v46 =	vmul.f32 v61, v48;
	v31 =	vld.idx.msk [tilespmem:v40+s22+$0x0], $0xffff;
	v21 =	vadd.f32 v38, v21;
	v16 =	vadd.f32 v25, v16  }
0x2f0: {  	v56 =	vld [tilespmem:$0xDC50];
	v35 =	vadd.s32 $0x89E, v9;
	v20 =	vadd.f32 v41, v20;
	v17 =	vadd.f32 v43, v17  }
0x2f1: {  	v11 =	vadd.f32 v44, v11;
	v48 =	vmul.f32 v37, v63;
	v23 =	vmul.f32 v37, v36;
	v58 =	vld [tilespmem:$0xDC60]  }
0x2f2: {  	v10 =	vadd.f32 v46, v10;
	v50 =	vmul.f32 v39, v63;
	v51 =	vmul.f32 v39, v36;
	v60 =	vld [tilespmem:$0xDC70]  }
0x2f3: {  	v9 =	vadd.s32 $0x89F, v9;
	v59 =	vmul.f32 v47, v63;
	v28 =	vmul.f32 v47, v36;
	v29 =	vld.idx.msk [tilespmem:v52+s22+$0x0], $0xffff  }
0x2f4: {  	v39 =	vld [tilespmem:$0xDCB0];
	v53 =	vmul.f32 v42, v63;
	v18 =	vadd.f32 v48, v18;
	v12 =	vadd.f32 v23, v12  }
0x2f5: {  	v41 =	vld [tilespmem:$0xDC80];
	v55 =	vmul.f32 v42, v36;
	v19 =	vadd.f32 v50, v19;
	v13 =	vadd.f32 v51, v13  }
0x2f6: {  	v43 =	vld [tilespmem:$0xDCC0];
	v20 =	vadd.f32 v59, v20;
	v17 =	vadd.f32 v28, v17;
	v57 =	vmul.f32 v45, v63  }
0x2f7: {  	v14 =	vadd.f32 v53, v14;
	v30 =	vmul.f32 v45, v36;
	v61 =	vmul.f32 v49, v63;
	v63 =	vld [tilespmem:$0xDCA0]  }
0x2f8: {  	v15 =	vadd.f32 v55, v15;
	v62 =	vmul.f32 v49, v36;
	v36 =	vmul.f32 v54, v31;
	v49 =	vld [tilespmem:$0xDCE0]  }
0x2f9: {  	v37 =	vmul.f32 v56, v31;
	v26 =	vld.idx.msk [tilespmem:v35+s22+$0x0], $0xffff;
	v21 =	vadd.f32 v57, v21;
	v16 =	vadd.f32 v30, v16  }
0x2fa: {  	v11 =	vadd.f32 v61, v11;
	v10 =	vadd.f32 v62, v10;
	v40 =	vmul.f32 v58, v31  }
0x2fb: {  	s30 =	sshll.u32 s26, $0xD;
	v9 =	vld.idx.msk [tilespmem:v9+s22+$0x0], $0xffff;
	v18 =	vadd.f32 v36, v18;
	v44 =	vmul.f32 v60, v31;
	v48 =	vmul.f32 v39, v29  }
0x2fc: {  	s31 =	sshll.u32 s25, $0x7;
	s0 =	sshra.s32 s30, $0x2;
	v47 =	vld [tilespmem:$0xDCD0];
	v19 =	vadd.f32 v37, v19;
	v52 =	vmul.f32 v41, v31;
	v53 =	vmul.f32 v43, v29  }
0x2fd: {  	s0 =	sor.u32 s31, s0;
	v51 =	vld [tilespmem:$0xDCF0];
	v14 =	vadd.f32 v40, v14;
	v32 =	vmul.f32 v63, v29;
	v59 =	vmul.f32 v49, v29  }
0x2fe: {  	v45 =	vld [tilespmem:$0xDC90];
	[tilespmem:s0+$0xDE60] =	vst v6;
	v21 =	vadd.f32 v44, v21;
	v25 =	vmul.f32 v54, v26;
	v38 =	vmul.f32 v56, v26  }
0x2ff: {  	[tilespmem:s0+$0xDE70] =	vst v7;
	v19 =	vadd.f32 v48, v19;
	v42 =	vmul.f32 v58, v26;
	v46 =	vmul.f32 v60, v26  }
0x300: {  	[tilespmem:s0+$0xE260] =	vst v6;
	v20 =	vadd.f32 v52, v20;
	v24 =	vmul.f32 v63, v9;
	v50 =	vmul.f32 v39, v9  }
0x301: {  	[tilespmem:s0+$0xE270] =	vst v7;
	v14 =	vadd.f32 v53, v14;
	v54 =	vmul.f32 v41, v26;
	v55 =	vmul.f32 v43, v9  }
0x302: {  	[tilespmem:s0+$0xDE10] =	vst v19;
	v18 =	vadd.f32 v32, v18;
	v56 =	vmul.f32 v47, v29;
	v57 =	vmul.f32 v47, v9  }
0x303: {  	v58 =	vmul.f32 v45, v31;
	v62 =	vadd.f32 v59, v20;
	[tilespmem:s0+$0xDE20] =	vst v14;
	v12 =	vadd.f32 v25, v12  }
0x304: {  	v60 =	vmul.f32 v45, v26;
	v13 =	vadd.f32 v38, v13;
	[tilespmem:s0+$0xDE00] =	vst v18;
	v18 =	vadd.f32 v56, v21  }
0x305: {  	v61 =	vmul.f32 v49, v9;
	v15 =	vadd.f32 v42, v15;
	[tilespmem:s0+$0xDE40] =	vst v62;
	v12 =	vadd.f32 v24, v12  }
0x306: {  	v63 =	vmul.f32 v51, v29;
	v11 =	vadd.f32 v58, v11;
	v13 =	vadd.f32 v50, v13;
	[tilespmem:s0+$0xDE30] =	vst v18  }
0x307: {  	v9 =	vmul.f32 v51, v9;
	v10 =	vadd.f32 v60, v10;
	v15 =	vadd.f32 v55, v15;
	[tilespmem:s0+$0xE200] =	vst v12  }
0x308: {  	p1 =	sne.s32 s24, $0x3F;
	v16 =	vadd.f32 v46, v16;
	v11 =	vadd.f32 v63, v11;
	[tilespmem:s0+$0xE210] =	vst v13  }
.Ltmp1:
0x309: {  	v9 =	vadd.f32 v9, v10;
	v12 =	vadd.f32 v54, v17;
	[tilespmem:s0+$0xE220] =	vst v15;
	(pc) =	sbr.rel @p1 .LBB2_4-.Ltmp1, $4  }
0x30a: {  	v13 =	vadd.f32 v57, v16;
	[tilespmem:s0+$0xDE50] =	vst v11  }
0x30b: {  	[tilespmem:s0+$0xE250] =	vst v9;
	v12 =	vadd.f32 v61, v12  }
0x30c: {  	[tilespmem:s0+$0xE230] =	vst v13  }
0x30d: {  	s24 =	sadd.s32 $0x1, s24;
	[tilespmem:s0+$0xE240] =	vst v12  }
0x30e: {  	s0 =	simm.s32 @p0 $0x0;
	s1 =	simm.s32 @p0 $0xDE00  }
0x30f: {  	[hbm4b:s12+s0] =	stream.linear.scatter @p0 [tilespmem:s1], [sflag:$0x2], $0x3800, $0x38;
	[tilespmem:$0x11E00] =	vst v63  }
0x310: {  	s0 =	simm.s32 @p0 $0x2  }
0x311: {  	_ =	swait.ge @p0 [sflag:s0], $0x3800  }
0x312: {  	s23 =	sadd.s32 $0x1, s23;
	s1 =	simm.s32 @!p0 $0xDE00;
	[sflag:s0] =	ssyncset.done @p0 $0x0  }
0x313: {  	p1 =	sne.s32 s23, s13;
	[sflag:s0] =	ssyncadd.s32 @p0 $0xFFFFC800;
	s0 =	simm.s32 @!p0 $0x0  }
0x314: {  	[hbm4b:s11+s0] =	stream.linear.scatter @!p0 [tilespmem:s1], [sflag:$0x2], $0x4000, $0x38;
	[tilespmem:$0x11E00] =	vst v63  }
.Ltmp2:
0x315: {  	_ = 	snop;
	(pc) =	sbr.rel @p1 .LBB2_1-.Ltmp2, $4  }
0x316: {  	s0 =	simm.s32 @!p0 $0x2  }
0x317: {  	_ =	swait.ge @!p0 [sflag:s0], $0x4000  }
0x318: {  	[sflag:s0] =	ssyncset.done @!p0 $0x0  }
0x319: {  	[sflag:s0] =	ssyncadd.s32 @!p0 $0xFFFFC000  }
0x31a: {  	_ =	sfence.sel $0x180000  }
0x31b: {  	[bflag:$0x0] =	sbarrier.arrive $0xFFFF  }
0x31c: {  	_ =	strace $0x90000047  }
0x31d: {  	s0 =	stileid.u32;
	[bflag:$0x2] =	sbarrier.arrive $0xFFFF  }
0x31e: {  	p0 =	sne.s32 s0, $0x0;
	s0 =	rddreg [dreg:$0x5]  }
0x31f: {  	s0 =	sadd.s32 @!p0 $0x100000, s0  }
0x320: {  	[sflag:s0] =	ssyncadd.tile.s32 @!p0 $0x1;
	_ =	shalt  }
.Lfunc_end2:
_tile_overlayer_lowered:
.L_overlay_start_2:
0x321: {  	(tag) =	ssettag $0x2  }
0x322: {  	s0 =	rddreg [dreg:$0x0];
	s2 =	stileid.u32  }
0x323: {  	s1 =	rddreg [dreg:$0x1];
	p0 =	sne.s32 s2, $0x0  }
0x324: {  	s3 =	rddreg [dreg:$0x2];
	[bflag:$0x3] =	sbarrier.arrive $0xFFFF;
	s2 =	simm.s32 @!p0 $0x1C02  }
0x325: {  	[timem:s3], [sflag:s2] =	dma.local @!p0 [hbm:s0], s1  }
0x326: {  	s0 =	simm.s32 @!p0 $0x2  }
0x327: {  	_ =	swait.ge @!p0 [sflag:s0], s1  }
0x328: {  	s1 =	ssub.s32 @!p0 $0x0, s1;
	[sflag:s0] =	ssyncset.done @!p0 $0x0  }
0x329: {  	[sflag:s0] =	ssyncadd.s32 @!p0 s1  }
0x32a: {  	[bflag:$0x3] =	sbarrier.arrive $0xFFFF  }
0x32b: {  	_ =	shalt  }

</sc_bundles>
